<compile_context>
chip_gen: v7x
topology: tpu7x:2x2x1
jax: 0.10.2.dev20260603
libtpu: 0.0.44.dev20260713+nightly
codegen_flags: <defaults>
</compile_context>

<pallas_src>
import functools

import jax
import jax.numpy as jnp
from jax import lax
from jax.experimental import pallas as pl
from jax.experimental.pallas import tpu as pltpu
from jax.experimental.pallas import tpu_sc as plsc

VOCAB = 100000
DIM = 128

NC = 2
NS = 16
NW = NC * NS

ROWS_PER_CHUNK = 4
NBUF2 = 4
LEAD = NBUF2 // 2
SPLITS = ((0, 104), (104, 96))


def _make_kernel(n_rows: int, m: int):
    ipw = n_rows // NW
    cpw = ipw // ROWS_PER_CHUNK
    cm = ROWS_PER_CHUNK * m
    assert cpw % NBUF2 == 0 and ipw % ROWS_PER_CHUNK == 0 and cm % 8 == 0

    mesh = plsc.VectorSubcoreMesh(core_axis_name="c", subcore_axis_name="s")

    scratch = [pltpu.VMEM((ipw * m,), jnp.int32)]
    scratch += [pltpu.VMEM((cm, DIM), jnp.float32) for _ in range(NBUF2)]
    scratch += [pltpu.SemaphoreType.DMA for _ in range(2 * NBUF2)]

    @functools.partial(
        pl.kernel,
        out_type=jax.ShapeDtypeStruct((n_rows, m, DIM), jnp.float32),
        mesh=mesh,
        scratch_types=scratch,
    )
    def emb_kernel(x_hbm, tab_hbm, out_hbm, idx_v, *rest):
        bufs = rest[:NBUF2]
        gsems = rest[NBUF2:2 * NBUF2]
        ssems = rest[2 * NBUF2:3 * NBUF2]

        wid = lax.axis_index("s") * NC + lax.axis_index("c")
        pltpu.sync_copy(x_hbm.at[wid], idx_v)

        row0 = wid * ipw

        def start_gather(b, g):
            for off, ln in SPLITS:
                pltpu.async_copy(
                    tab_hbm.at[idx_v.at[pl.ds(g * cm + off, ln)]],
                    bufs[b].at[pl.ds(off, ln)], gsems[b])

        def wait_gather(b):
            for off, ln in SPLITS:
                pltpu.make_async_copy(
                    tab_hbm.at[idx_v.at[pl.ds(0, ln)]],
                    bufs[b].at[pl.ds(off, ln)], gsems[b]).wait()

        def start_scatter(b, g):
            i0 = row0 + g * ROWS_PER_CHUNK
            for r in range(ROWS_PER_CHUNK):
                pltpu.async_copy(bufs[b].at[pl.ds(r * m, m)],
                                 out_hbm.at[i0 + r], ssems[b])

        def wait_scatter(b):
            for r in range(ROWS_PER_CHUNK):
                pltpu.make_async_copy(bufs[b].at[pl.ds(r * m, m)],
                                      out_hbm.at[0], ssems[b]).wait()

        def position(b, g, first_round, last_round):
            wait_gather(b)
            start_scatter(b, g)
            b2 = (b + LEAD) % NBUF2
            if not (first_round and b < LEAD):
                wait_scatter(b2)
            if not (last_round and b >= LEAD):
                start_gather(b2, g + LEAD)

        for b in range(LEAD):
            start_gather(b, b)

        for b in range(NBUF2):
            position(b, b, True, False)

        @pl.loop(NBUF2, cpw - NBUF2, step=NBUF2)
        def _(o):
            for b in range(NBUF2):
                position(b, o + b, False, False)

        for b in range(NBUF2):
            position(b, cpw - NBUF2 + b, False, True)

        for b in range(LEAD, NBUF2):
            wait_scatter(b)

    return emb_kernel


def kernel(x, emb):
    n, m = x.shape
    idx = x.reshape(NW, (n // NW) * m).astype(jnp.int32)
    return _make_kernel(n, m)(idx, emb)

# --- scband reference (transcript-rebuilt; emitter-appended) ---
"""Pipeline reference for scband-base-embedding-59279138619566 (READ-ONLY COPY).

The authoritative reference and input builder live on the scoring server;
editing this copy changes nothing except your own understanding.
"""

import jax, jax.numpy as jnp
import numpy as np

VOCAB = 100000
DIM = 128

def setup_inputs(seed: int = 0) -> dict:
    key = jax.random.key(seed)
    k_idx, k_emb = jax.random.split(key)
    x = jax.random.randint(k_idx, (16384, 50), 0, VOCAB, dtype=jnp.int64 if jax.config.jax_enable_x64 else jnp.int32)
    emb = jax.random.normal(k_emb, (VOCAB, DIM), dtype=jnp.float32)
    return {"x": x, "emb": emb}

def reference(x, emb):
    # nn.Embedding forward: gather rows of the table by index
    return jnp.take(emb, x, axis=0)

if __name__ == "__main__":
    import jax
    _d = setup_inputs()
    print(jax.jit(kernel)(*tuple(_d.values())))

</pallas_src>

<mosaic_0001>
#map = affine_map<(d0, d1) -> (0, 0)>
#map1 = affine_map<(d0, d1) -> (0, 0, 0)>
module attributes {stable_mosaic.version = 14 : i64} {
  func.func @emb_kernel(%arg0: i32, %arg1: i32, %arg2: memref<32x25600xi32, #tpu.memory_space<hbm>>, %arg3: memref<100000x128xf32, #tpu.memory_space<hbm>>, %arg4: memref<16384x50x128xf32, #tpu.memory_space<hbm>>, %arg5: memref<25600xi32, #tpu.memory_space<vmem>>, %arg6: memref<200x128xf32, #tpu.memory_space<vmem>>, %arg7: memref<200x128xf32, #tpu.memory_space<vmem>>, %arg8: memref<200x128xf32, #tpu.memory_space<vmem>>, %arg9: memref<200x128xf32, #tpu.memory_space<vmem>>, %arg10: memref<!tpu.dma_semaphore, #tpu.memory_space<semaphore_mem>>, %arg11: memref<!tpu.dma_semaphore, #tpu.memory_space<semaphore_mem>>, %arg12: memref<!tpu.dma_semaphore, #tpu.memory_space<semaphore_mem>>, %arg13: memref<!tpu.dma_semaphore, #tpu.memory_space<semaphore_mem>>, %arg14: memref<!tpu.dma_semaphore, #tpu.memory_space<semaphore_mem>>, %arg15: memref<!tpu.dma_semaphore, #tpu.memory_space<semaphore_mem>>, %arg16: memref<!tpu.dma_semaphore, #tpu.memory_space<semaphore_mem>>, %arg17: memref<!tpu.dma_semaphore, #tpu.memory_space<semaphore_mem>>) attributes {dimension_semantics = [#tpu.dimension_semantics<core_parallel>, #tpu.dimension_semantics<subcore_parallel>], iteration_bounds = array<i64: 2, 16>, scalar_prefetch = 0 : i64, scratch_operands = 13 : i64, tpu.core_type = #tpu.core_type<sc_vector_subcore>, window_params = [{transform_indices = #map}, {transform_indices = #map}, {transform_indices = #map1}]} {
    %mul3A = arith.constant 2 : i32
    %mul3A_0 = arith.muli %arg1, %mul3A : i32
    %add3A = arith.addi %mul3A_0, %arg0 : i32
    "tpu.region"() ({
      %run_scoped3A = tpu.sem_alloc : memref<!tpu.dma_semaphore, #tpu.memory_space<semaphore_mem>>
      %dma_start3A_1269 = arith.constant 0 : i32
      %dma_start3A_1270 = tpu.memref_slice %arg2[%add3A, %dma_start3A_1269] : memref<32x25600xi32, #tpu.memory_space<hbm>> -> memref<1x25600xi32, #tpu.memory_space<hbm>>
      %dma_start3A_1271 = tpu.memref_squeeze %dma_start3A_1270 : memref<1x25600xi32, #tpu.memory_space<hbm>> -> memref<25600xi32, #tpu.memory_space<hbm>>
      %dma_start3A_1272 = arith.constant 0 : i32
      %dma_start3A_1273 = tpu.memref_slice %arg2[%add3A, %dma_start3A_1272] : memref<32x25600xi32, #tpu.memory_space<hbm>> -> memref<1x25600xi32, #tpu.memory_space<hbm>>
      %dma_start3A_1274 = tpu.memref_squeeze %dma_start3A_1273 : memref<1x25600xi32, #tpu.memory_space<hbm>> -> memref<25600xi32, #tpu.memory_space<hbm>>
      tpu.enqueue_dma source(%dma_start3A_1274 : memref<25600xi32, #tpu.memory_space<hbm>>) target(%arg5 : memref<25600xi32, #tpu.memory_space<vmem>>) target_semaphore(%run_scoped3A : memref<!tpu.dma_semaphore, #tpu.memory_space<semaphore_mem>>)
      %dma_wait3A_1275 = arith.constant 0 : i32
      %dma_wait3A_1276 = tpu.memref_slice %arg2[%add3A, %dma_wait3A_1275] : memref<32x25600xi32, #tpu.memory_space<hbm>> -> memref<1x25600xi32, #tpu.memory_space<hbm>>
      %dma_wait3A_1277 = tpu.memref_squeeze %dma_wait3A_1276 : memref<1x25600xi32, #tpu.memory_space<hbm>> -> memref<25600xi32, #tpu.memory_space<hbm>>
      %dma_wait3A_1278 = arith.constant 0 : i32
      %dma_wait3A_1279 = tpu.memref_slice %arg2[%add3A, %dma_wait3A_1278] : memref<32x25600xi32, #tpu.memory_space<hbm>> -> memref<1x25600xi32, #tpu.memory_space<hbm>>
      %dma_wait3A_1280 = tpu.memref_squeeze %dma_wait3A_1279 : memref<1x25600xi32, #tpu.memory_space<hbm>> -> memref<25600xi32, #tpu.memory_space<hbm>>
      tpu.wait_dma2 semaphore(%run_scoped3A : memref<!tpu.dma_semaphore, #tpu.memory_space<semaphore_mem>>) src(%dma_wait3A_1280 : memref<25600xi32, #tpu.memory_space<hbm>>) dst(%arg5 : memref<25600xi32, #tpu.memory_space<vmem>>)
      tpu.yield
    }) : () -> ()
    %mul3A_1 = arith.constant 512 : i32
    %mul3A_2 = arith.muli %add3A, %mul3A_1 : i32
    %dma_start3A = arith.constant 0 : i32
    %dma_start3A_3 = arith.constant 0 : i32
    %dma_start3A_4 = tpu.memref_slice %arg6[%dma_start3A, %dma_start3A_3] : memref<200x128xf32, #tpu.memory_space<vmem>> -> memref<104x128xf32, #tpu.memory_space<vmem>>
    %dma_start3A_5 = arith.constant 0 : i32
    %dma_start3A_6 = tpu.memref_slice %arg5[%dma_start3A_5] : memref<25600xi32, #tpu.memory_space<vmem>> -> memref<104xi32, #tpu.memory_space<vmem>>
    %dma_start3A_7 = arith.constant 0 : i32
    %dma_start3A_8 = arith.constant 0 : i32
    %dma_start3A_9 = tpu.memref_slice %arg3[%dma_start3A_7, %dma_start3A_8] : memref<100000x128xf32, #tpu.memory_space<hbm>> -> memref<100000x128xf32, #tpu.memory_space<hbm>>
    tpu.enqueue_indirect_dma source(%dma_start3A_9 : memref<100000x128xf32, #tpu.memory_space<hbm>>) target(%dma_start3A_4 : memref<104x128xf32, #tpu.memory_space<vmem>>) offsets(%dma_start3A_6 : memref<104xi32, #tpu.memory_space<vmem>>) semaphore(%arg10 : memref<!tpu.dma_semaphore, #tpu.memory_space<semaphore_mem>>)
    %dma_start3A_10 = arith.constant 104 : i32
    %dma_start3A_11 = arith.constant 0 : i32
    %dma_start3A_12 = tpu.memref_slice %arg6[%dma_start3A_10, %dma_start3A_11] : memref<200x128xf32, #tpu.memory_space<vmem>> -> memref<96x128xf32, #tpu.memory_space<vmem>>
    %dma_start3A_13 = arith.constant 104 : i32
    %dma_start3A_14 = tpu.memref_slice %arg5[%dma_start3A_13] : memref<25600xi32, #tpu.memory_space<vmem>> -> memref<96xi32, #tpu.memory_space<vmem>>
    %dma_start3A_15 = arith.constant 0 : i32
    %dma_start3A_16 = arith.constant 0 : i32
    %dma_start3A_17 = tpu.memref_slice %arg3[%dma_start3A_15, %dma_start3A_16] : memref<100000x128xf32, #tpu.memory_space<hbm>> -> memref<100000x128xf32, #tpu.memory_space<hbm>>
    tpu.enqueue_indirect_dma source(%dma_start3A_17 : memref<100000x128xf32, #tpu.memory_space<hbm>>) target(%dma_start3A_12 : memref<96x128xf32, #tpu.memory_space<vmem>>) offsets(%dma_start3A_14 : memref<96xi32, #tpu.memory_space<vmem>>) semaphore(%arg10 : memref<!tpu.dma_semaphore, #tpu.memory_space<semaphore_mem>>)
    %dma_start3A_18 = arith.constant 0 : i32
    %dma_start3A_19 = arith.constant 0 : i32
    %dma_start3A_20 = tpu.memref_slice %arg7[%dma_start3A_18, %dma_start3A_19] : memref<200x128xf32, #tpu.memory_space<vmem>> -> memref<104x128xf32, #tpu.memory_space<vmem>>
    %dma_start3A_21 = arith.constant 200 : i32
    %dma_start3A_22 = tpu.memref_slice %arg5[%dma_start3A_21] : memref<25600xi32, #tpu.memory_space<vmem>> -> memref<104xi32, #tpu.memory_space<vmem>>
    %dma_start3A_23 = arith.constant 0 : i32
    %dma_start3A_24 = arith.constant 0 : i32
    %dma_start3A_25 = tpu.memref_slice %arg3[%dma_start3A_23, %dma_start3A_24] : memref<100000x128xf32, #tpu.memory_space<hbm>> -> memref<100000x128xf32, #tpu.memory_space<hbm>>
    tpu.enqueue_indirect_dma source(%dma_start3A_25 : memref<100000x128xf32, #tpu.memory_space<hbm>>) target(%dma_start3A_20 : memref<104x128xf32, #tpu.memory_space<vmem>>) offsets(%dma_start3A_22 : memref<104xi32, #tpu.memory_space<vmem>>) semaphore(%arg11 : memref<!tpu.dma_semaphore, #tpu.memory_space<semaphore_mem>>)
    %dma_start3A_26 = arith.constant 104 : i32
    %dma_start3A_27 = arith.constant 0 : i32
    %dma_start3A_28 = tpu.memref_slice %arg7[%dma_start3A_26, %dma_start3A_27] : memref<200x128xf32, #tpu.memory_space<vmem>> -> memref<96x128xf32, #tpu.memory_space<vmem>>
    %dma_start3A_29 = arith.constant 304 : i32
    %dma_start3A_30 = tpu.memref_slice %arg5[%dma_start3A_29] : memref<25600xi32, #tpu.memory_space<vmem>> -> memref<96xi32, #tpu.memory_space<vmem>>
    %dma_start3A_31 = arith.constant 0 : i32
    %dma_start3A_32 = arith.constant 0 : i32
    %dma_start3A_33 = tpu.memref_slice %arg3[%dma_start3A_31, %dma_start3A_32] : memref<100000x128xf32, #tpu.memory_space<hbm>> -> memref<100000x128xf32, #tpu.memory_space<hbm>>
    tpu.enqueue_indirect_dma source(%dma_start3A_33 : memref<100000x128xf32, #tpu.memory_space<hbm>>) target(%dma_start3A_28 : memref<96x128xf32, #tpu.memory_space<vmem>>) offsets(%dma_start3A_30 : memref<96xi32, #tpu.memory_space<vmem>>) semaphore(%arg11 : memref<!tpu.dma_semaphore, #tpu.memory_space<semaphore_mem>>)
    %dma_wait3A = arith.constant 0 : i32
    %dma_wait3A_34 = arith.constant 0 : i32
    %dma_wait3A_35 = tpu.memref_slice %arg6[%dma_wait3A, %dma_wait3A_34] : memref<200x128xf32, #tpu.memory_space<vmem>> -> memref<104x128xf32, #tpu.memory_space<vmem>>
    %dma_wait3A_36 = arith.constant 0 : i32
    %dma_wait3A_37 = tpu.memref_slice %arg5[%dma_wait3A_36] : memref<25600xi32, #tpu.memory_space<vmem>> -> memref<104xi32, #tpu.memory_space<vmem>>
    %dma_wait3A_38 = arith.constant 0 : i32
    %dma_wait3A_39 = arith.constant 0 : i32
    %dma_wait3A_40 = tpu.memref_slice %arg3[%dma_wait3A_38, %dma_wait3A_39] : memref<100000x128xf32, #tpu.memory_space<hbm>> -> memref<100000x128xf32, #tpu.memory_space<hbm>>
    tpu.wait_indirect_dma semaphore(%arg10 : memref<!tpu.dma_semaphore, #tpu.memory_space<semaphore_mem>>) src(%dma_wait3A_40 : memref<100000x128xf32, #tpu.memory_space<hbm>>) dst(%dma_wait3A_35 : memref<104x128xf32, #tpu.memory_space<vmem>>)
    %dma_wait3A_41 = arith.constant 104 : i32
    %dma_wait3A_42 = arith.constant 0 : i32
    %dma_wait3A_43 = tpu.memref_slice %arg6[%dma_wait3A_41, %dma_wait3A_42] : memref<200x128xf32, #tpu.memory_space<vmem>> -> memref<96x128xf32, #tpu.memory_space<vmem>>
    %dma_wait3A_44 = arith.constant 0 : i32
    %dma_wait3A_45 = tpu.memref_slice %arg5[%dma_wait3A_44] : memref<25600xi32, #tpu.memory_space<vmem>> -> memref<96xi32, #tpu.memory_space<vmem>>
    %dma_wait3A_46 = arith.constant 0 : i32
    %dma_wait3A_47 = arith.constant 0 : i32
    %dma_wait3A_48 = tpu.memref_slice %arg3[%dma_wait3A_46, %dma_wait3A_47] : memref<100000x128xf32, #tpu.memory_space<hbm>> -> memref<100000x128xf32, #tpu.memory_space<hbm>>
    tpu.wait_indirect_dma semaphore(%arg10 : memref<!tpu.dma_semaphore, #tpu.memory_space<semaphore_mem>>) src(%dma_wait3A_48 : memref<100000x128xf32, #tpu.memory_space<hbm>>) dst(%dma_wait3A_43 : memref<96x128xf32, #tpu.memory_space<vmem>>)
    %add3A_49 = arith.constant 0 : i32
    %add3A_50 = arith.addi %mul3A_2, %add3A_49 : i32
    %add3A_51 = arith.constant 0 : i32
    %add3A_52 = arith.addi %add3A_50, %add3A_51 : i32
    %dma_start3A_53 = arith.constant 0 : i32
    %dma_start3A_54 = arith.constant 0 : i32
    %dma_start3A_55 = tpu.memref_slice %arg6[%dma_start3A_53, %dma_start3A_54] : memref<200x128xf32, #tpu.memory_space<vmem>> -> memref<50x128xf32, #tpu.memory_space<vmem>>
    %dma_start3A_56 = arith.constant 0 : i32
    %dma_start3A_57 = arith.constant 0 : i32
    %dma_start3A_58 = tpu.memref_slice %arg4[%add3A_52, %dma_start3A_56, %dma_start3A_57] : memref<16384x50x128xf32, #tpu.memory_space<hbm>> -> memref<1x50x128xf32, #tpu.memory_space<hbm>>
    %dma_start3A_59 = tpu.memref_squeeze %dma_start3A_58 : memref<1x50x128xf32, #tpu.memory_space<hbm>> -> memref<50x128xf32, #tpu.memory_space<hbm>>
    %dma_start3A_60 = arith.constant 0 : i32
    %dma_start3A_61 = arith.constant 0 : i32
    %dma_start3A_62 = tpu.memref_slice %arg4[%add3A_52, %dma_start3A_60, %dma_start3A_61] : memref<16384x50x128xf32, #tpu.memory_space<hbm>> -> memref<1x50x128xf32, #tpu.memory_space<hbm>>
    %dma_start3A_63 = tpu.memref_squeeze %dma_start3A_62 : memref<1x50x128xf32, #tpu.memory_space<hbm>> -> memref<50x128xf32, #tpu.memory_space<hbm>>
    %dma_start3A_64 = arith.constant 0 : i32
    %dma_start3A_65 = arith.constant 0 : i32
    %dma_start3A_66 = tpu.memref_slice %arg6[%dma_start3A_64, %dma_start3A_65] : memref<200x128xf32, #tpu.memory_space<vmem>> -> memref<50x128xf32, #tpu.memory_space<vmem>>
    tpu.enqueue_dma source(%dma_start3A_66 : memref<50x128xf32, #tpu.memory_space<vmem>>) target(%dma_start3A_63 : memref<50x128xf32, #tpu.memory_space<hbm>>) target_semaphore(%arg14 : memref<!tpu.dma_semaphore, #tpu.memory_space<semaphore_mem>>)
    %add3A_67 = arith.constant 1 : i32
    %add3A_68 = arith.addi %add3A_50, %add3A_67 : i32
    %dma_start3A_69 = arith.constant 50 : i32
    %dma_start3A_70 = arith.constant 0 : i32
    %dma_start3A_71 = tpu.memref_slice %arg6[%dma_start3A_69, %dma_start3A_70] : memref<200x128xf32, #tpu.memory_space<vmem>> -> memref<50x128xf32, #tpu.memory_space<vmem>>
    %dma_start3A_72 = arith.constant 0 : i32
    %dma_start3A_73 = arith.constant 0 : i32
    %dma_start3A_74 = tpu.memref_slice %arg4[%add3A_68, %dma_start3A_72, %dma_start3A_73] : memref<16384x50x128xf32, #tpu.memory_space<hbm>> -> memref<1x50x128xf32, #tpu.memory_space<hbm>>
    %dma_start3A_75 = tpu.memref_squeeze %dma_start3A_74 : memref<1x50x128xf32, #tpu.memory_space<hbm>> -> memref<50x128xf32, #tpu.memory_space<hbm>>
    %dma_start3A_76 = arith.constant 0 : i32
    %dma_start3A_77 = arith.constant 0 : i32
    %dma_start3A_78 = tpu.memref_slice %arg4[%add3A_68, %dma_start3A_76, %dma_start3A_77] : memref<16384x50x128xf32, #tpu.memory_space<hbm>> -> memref<1x50x128xf32, #tpu.memory_space<hbm>>
    %dma_start3A_79 = tpu.memref_squeeze %dma_start3A_78 : memref<1x50x128xf32, #tpu.memory_space<hbm>> -> memref<50x128xf32, #tpu.memory_space<hbm>>
    %dma_start3A_80 = arith.constant 50 : i32
    %dma_start3A_81 = arith.constant 0 : i32
    %dma_start3A_82 = tpu.memref_slice %arg6[%dma_start3A_80, %dma_start3A_81] : memref<200x128xf32, #tpu.memory_space<vmem>> -> memref<50x128xf32, #tpu.memory_space<vmem>>
    tpu.enqueue_dma source(%dma_start3A_82 : memref<50x128xf32, #tpu.memory_space<vmem>>) target(%dma_start3A_79 : memref<50x128xf32, #tpu.memory_space<hbm>>) target_semaphore(%arg14 : memref<!tpu.dma_semaphore, #tpu.memory_space<semaphore_mem>>)
    %add3A_83 = arith.constant 2 : i32
    %add3A_84 = arith.addi %add3A_50, %add3A_83 : i32
    %dma_start3A_85 = arith.constant 100 : i32
    %dma_start3A_86 = arith.constant 0 : i32
    %dma_start3A_87 = tpu.memref_slice %arg6[%dma_start3A_85, %dma_start3A_86] : memref<200x128xf32, #tpu.memory_space<vmem>> -> memref<50x128xf32, #tpu.memory_space<vmem>>
    %dma_start3A_88 = arith.constant 0 : i32
    %dma_start3A_89 = arith.constant 0 : i32
    %dma_start3A_90 = tpu.memref_slice %arg4[%add3A_84, %dma_start3A_88, %dma_start3A_89] : memref<16384x50x128xf32, #tpu.memory_space<hbm>> -> memref<1x50x128xf32, #tpu.memory_space<hbm>>
    %dma_start3A_91 = tpu.memref_squeeze %dma_start3A_90 : memref<1x50x128xf32, #tpu.memory_space<hbm>> -> memref<50x128xf32, #tpu.memory_space<hbm>>
    %dma_start3A_92 = arith.constant 0 : i32
    %dma_start3A_93 = arith.constant 0 : i32
    %dma_start3A_94 = tpu.memref_slice %arg4[%add3A_84, %dma_start3A_92, %dma_start3A_93] : memref<16384x50x128xf32, #tpu.memory_space<hbm>> -> memref<1x50x128xf32, #tpu.memory_space<hbm>>
    %dma_start3A_95 = tpu.memref_squeeze %dma_start3A_94 : memref<1x50x128xf32, #tpu.memory_space<hbm>> -> memref<50x128xf32, #tpu.memory_space<hbm>>
    %dma_start3A_96 = arith.constant 100 : i32
    %dma_start3A_97 = arith.constant 0 : i32
    %dma_start3A_98 = tpu.memref_slice %arg6[%dma_start3A_96, %dma_start3A_97] : memref<200x128xf32, #tpu.memory_space<vmem>> -> memref<50x128xf32, #tpu.memory_space<vmem>>
    tpu.enqueue_dma source(%dma_start3A_98 : memref<50x128xf32, #tpu.memory_space<vmem>>) target(%dma_start3A_95 : memref<50x128xf32, #tpu.memory_space<hbm>>) target_semaphore(%arg14 : memref<!tpu.dma_semaphore, #tpu.memory_space<semaphore_mem>>)
    %add3A_99 = arith.constant 3 : i32
    %add3A_100 = arith.addi %add3A_50, %add3A_99 : i32
    %dma_start3A_101 = arith.constant 150 : i32
    %dma_start3A_102 = arith.constant 0 : i32
    %dma_start3A_103 = tpu.memref_slice %arg6[%dma_start3A_101, %dma_start3A_102] : memref<200x128xf32, #tpu.memory_space<vmem>> -> memref<50x128xf32, #tpu.memory_space<vmem>>
    %dma_start3A_104 = arith.constant 0 : i32
    %dma_start3A_105 = arith.constant 0 : i32
    %dma_start3A_106 = tpu.memref_slice %arg4[%add3A_100, %dma_start3A_104, %dma_start3A_105] : memref<16384x50x128xf32, #tpu.memory_space<hbm>> -> memref<1x50x128xf32, #tpu.memory_space<hbm>>
    %dma_start3A_107 = tpu.memref_squeeze %dma_start3A_106 : memref<1x50x128xf32, #tpu.memory_space<hbm>> -> memref<50x128xf32, #tpu.memory_space<hbm>>
    %dma_start3A_108 = arith.constant 0 : i32
    %dma_start3A_109 = arith.constant 0 : i32
    %dma_start3A_110 = tpu.memref_slice %arg4[%add3A_100, %dma_start3A_108, %dma_start3A_109] : memref<16384x50x128xf32, #tpu.memory_space<hbm>> -> memref<1x50x128xf32, #tpu.memory_space<hbm>>
    %dma_start3A_111 = tpu.memref_squeeze %dma_start3A_110 : memref<1x50x128xf32, #tpu.memory_space<hbm>> -> memref<50x128xf32, #tpu.memory_space<hbm>>
    %dma_start3A_112 = arith.constant 150 : i32
    %dma_start3A_113 = arith.constant 0 : i32
    %dma_start3A_114 = tpu.memref_slice %arg6[%dma_start3A_112, %dma_start3A_113] : memref<200x128xf32, #tpu.memory_space<vmem>> -> memref<50x128xf32, #tpu.memory_space<vmem>>
    tpu.enqueue_dma source(%dma_start3A_114 : memref<50x128xf32, #tpu.memory_space<vmem>>) target(%dma_start3A_111 : memref<50x128xf32, #tpu.memory_space<hbm>>) target_semaphore(%arg14 : memref<!tpu.dma_semaphore, #tpu.memory_space<semaphore_mem>>)
    %dma_start3A_115 = arith.constant 0 : i32
    %dma_start3A_116 = arith.constant 0 : i32
    %dma_start3A_117 = tpu.memref_slice %arg8[%dma_start3A_115, %dma_start3A_116] : memref<200x128xf32, #tpu.memory_space<vmem>> -> memref<104x128xf32, #tpu.memory_space<vmem>>
    %dma_start3A_118 = arith.constant 400 : i32
    %dma_start3A_119 = tpu.memref_slice %arg5[%dma_start3A_118] : memref<25600xi32, #tpu.memory_space<vmem>> -> memref<104xi32, #tpu.memory_space<vmem>>
    %dma_start3A_120 = arith.constant 0 : i32
    %dma_start3A_121 = arith.constant 0 : i32
    %dma_start3A_122 = tpu.memref_slice %arg3[%dma_start3A_120, %dma_start3A_121] : memref<100000x128xf32, #tpu.memory_space<hbm>> -> memref<100000x128xf32, #tpu.memory_space<hbm>>
    tpu.enqueue_indirect_dma source(%dma_start3A_122 : memref<100000x128xf32, #tpu.memory_space<hbm>>) target(%dma_start3A_117 : memref<104x128xf32, #tpu.memory_space<vmem>>) offsets(%dma_start3A_119 : memref<104xi32, #tpu.memory_space<vmem>>) semaphore(%arg12 : memref<!tpu.dma_semaphore, #tpu.memory_space<semaphore_mem>>)
    %dma_start3A_123 = arith.constant 104 : i32
    %dma_start3A_124 = arith.constant 0 : i32
    %dma_start3A_125 = tpu.memref_slice %arg8[%dma_start3A_123, %dma_start3A_124] : memref<200x128xf32, #tpu.memory_space<vmem>> -> memref<96x128xf32, #tpu.memory_space<vmem>>
    %dma_start3A_126 = arith.constant 504 : i32
    %dma_start3A_127 = tpu.memref_slice %arg5[%dma_start3A_126] : memref<25600xi32, #tpu.memory_space<vmem>> -> memref<96xi32, #tpu.memory_space<vmem>>
    %dma_start3A_128 = arith.constant 0 : i32
    %dma_start3A_129 = arith.constant 0 : i32
    %dma_start3A_130 = tpu.memref_slice %arg3[%dma_start3A_128, %dma_start3A_129] : memref<100000x128xf32, #tpu.memory_space<hbm>> -> memref<100000x128xf32, #tpu.memory_space<hbm>>
    tpu.enqueue_indirect_dma source(%dma_start3A_130 : memref<100000x128xf32, #tpu.memory_space<hbm>>) target(%dma_start3A_125 : memref<96x128xf32, #tpu.memory_space<vmem>>) offsets(%dma_start3A_127 : memref<96xi32, #tpu.memory_space<vmem>>) semaphore(%arg12 : memref<!tpu.dma_semaphore, #tpu.memory_space<semaphore_mem>>)
    %dma_wait3A_131 = arith.constant 0 : i32
    %dma_wait3A_132 = arith.constant 0 : i32
    %dma_wait3A_133 = tpu.memref_slice %arg7[%dma_wait3A_131, %dma_wait3A_132] : memref<200x128xf32, #tpu.memory_space<vmem>> -> memref<104x128xf32, #tpu.memory_space<vmem>>
    %dma_wait3A_134 = arith.constant 0 : i32
    %dma_wait3A_135 = tpu.memref_slice %arg5[%dma_wait3A_134] : memref<25600xi32, #tpu.memory_space<vmem>> -> memref<104xi32, #tpu.memory_space<vmem>>
    %dma_wait3A_136 = arith.constant 0 : i32
    %dma_wait3A_137 = arith.constant 0 : i32
    %dma_wait3A_138 = tpu.memref_slice %arg3[%dma_wait3A_136, %dma_wait3A_137] : memref<100000x128xf32, #tpu.memory_space<hbm>> -> memref<100000x128xf32, #tpu.memory_space<hbm>>
    tpu.wait_indirect_dma semaphore(%arg11 : memref<!tpu.dma_semaphore, #tpu.memory_space<semaphore_mem>>) src(%dma_wait3A_138 : memref<100000x128xf32, #tpu.memory_space<hbm>>) dst(%dma_wait3A_133 : memref<104x128xf32, #tpu.memory_space<vmem>>)
    %dma_wait3A_139 = arith.constant 104 : i32
    %dma_wait3A_140 = arith.constant 0 : i32
    %dma_wait3A_141 = tpu.memref_slice %arg7[%dma_wait3A_139, %dma_wait3A_140] : memref<200x128xf32, #tpu.memory_space<vmem>> -> memref<96x128xf32, #tpu.memory_space<vmem>>
    %dma_wait3A_142 = arith.constant 0 : i32
    %dma_wait3A_143 = tpu.memref_slice %arg5[%dma_wait3A_142] : memref<25600xi32, #tpu.memory_space<vmem>> -> memref<96xi32, #tpu.memory_space<vmem>>
    %dma_wait3A_144 = arith.constant 0 : i32
    %dma_wait3A_145 = arith.constant 0 : i32
    %dma_wait3A_146 = tpu.memref_slice %arg3[%dma_wait3A_144, %dma_wait3A_145] : memref<100000x128xf32, #tpu.memory_space<hbm>> -> memref<100000x128xf32, #tpu.memory_space<hbm>>
    tpu.wait_indirect_dma semaphore(%arg11 : memref<!tpu.dma_semaphore, #tpu.memory_space<semaphore_mem>>) src(%dma_wait3A_146 : memref<100000x128xf32, #tpu.memory_space<hbm>>) dst(%dma_wait3A_141 : memref<96x128xf32, #tpu.memory_space<vmem>>)
    %add3A_147 = arith.constant 4 : i32
    %add3A_148 = arith.addi %mul3A_2, %add3A_147 : i32
    %add3A_149 = arith.constant 0 : i32
    %add3A_150 = arith.addi %add3A_148, %add3A_149 : i32
    %dma_start3A_151 = arith.constant 0 : i32
    %dma_start3A_152 = arith.constant 0 : i32
    %dma_start3A_153 = tpu.memref_slice %arg7[%dma_start3A_151, %dma_start3A_152] : memref<200x128xf32, #tpu.memory_space<vmem>> -> memref<50x128xf32, #tpu.memory_space<vmem>>
    %dma_start3A_154 = arith.constant 0 : i32
    %dma_start3A_155 = arith.constant 0 : i32
    %dma_start3A_156 = tpu.memref_slice %arg4[%add3A_150, %dma_start3A_154, %dma_start3A_155] : memref<16384x50x128xf32, #tpu.memory_space<hbm>> -> memref<1x50x128xf32, #tpu.memory_space<hbm>>
    %dma_start3A_157 = tpu.memref_squeeze %dma_start3A_156 : memref<1x50x128xf32, #tpu.memory_space<hbm>> -> memref<50x128xf32, #tpu.memory_space<hbm>>
    %dma_start3A_158 = arith.constant 0 : i32
    %dma_start3A_159 = arith.constant 0 : i32
    %dma_start3A_160 = tpu.memref_slice %arg4[%add3A_150, %dma_start3A_158, %dma_start3A_159] : memref<16384x50x128xf32, #tpu.memory_space<hbm>> -> memref<1x50x128xf32, #tpu.memory_space<hbm>>
    %dma_start3A_161 = tpu.memref_squeeze %dma_start3A_160 : memref<1x50x128xf32, #tpu.memory_space<hbm>> -> memref<50x128xf32, #tpu.memory_space<hbm>>
    %dma_start3A_162 = arith.constant 0 : i32
    %dma_start3A_163 = arith.constant 0 : i32
    %dma_start3A_164 = tpu.memref_slice %arg7[%dma_start3A_162, %dma_start3A_163] : memref<200x128xf32, #tpu.memory_space<vmem>> -> memref<50x128xf32, #tpu.memory_space<vmem>>
    tpu.enqueue_dma source(%dma_start3A_164 : memref<50x128xf32, #tpu.memory_space<vmem>>) target(%dma_start3A_161 : memref<50x128xf32, #tpu.memory_space<hbm>>) target_semaphore(%arg15 : memref<!tpu.dma_semaphore, #tpu.memory_space<semaphore_mem>>)
    %add3A_165 = arith.constant 1 : i32
    %add3A_166 = arith.addi %add3A_148, %add3A_165 : i32
    %dma_start3A_167 = arith.constant 50 : i32
    %dma_start3A_168 = arith.constant 0 : i32
    %dma_start3A_169 = tpu.memref_slice %arg7[%dma_start3A_167, %dma_start3A_168] : memref<200x128xf32, #tpu.memory_space<vmem>> -> memref<50x128xf32, #tpu.memory_space<vmem>>
    %dma_start3A_170 = arith.constant 0 : i32
    %dma_start3A_171 = arith.constant 0 : i32
    %dma_start3A_172 = tpu.memref_slice %arg4[%add3A_166, %dma_start3A_170, %dma_start3A_171] : memref<16384x50x128xf32, #tpu.memory_space<hbm>> -> memref<1x50x128xf32, #tpu.memory_space<hbm>>
    %dma_start3A_173 = tpu.memref_squeeze %dma_start3A_172 : memref<1x50x128xf32, #tpu.memory_space<hbm>> -> memref<50x128xf32, #tpu.memory_space<hbm>>
    %dma_start3A_174 = arith.constant 0 : i32
    %dma_start3A_175 = arith.constant 0 : i32
    %dma_start3A_176 = tpu.memref_slice %arg4[%add3A_166, %dma_start3A_174, %dma_start3A_175] : memref<16384x50x128xf32, #tpu.memory_space<hbm>> -> memref<1x50x128xf32, #tpu.memory_space<hbm>>
    %dma_start3A_177 = tpu.memref_squeeze %dma_start3A_176 : memref<1x50x128xf32, #tpu.memory_space<hbm>> -> memref<50x128xf32, #tpu.memory_space<hbm>>
    %dma_start3A_178 = arith.constant 50 : i32
    %dma_start3A_179 = arith.constant 0 : i32
    %dma_start3A_180 = tpu.memref_slice %arg7[%dma_start3A_178, %dma_start3A_179] : memref<200x128xf32, #tpu.memory_space<vmem>> -> memref<50x128xf32, #tpu.memory_space<vmem>>
    tpu.enqueue_dma source(%dma_start3A_180 : memref<50x128xf32, #tpu.memory_space<vmem>>) target(%dma_start3A_177 : memref<50x128xf32, #tpu.memory_space<hbm>>) target_semaphore(%arg15 : memref<!tpu.dma_semaphore, #tpu.memory_space<semaphore_mem>>)
    %add3A_181 = arith.constant 2 : i32
    %add3A_182 = arith.addi %add3A_148, %add3A_181 : i32
    %dma_start3A_183 = arith.constant 100 : i32
    %dma_start3A_184 = arith.constant 0 : i32
    %dma_start3A_185 = tpu.memref_slice %arg7[%dma_start3A_183, %dma_start3A_184] : memref<200x128xf32, #tpu.memory_space<vmem>> -> memref<50x128xf32, #tpu.memory_space<vmem>>
    %dma_start3A_186 = arith.constant 0 : i32
    %dma_start3A_187 = arith.constant 0 : i32
    %dma_start3A_188 = tpu.memref_slice %arg4[%add3A_182, %dma_start3A_186, %dma_start3A_187] : memref<16384x50x128xf32, #tpu.memory_space<hbm>> -> memref<1x50x128xf32, #tpu.memory_space<hbm>>
    %dma_start3A_189 = tpu.memref_squeeze %dma_start3A_188 : memref<1x50x128xf32, #tpu.memory_space<hbm>> -> memref<50x128xf32, #tpu.memory_space<hbm>>
    %dma_start3A_190 = arith.constant 0 : i32
    %dma_start3A_191 = arith.constant 0 : i32
    %dma_start3A_192 = tpu.memref_slice %arg4[%add3A_182, %dma_start3A_190, %dma_start3A_191] : memref<16384x50x128xf32, #tpu.memory_space<hbm>> -> memref<1x50x128xf32, #tpu.memory_space<hbm>>
    %dma_start3A_193 = tpu.memref_squeeze %dma_start3A_192 : memref<1x50x128xf32, #tpu.memory_space<hbm>> -> memref<50x128xf32, #tpu.memory_space<hbm>>
    %dma_start3A_194 = arith.constant 100 : i32
    %dma_start3A_195 = arith.constant 0 : i32
    %dma_start3A_196 = tpu.memref_slice %arg7[%dma_start3A_194, %dma_start3A_195] : memref<200x128xf32, #tpu.memory_space<vmem>> -> memref<50x128xf32, #tpu.memory_space<vmem>>
    tpu.enqueue_dma source(%dma_start3A_196 : memref<50x128xf32, #tpu.memory_space<vmem>>) target(%dma_start3A_193 : memref<50x128xf32, #tpu.memory_space<hbm>>) target_semaphore(%arg15 : memref<!tpu.dma_semaphore, #tpu.memory_space<semaphore_mem>>)
    %add3A_197 = arith.constant 3 : i32
    %add3A_198 = arith.addi %add3A_148, %add3A_197 : i32
    %dma_start3A_199 = arith.constant 150 : i32
    %dma_start3A_200 = arith.constant 0 : i32
    %dma_start3A_201 = tpu.memref_slice %arg7[%dma_start3A_199, %dma_start3A_200] : memref<200x128xf32, #tpu.memory_space<vmem>> -> memref<50x128xf32, #tpu.memory_space<vmem>>
    %dma_start3A_202 = arith.constant 0 : i32
    %dma_start3A_203 = arith.constant 0 : i32
    %dma_start3A_204 = tpu.memref_slice %arg4[%add3A_198, %dma_start3A_202, %dma_start3A_203] : memref<16384x50x128xf32, #tpu.memory_space<hbm>> -> memref<1x50x128xf32, #tpu.memory_space<hbm>>
    %dma_start3A_205 = tpu.memref_squeeze %dma_start3A_204 : memref<1x50x128xf32, #tpu.memory_space<hbm>> -> memref<50x128xf32, #tpu.memory_space<hbm>>
    %dma_start3A_206 = arith.constant 0 : i32
    %dma_start3A_207 = arith.constant 0 : i32
    %dma_start3A_208 = tpu.memref_slice %arg4[%add3A_198, %dma_start3A_206, %dma_start3A_207] : memref<16384x50x128xf32, #tpu.memory_space<hbm>> -> memref<1x50x128xf32, #tpu.memory_space<hbm>>
    %dma_start3A_209 = tpu.memref_squeeze %dma_start3A_208 : memref<1x50x128xf32, #tpu.memory_space<hbm>> -> memref<50x128xf32, #tpu.memory_space<hbm>>
    %dma_start3A_210 = arith.constant 150 : i32
    %dma_start3A_211 = arith.constant 0 : i32
    %dma_start3A_212 = tpu.memref_slice %arg7[%dma_start3A_210, %dma_start3A_211] : memref<200x128xf32, #tpu.memory_space<vmem>> -> memref<50x128xf32, #tpu.memory_space<vmem>>
    tpu.enqueue_dma source(%dma_start3A_212 : memref<50x128xf32, #tpu.memory_space<vmem>>) target(%dma_start3A_209 : memref<50x128xf32, #tpu.memory_space<hbm>>) target_semaphore(%arg15 : memref<!tpu.dma_semaphore, #tpu.memory_space<semaphore_mem>>)
    %dma_start3A_213 = arith.constant 0 : i32
    %dma_start3A_214 = arith.constant 0 : i32
    %dma_start3A_215 = tpu.memref_slice %arg9[%dma_start3A_213, %dma_start3A_214] : memref<200x128xf32, #tpu.memory_space<vmem>> -> memref<104x128xf32, #tpu.memory_space<vmem>>
    %dma_start3A_216 = arith.constant 600 : i32
    %dma_start3A_217 = tpu.memref_slice %arg5[%dma_start3A_216] : memref<25600xi32, #tpu.memory_space<vmem>> -> memref<104xi32, #tpu.memory_space<vmem>>
    %dma_start3A_218 = arith.constant 0 : i32
    %dma_start3A_219 = arith.constant 0 : i32
    %dma_start3A_220 = tpu.memref_slice %arg3[%dma_start3A_218, %dma_start3A_219] : memref<100000x128xf32, #tpu.memory_space<hbm>> -> memref<100000x128xf32, #tpu.memory_space<hbm>>
    tpu.enqueue_indirect_dma source(%dma_start3A_220 : memref<100000x128xf32, #tpu.memory_space<hbm>>) target(%dma_start3A_215 : memref<104x128xf32, #tpu.memory_space<vmem>>) offsets(%dma_start3A_217 : memref<104xi32, #tpu.memory_space<vmem>>) semaphore(%arg13 : memref<!tpu.dma_semaphore, #tpu.memory_space<semaphore_mem>>)
    %dma_start3A_221 = arith.constant 104 : i32
    %dma_start3A_222 = arith.constant 0 : i32
    %dma_start3A_223 = tpu.memref_slice %arg9[%dma_start3A_221, %dma_start3A_222] : memref<200x128xf32, #tpu.memory_space<vmem>> -> memref<96x128xf32, #tpu.memory_space<vmem>>
    %dma_start3A_224 = arith.constant 704 : i32
    %dma_start3A_225 = tpu.memref_slice %arg5[%dma_start3A_224] : memref<25600xi32, #tpu.memory_space<vmem>> -> memref<96xi32, #tpu.memory_space<vmem>>
    %dma_start3A_226 = arith.constant 0 : i32
    %dma_start3A_227 = arith.constant 0 : i32
    %dma_start3A_228 = tpu.memref_slice %arg3[%dma_start3A_226, %dma_start3A_227] : memref<100000x128xf32, #tpu.memory_space<hbm>> -> memref<100000x128xf32, #tpu.memory_space<hbm>>
    tpu.enqueue_indirect_dma source(%dma_start3A_228 : memref<100000x128xf32, #tpu.memory_space<hbm>>) target(%dma_start3A_223 : memref<96x128xf32, #tpu.memory_space<vmem>>) offsets(%dma_start3A_225 : memref<96xi32, #tpu.memory_space<vmem>>) semaphore(%arg13 : memref<!tpu.dma_semaphore, #tpu.memory_space<semaphore_mem>>)
    %dma_wait3A_229 = arith.constant 0 : i32
    %dma_wait3A_230 = arith.constant 0 : i32
    %dma_wait3A_231 = tpu.memref_slice %arg8[%dma_wait3A_229, %dma_wait3A_230] : memref<200x128xf32, #tpu.memory_space<vmem>> -> memref<104x128xf32, #tpu.memory_space<vmem>>
    %dma_wait3A_232 = arith.constant 0 : i32
    %dma_wait3A_233 = tpu.memref_slice %arg5[%dma_wait3A_232] : memref<25600xi32, #tpu.memory_space<vmem>> -> memref<104xi32, #tpu.memory_space<vmem>>
    %dma_wait3A_234 = arith.constant 0 : i32
    %dma_wait3A_235 = arith.constant 0 : i32
    %dma_wait3A_236 = tpu.memref_slice %arg3[%dma_wait3A_234, %dma_wait3A_235] : memref<100000x128xf32, #tpu.memory_space<hbm>> -> memref<100000x128xf32, #tpu.memory_space<hbm>>
    tpu.wait_indirect_dma semaphore(%arg12 : memref<!tpu.dma_semaphore, #tpu.memory_space<semaphore_mem>>) src(%dma_wait3A_236 : memref<100000x128xf32, #tpu.memory_space<hbm>>) dst(%dma_wait3A_231 : memref<104x128xf32, #tpu.memory_space<vmem>>)
    %dma_wait3A_237 = arith.constant 104 : i32
    %dma_wait3A_238 = arith.constant 0 : i32
    %dma_wait3A_239 = tpu.memref_slice %arg8[%dma_wait3A_237, %dma_wait3A_238] : memref<200x128xf32, #tpu.memory_space<vmem>> -> memref<96x128xf32, #tpu.memory_space<vmem>>
    %dma_wait3A_240 = arith.constant 0 : i32
    %dma_wait3A_241 = tpu.memref_slice %arg5[%dma_wait3A_240] : memref<25600xi32, #tpu.memory_space<vmem>> -> memref<96xi32, #tpu.memory_space<vmem>>
    %dma_wait3A_242 = arith.constant 0 : i32
    %dma_wait3A_243 = arith.constant 0 : i32
    %dma_wait3A_244 = tpu.memref_slice %arg3[%dma_wait3A_242, %dma_wait3A_243] : memref<100000x128xf32, #tpu.memory_space<hbm>> -> memref<100000x128xf32, #tpu.memory_space<hbm>>
    tpu.wait_indirect_dma semaphore(%arg12 : memref<!tpu.dma_semaphore, #tpu.memory_space<semaphore_mem>>) src(%dma_wait3A_244 : memref<100000x128xf32, #tpu.memory_space<hbm>>) dst(%dma_wait3A_239 : memref<96x128xf32, #tpu.memory_space<vmem>>)
    %add3A_245 = arith.constant 8 : i32
    %add3A_246 = arith.addi %mul3A_2, %add3A_245 : i32
    %add3A_247 = arith.constant 0 : i32
    %add3A_248 = arith.addi %add3A_246, %add3A_247 : i32
    %dma_start3A_249 = arith.constant 0 : i32
    %dma_start3A_250 = arith.constant 0 : i32
    %dma_start3A_251 = tpu.memref_slice %arg8[%dma_start3A_249, %dma_start3A_250] : memref<200x128xf32, #tpu.memory_space<vmem>> -> memref<50x128xf32, #tpu.memory_space<vmem>>
    %dma_start3A_252 = arith.constant 0 : i32
    %dma_start3A_253 = arith.constant 0 : i32
    %dma_start3A_254 = tpu.memref_slice %arg4[%add3A_248, %dma_start3A_252, %dma_start3A_253] : memref<16384x50x128xf32, #tpu.memory_space<hbm>> -> memref<1x50x128xf32, #tpu.memory_space<hbm>>
    %dma_start3A_255 = tpu.memref_squeeze %dma_start3A_254 : memref<1x50x128xf32, #tpu.memory_space<hbm>> -> memref<50x128xf32, #tpu.memory_space<hbm>>
    %dma_start3A_256 = arith.constant 0 : i32
    %dma_start3A_257 = arith.constant 0 : i32
    %dma_start3A_258 = tpu.memref_slice %arg4[%add3A_248, %dma_start3A_256, %dma_start3A_257] : memref<16384x50x128xf32, #tpu.memory_space<hbm>> -> memref<1x50x128xf32, #tpu.memory_space<hbm>>
    %dma_start3A_259 = tpu.memref_squeeze %dma_start3A_258 : memref<1x50x128xf32, #tpu.memory_space<hbm>> -> memref<50x128xf32, #tpu.memory_space<hbm>>
    %dma_start3A_260 = arith.constant 0 : i32
    %dma_start3A_261 = arith.constant 0 : i32
    %dma_start3A_262 = tpu.memref_slice %arg8[%dma_start3A_260, %dma_start3A_261] : memref<200x128xf32, #tpu.memory_space<vmem>> -> memref<50x128xf32, #tpu.memory_space<vmem>>
    tpu.enqueue_dma source(%dma_start3A_262 : memref<50x128xf32, #tpu.memory_space<vmem>>) target(%dma_start3A_259 : memref<50x128xf32, #tpu.memory_space<hbm>>) target_semaphore(%arg16 : memref<!tpu.dma_semaphore, #tpu.memory_space<semaphore_mem>>)
    %add3A_263 = arith.constant 1 : i32
    %add3A_264 = arith.addi %add3A_246, %add3A_263 : i32
    %dma_start3A_265 = arith.constant 50 : i32
    %dma_start3A_266 = arith.constant 0 : i32
    %dma_start3A_267 = tpu.memref_slice %arg8[%dma_start3A_265, %dma_start3A_266] : memref<200x128xf32, #tpu.memory_space<vmem>> -> memref<50x128xf32, #tpu.memory_space<vmem>>
    %dma_start3A_268 = arith.constant 0 : i32
    %dma_start3A_269 = arith.constant 0 : i32
    %dma_start3A_270 = tpu.memref_slice %arg4[%add3A_264, %dma_start3A_268, %dma_start3A_269] : memref<16384x50x128xf32, #tpu.memory_space<hbm>> -> memref<1x50x128xf32, #tpu.memory_space<hbm>>
    %dma_start3A_271 = tpu.memref_squeeze %dma_start3A_270 : memref<1x50x128xf32, #tpu.memory_space<hbm>> -> memref<50x128xf32, #tpu.memory_space<hbm>>
    %dma_start3A_272 = arith.constant 0 : i32
    %dma_start3A_273 = arith.constant 0 : i32
    %dma_start3A_274 = tpu.memref_slice %arg4[%add3A_264, %dma_start3A_272, %dma_start3A_273] : memref<16384x50x128xf32, #tpu.memory_space<hbm>> -> memref<1x50x128xf32, #tpu.memory_space<hbm>>
    %dma_start3A_275 = tpu.memref_squeeze %dma_start3A_274 : memref<1x50x128xf32, #tpu.memory_space<hbm>> -> memref<50x128xf32, #tpu.memory_space<hbm>>
    %dma_start3A_276 = arith.constant 50 : i32
    %dma_start3A_277 = arith.constant 0 : i32
    %dma_start3A_278 = tpu.memref_slice %arg8[%dma_start3A_276, %dma_start3A_277] : memref<200x128xf32, #tpu.memory_space<vmem>> -> memref<50x128xf32, #tpu.memory_space<vmem>>
    tpu.enqueue_dma source(%dma_start3A_278 : memref<50x128xf32, #tpu.memory_space<vmem>>) target(%dma_start3A_275 : memref<50x128xf32, #tpu.memory_space<hbm>>) target_semaphore(%arg16 : memref<!tpu.dma_semaphore, #tpu.memory_space<semaphore_mem>>)
    %add3A_279 = arith.constant 2 : i32
    %add3A_280 = arith.addi %add3A_246, %add3A_279 : i32
    %dma_start3A_281 = arith.constant 100 : i32
    %dma_start3A_282 = arith.constant 0 : i32
    %dma_start3A_283 = tpu.memref_slice %arg8[%dma_start3A_281, %dma_start3A_282] : memref<200x128xf32, #tpu.memory_space<vmem>> -> memref<50x128xf32, #tpu.memory_space<vmem>>
    %dma_start3A_284 = arith.constant 0 : i32
    %dma_start3A_285 = arith.constant 0 : i32
    %dma_start3A_286 = tpu.memref_slice %arg4[%add3A_280, %dma_start3A_284, %dma_start3A_285] : memref<16384x50x128xf32, #tpu.memory_space<hbm>> -> memref<1x50x128xf32, #tpu.memory_space<hbm>>
    %dma_start3A_287 = tpu.memref_squeeze %dma_start3A_286 : memref<1x50x128xf32, #tpu.memory_space<hbm>> -> memref<50x128xf32, #tpu.memory_space<hbm>>
    %dma_start3A_288 = arith.constant 0 : i32
    %dma_start3A_289 = arith.constant 0 : i32
    %dma_start3A_290 = tpu.memref_slice %arg4[%add3A_280, %dma_start3A_288, %dma_start3A_289] : memref<16384x50x128xf32, #tpu.memory_space<hbm>> -> memref<1x50x128xf32, #tpu.memory_space<hbm>>
    %dma_start3A_291 = tpu.memref_squeeze %dma_start3A_290 : memref<1x50x128xf32, #tpu.memory_space<hbm>> -> memref<50x128xf32, #tpu.memory_space<hbm>>
    %dma_start3A_292 = arith.constant 100 : i32
    %dma_start3A_293 = arith.constant 0 : i32
    %dma_start3A_294 = tpu.memref_slice %arg8[%dma_start3A_292, %dma_start3A_293] : memref<200x128xf32, #tpu.memory_space<vmem>> -> memref<50x128xf32, #tpu.memory_space<vmem>>
    tpu.enqueue_dma source(%dma_start3A_294 : memref<50x128xf32, #tpu.memory_space<vmem>>) target(%dma_start3A_291 : memref<50x128xf32, #tpu.memory_space<hbm>>) target_semaphore(%arg16 : memref<!tpu.dma_semaphore, #tpu.memory_space<semaphore_mem>>)
    %add3A_295 = arith.constant 3 : i32
    %add3A_296 = arith.addi %add3A_246, %add3A_295 : i32
    %dma_start3A_297 = arith.constant 150 : i32
    %dma_start3A_298 = arith.constant 0 : i32
    %dma_start3A_299 = tpu.memref_slice %arg8[%dma_start3A_297, %dma_start3A_298] : memref<200x128xf32, #tpu.memory_space<vmem>> -> memref<50x128xf32, #tpu.memory_space<vmem>>
    %dma_start3A_300 = arith.constant 0 : i32
    %dma_start3A_301 = arith.constant 0 : i32
    %dma_start3A_302 = tpu.memref_slice %arg4[%add3A_296, %dma_start3A_300, %dma_start3A_301] : memref<16384x50x128xf32, #tpu.memory_space<hbm>> -> memref<1x50x128xf32, #tpu.memory_space<hbm>>
    %dma_start3A_303 = tpu.memref_squeeze %dma_start3A_302 : memref<1x50x128xf32, #tpu.memory_space<hbm>> -> memref<50x128xf32, #tpu.memory_space<hbm>>
    %dma_start3A_304 = arith.constant 0 : i32
    %dma_start3A_305 = arith.constant 0 : i32
    %dma_start3A_306 = tpu.memref_slice %arg4[%add3A_296, %dma_start3A_304, %dma_start3A_305] : memref<16384x50x128xf32, #tpu.memory_space<hbm>> -> memref<1x50x128xf32, #tpu.memory_space<hbm>>
    %dma_start3A_307 = tpu.memref_squeeze %dma_start3A_306 : memref<1x50x128xf32, #tpu.memory_space<hbm>> -> memref<50x128xf32, #tpu.memory_space<hbm>>
    %dma_start3A_308 = arith.constant 150 : i32
    %dma_start3A_309 = arith.constant 0 : i32
    %dma_start3A_310 = tpu.memref_slice %arg8[%dma_start3A_308, %dma_start3A_309] : memref<200x128xf32, #tpu.memory_space<vmem>> -> memref<50x128xf32, #tpu.memory_space<vmem>>
    tpu.enqueue_dma source(%dma_start3A_310 : memref<50x128xf32, #tpu.memory_space<vmem>>) target(%dma_start3A_307 : memref<50x128xf32, #tpu.memory_space<hbm>>) target_semaphore(%arg16 : memref<!tpu.dma_semaphore, #tpu.memory_space<semaphore_mem>>)
    %dma_wait3A_311 = arith.constant 0 : i32
    %dma_wait3A_312 = arith.constant 0 : i32
    %dma_wait3A_313 = arith.constant 0 : i32
    %dma_wait3A_314 = tpu.memref_slice %arg6[%dma_wait3A_312, %dma_wait3A_313] : memref<200x128xf32, #tpu.memory_space<vmem>> -> memref<50x128xf32, #tpu.memory_space<vmem>>
    %dma_wait3A_315 = arith.constant 0 : i32
    %dma_wait3A_316 = arith.constant 0 : i32
    %dma_wait3A_317 = tpu.memref_slice %arg4[%dma_wait3A_311, %dma_wait3A_315, %dma_wait3A_316] : memref<16384x50x128xf32, #tpu.memory_space<hbm>> -> memref<1x50x128xf32, #tpu.memory_space<hbm>>
    %dma_wait3A_318 = tpu.memref_squeeze %dma_wait3A_317 : memref<1x50x128xf32, #tpu.memory_space<hbm>> -> memref<50x128xf32, #tpu.memory_space<hbm>>
    %dma_wait3A_319 = arith.constant 0 : i32
    %dma_wait3A_320 = arith.constant 0 : i32
    %dma_wait3A_321 = tpu.memref_slice %arg4[%dma_wait3A_311, %dma_wait3A_319, %dma_wait3A_320] : memref<16384x50x128xf32, #tpu.memory_space<hbm>> -> memref<1x50x128xf32, #tpu.memory_space<hbm>>
    %dma_wait3A_322 = tpu.memref_squeeze %dma_wait3A_321 : memref<1x50x128xf32, #tpu.memory_space<hbm>> -> memref<50x128xf32, #tpu.memory_space<hbm>>
    %dma_wait3A_323 = arith.constant 0 : i32
    %dma_wait3A_324 = arith.constant 0 : i32
    %dma_wait3A_325 = tpu.memref_slice %arg6[%dma_wait3A_323, %dma_wait3A_324] : memref<200x128xf32, #tpu.memory_space<vmem>> -> memref<50x128xf32, #tpu.memory_space<vmem>>
    tpu.wait_dma2 semaphore(%arg14 : memref<!tpu.dma_semaphore, #tpu.memory_space<semaphore_mem>>) src(%dma_wait3A_325 : memref<50x128xf32, #tpu.memory_space<vmem>>) dst(%dma_wait3A_322 : memref<50x128xf32, #tpu.memory_space<hbm>>)
    %dma_wait3A_326 = arith.constant 0 : i32
    %dma_wait3A_327 = arith.constant 50 : i32
    %dma_wait3A_328 = arith.constant 0 : i32
    %dma_wait3A_329 = tpu.memref_slice %arg6[%dma_wait3A_327, %dma_wait3A_328] : memref<200x128xf32, #tpu.memory_space<vmem>> -> memref<50x128xf32, #tpu.memory_space<vmem>>
    %dma_wait3A_330 = arith.constant 0 : i32
    %dma_wait3A_331 = arith.constant 0 : i32
    %dma_wait3A_332 = tpu.memref_slice %arg4[%dma_wait3A_326, %dma_wait3A_330, %dma_wait3A_331] : memref<16384x50x128xf32, #tpu.memory_space<hbm>> -> memref<1x50x128xf32, #tpu.memory_space<hbm>>
    %dma_wait3A_333 = tpu.memref_squeeze %dma_wait3A_332 : memref<1x50x128xf32, #tpu.memory_space<hbm>> -> memref<50x128xf32, #tpu.memory_space<hbm>>
    %dma_wait3A_334 = arith.constant 0 : i32
    %dma_wait3A_335 = arith.constant 0 : i32
    %dma_wait3A_336 = tpu.memref_slice %arg4[%dma_wait3A_326, %dma_wait3A_334, %dma_wait3A_335] : memref<16384x50x128xf32, #tpu.memory_space<hbm>> -> memref<1x50x128xf32, #tpu.memory_space<hbm>>
    %dma_wait3A_337 = tpu.memref_squeeze %dma_wait3A_336 : memref<1x50x128xf32, #tpu.memory_space<hbm>> -> memref<50x128xf32, #tpu.memory_space<hbm>>
    %dma_wait3A_338 = arith.constant 50 : i32
    %dma_wait3A_339 = arith.constant 0 : i32
    %dma_wait3A_340 = tpu.memref_slice %arg6[%dma_wait3A_338, %dma_wait3A_339] : memref<200x128xf32, #tpu.memory_space<vmem>> -> memref<50x128xf32, #tpu.memory_space<vmem>>
    tpu.wait_dma2 semaphore(%arg14 : memref<!tpu.dma_semaphore, #tpu.memory_space<semaphore_mem>>) src(%dma_wait3A_340 : memref<50x128xf32, #tpu.memory_space<vmem>>) dst(%dma_wait3A_337 : memref<50x128xf32, #tpu.memory_space<hbm>>)
    %dma_wait3A_341 = arith.constant 0 : i32
    %dma_wait3A_342 = arith.constant 100 : i32
    %dma_wait3A_343 = arith.constant 0 : i32
    %dma_wait3A_344 = tpu.memref_slice %arg6[%dma_wait3A_342, %dma_wait3A_343] : memref<200x128xf32, #tpu.memory_space<vmem>> -> memref<50x128xf32, #tpu.memory_space<vmem>>
    %dma_wait3A_345 = arith.constant 0 : i32
    %dma_wait3A_346 = arith.constant 0 : i32
    %dma_wait3A_347 = tpu.memref_slice %arg4[%dma_wait3A_341, %dma_wait3A_345, %dma_wait3A_346] : memref<16384x50x128xf32, #tpu.memory_space<hbm>> -> memref<1x50x128xf32, #tpu.memory_space<hbm>>
    %dma_wait3A_348 = tpu.memref_squeeze %dma_wait3A_347 : memref<1x50x128xf32, #tpu.memory_space<hbm>> -> memref<50x128xf32, #tpu.memory_space<hbm>>
    %dma_wait3A_349 = arith.constant 0 : i32
    %dma_wait3A_350 = arith.constant 0 : i32
    %dma_wait3A_351 = tpu.memref_slice %arg4[%dma_wait3A_341, %dma_wait3A_349, %dma_wait3A_350] : memref<16384x50x128xf32, #tpu.memory_space<hbm>> -> memref<1x50x128xf32, #tpu.memory_space<hbm>>
    %dma_wait3A_352 = tpu.memref_squeeze %dma_wait3A_351 : memref<1x50x128xf32, #tpu.memory_space<hbm>> -> memref<50x128xf32, #tpu.memory_space<hbm>>
    %dma_wait3A_353 = arith.constant 100 : i32
    %dma_wait3A_354 = arith.constant 0 : i32
    %dma_wait3A_355 = tpu.memref_slice %arg6[%dma_wait3A_353, %dma_wait3A_354] : memref<200x128xf32, #tpu.memory_space<vmem>> -> memref<50x128xf32, #tpu.memory_space<vmem>>
    tpu.wait_dma2 semaphore(%arg14 : memref<!tpu.dma_semaphore, #tpu.memory_space<semaphore_mem>>) src(%dma_wait3A_355 : memref<50x128xf32, #tpu.memory_space<vmem>>) dst(%dma_wait3A_352 : memref<50x128xf32, #tpu.memory_space<hbm>>)
    %dma_wait3A_356 = arith.constant 0 : i32
    %dma_wait3A_357 = arith.constant 150 : i32
    %dma_wait3A_358 = arith.constant 0 : i32
    %dma_wait3A_359 = tpu.memref_slice %arg6[%dma_wait3A_357, %dma_wait3A_358] : memref<200x128xf32, #tpu.memory_space<vmem>> -> memref<50x128xf32, #tpu.memory_space<vmem>>
    %dma_wait3A_360 = arith.constant 0 : i32
    %dma_wait3A_361 = arith.constant 0 : i32
    %dma_wait3A_362 = tpu.memref_slice %arg4[%dma_wait3A_356, %dma_wait3A_360, %dma_wait3A_361] : memref<16384x50x128xf32, #tpu.memory_space<hbm>> -> memref<1x50x128xf32, #tpu.memory_space<hbm>>
    %dma_wait3A_363 = tpu.memref_squeeze %dma_wait3A_362 : memref<1x50x128xf32, #tpu.memory_space<hbm>> -> memref<50x128xf32, #tpu.memory_space<hbm>>
    %dma_wait3A_364 = arith.constant 0 : i32
    %dma_wait3A_365 = arith.constant 0 : i32
    %dma_wait3A_366 = tpu.memref_slice %arg4[%dma_wait3A_356, %dma_wait3A_364, %dma_wait3A_365] : memref<16384x50x128xf32, #tpu.memory_space<hbm>> -> memref<1x50x128xf32, #tpu.memory_space<hbm>>
    %dma_wait3A_367 = tpu.memref_squeeze %dma_wait3A_366 : memref<1x50x128xf32, #tpu.memory_space<hbm>> -> memref<50x128xf32, #tpu.memory_space<hbm>>
    %dma_wait3A_368 = arith.constant 150 : i32
    %dma_wait3A_369 = arith.constant 0 : i32
    %dma_wait3A_370 = tpu.memref_slice %arg6[%dma_wait3A_368, %dma_wait3A_369] : memref<200x128xf32, #tpu.memory_space<vmem>> -> memref<50x128xf32, #tpu.memory_space<vmem>>
    tpu.wait_dma2 semaphore(%arg14 : memref<!tpu.dma_semaphore, #tpu.memory_space<semaphore_mem>>) src(%dma_wait3A_370 : memref<50x128xf32, #tpu.memory_space<vmem>>) dst(%dma_wait3A_367 : memref<50x128xf32, #tpu.memory_space<hbm>>)
    %dma_start3A_371 = arith.constant 0 : i32
    %dma_start3A_372 = arith.constant 0 : i32
    %dma_start3A_373 = tpu.memref_slice %arg6[%dma_start3A_371, %dma_start3A_372] : memref<200x128xf32, #tpu.memory_space<vmem>> -> memref<104x128xf32, #tpu.memory_space<vmem>>
    %dma_start3A_374 = arith.constant 800 : i32
    %dma_start3A_375 = tpu.memref_slice %arg5[%dma_start3A_374] : memref<25600xi32, #tpu.memory_space<vmem>> -> memref<104xi32, #tpu.memory_space<vmem>>
    %dma_start3A_376 = arith.constant 0 : i32
    %dma_start3A_377 = arith.constant 0 : i32
    %dma_start3A_378 = tpu.memref_slice %arg3[%dma_start3A_376, %dma_start3A_377] : memref<100000x128xf32, #tpu.memory_space<hbm>> -> memref<100000x128xf32, #tpu.memory_space<hbm>>
    tpu.enqueue_indirect_dma source(%dma_start3A_378 : memref<100000x128xf32, #tpu.memory_space<hbm>>) target(%dma_start3A_373 : memref<104x128xf32, #tpu.memory_space<vmem>>) offsets(%dma_start3A_375 : memref<104xi32, #tpu.memory_space<vmem>>) semaphore(%arg10 : memref<!tpu.dma_semaphore, #tpu.memory_space<semaphore_mem>>)
    %dma_start3A_379 = arith.constant 104 : i32
    %dma_start3A_380 = arith.constant 0 : i32
    %dma_start3A_381 = tpu.memref_slice %arg6[%dma_start3A_379, %dma_start3A_380] : memref<200x128xf32, #tpu.memory_space<vmem>> -> memref<96x128xf32, #tpu.memory_space<vmem>>
    %dma_start3A_382 = arith.constant 904 : i32
    %dma_start3A_383 = tpu.memref_slice %arg5[%dma_start3A_382] : memref<25600xi32, #tpu.memory_space<vmem>> -> memref<96xi32, #tpu.memory_space<vmem>>
    %dma_start3A_384 = arith.constant 0 : i32
    %dma_start3A_385 = arith.constant 0 : i32
    %dma_start3A_386 = tpu.memref_slice %arg3[%dma_start3A_384, %dma_start3A_385] : memref<100000x128xf32, #tpu.memory_space<hbm>> -> memref<100000x128xf32, #tpu.memory_space<hbm>>
    tpu.enqueue_indirect_dma source(%dma_start3A_386 : memref<100000x128xf32, #tpu.memory_space<hbm>>) target(%dma_start3A_381 : memref<96x128xf32, #tpu.memory_space<vmem>>) offsets(%dma_start3A_383 : memref<96xi32, #tpu.memory_space<vmem>>) semaphore(%arg10 : memref<!tpu.dma_semaphore, #tpu.memory_space<semaphore_mem>>)
    %dma_wait3A_387 = arith.constant 0 : i32
    %dma_wait3A_388 = arith.constant 0 : i32
    %dma_wait3A_389 = tpu.memref_slice %arg9[%dma_wait3A_387, %dma_wait3A_388] : memref<200x128xf32, #tpu.memory_space<vmem>> -> memref<104x128xf32, #tpu.memory_space<vmem>>
    %dma_wait3A_390 = arith.constant 0 : i32
    %dma_wait3A_391 = tpu.memref_slice %arg5[%dma_wait3A_390] : memref<25600xi32, #tpu.memory_space<vmem>> -> memref<104xi32, #tpu.memory_space<vmem>>
    %dma_wait3A_392 = arith.constant 0 : i32
    %dma_wait3A_393 = arith.constant 0 : i32
    %dma_wait3A_394 = tpu.memref_slice %arg3[%dma_wait3A_392, %dma_wait3A_393] : memref<100000x128xf32, #tpu.memory_space<hbm>> -> memref<100000x128xf32, #tpu.memory_space<hbm>>
    tpu.wait_indirect_dma semaphore(%arg13 : memref<!tpu.dma_semaphore, #tpu.memory_space<semaphore_mem>>) src(%dma_wait3A_394 : memref<100000x128xf32, #tpu.memory_space<hbm>>) dst(%dma_wait3A_389 : memref<104x128xf32, #tpu.memory_space<vmem>>)
    %dma_wait3A_395 = arith.constant 104 : i32
    %dma_wait3A_396 = arith.constant 0 : i32
    %dma_wait3A_397 = tpu.memref_slice %arg9[%dma_wait3A_395, %dma_wait3A_396] : memref<200x128xf32, #tpu.memory_space<vmem>> -> memref<96x128xf32, #tpu.memory_space<vmem>>
    %dma_wait3A_398 = arith.constant 0 : i32
    %dma_wait3A_399 = tpu.memref_slice %arg5[%dma_wait3A_398] : memref<25600xi32, #tpu.memory_space<vmem>> -> memref<96xi32, #tpu.memory_space<vmem>>
    %dma_wait3A_400 = arith.constant 0 : i32
    %dma_wait3A_401 = arith.constant 0 : i32
    %dma_wait3A_402 = tpu.memref_slice %arg3[%dma_wait3A_400, %dma_wait3A_401] : memref<100000x128xf32, #tpu.memory_space<hbm>> -> memref<100000x128xf32, #tpu.memory_space<hbm>>
    tpu.wait_indirect_dma semaphore(%arg13 : memref<!tpu.dma_semaphore, #tpu.memory_space<semaphore_mem>>) src(%dma_wait3A_402 : memref<100000x128xf32, #tpu.memory_space<hbm>>) dst(%dma_wait3A_397 : memref<96x128xf32, #tpu.memory_space<vmem>>)
    %add3A_403 = arith.constant 12 : i32
    %add3A_404 = arith.addi %mul3A_2, %add3A_403 : i32
    %add3A_405 = arith.constant 0 : i32
    %add3A_406 = arith.addi %add3A_404, %add3A_405 : i32
    %dma_start3A_407 = arith.constant 0 : i32
    %dma_start3A_408 = arith.constant 0 : i32
    %dma_start3A_409 = tpu.memref_slice %arg9[%dma_start3A_407, %dma_start3A_408] : memref<200x128xf32, #tpu.memory_space<vmem>> -> memref<50x128xf32, #tpu.memory_space<vmem>>
    %dma_start3A_410 = arith.constant 0 : i32
    %dma_start3A_411 = arith.constant 0 : i32
    %dma_start3A_412 = tpu.memref_slice %arg4[%add3A_406, %dma_start3A_410, %dma_start3A_411] : memref<16384x50x128xf32, #tpu.memory_space<hbm>> -> memref<1x50x128xf32, #tpu.memory_space<hbm>>
    %dma_start3A_413 = tpu.memref_squeeze %dma_start3A_412 : memref<1x50x128xf32, #tpu.memory_space<hbm>> -> memref<50x128xf32, #tpu.memory_space<hbm>>
    %dma_start3A_414 = arith.constant 0 : i32
    %dma_start3A_415 = arith.constant 0 : i32
    %dma_start3A_416 = tpu.memref_slice %arg4[%add3A_406, %dma_start3A_414, %dma_start3A_415] : memref<16384x50x128xf32, #tpu.memory_space<hbm>> -> memref<1x50x128xf32, #tpu.memory_space<hbm>>
    %dma_start3A_417 = tpu.memref_squeeze %dma_start3A_416 : memref<1x50x128xf32, #tpu.memory_space<hbm>> -> memref<50x128xf32, #tpu.memory_space<hbm>>
    %dma_start3A_418 = arith.constant 0 : i32
    %dma_start3A_419 = arith.constant 0 : i32
    %dma_start3A_420 = tpu.memref_slice %arg9[%dma_start3A_418, %dma_start3A_419] : memref<200x128xf32, #tpu.memory_space<vmem>> -> memref<50x128xf32, #tpu.memory_space<vmem>>
    tpu.enqueue_dma source(%dma_start3A_420 : memref<50x128xf32, #tpu.memory_space<vmem>>) target(%dma_start3A_417 : memref<50x128xf32, #tpu.memory_space<hbm>>) target_semaphore(%arg17 : memref<!tpu.dma_semaphore, #tpu.memory_space<semaphore_mem>>)
    %add3A_421 = arith.constant 1 : i32
    %add3A_422 = arith.addi %add3A_404, %add3A_421 : i32
    %dma_start3A_423 = arith.constant 50 : i32
    %dma_start3A_424 = arith.constant 0 : i32
    %dma_start3A_425 = tpu.memref_slice %arg9[%dma_start3A_423, %dma_start3A_424] : memref<200x128xf32, #tpu.memory_space<vmem>> -> memref<50x128xf32, #tpu.memory_space<vmem>>
    %dma_start3A_426 = arith.constant 0 : i32
    %dma_start3A_427 = arith.constant 0 : i32
    %dma_start3A_428 = tpu.memref_slice %arg4[%add3A_422, %dma_start3A_426, %dma_start3A_427] : memref<16384x50x128xf32, #tpu.memory_space<hbm>> -> memref<1x50x128xf32, #tpu.memory_space<hbm>>
    %dma_start3A_429 = tpu.memref_squeeze %dma_start3A_428 : memref<1x50x128xf32, #tpu.memory_space<hbm>> -> memref<50x128xf32, #tpu.memory_space<hbm>>
    %dma_start3A_430 = arith.constant 0 : i32
    %dma_start3A_431 = arith.constant 0 : i32
    %dma_start3A_432 = tpu.memref_slice %arg4[%add3A_422, %dma_start3A_430, %dma_start3A_431] : memref<16384x50x128xf32, #tpu.memory_space<hbm>> -> memref<1x50x128xf32, #tpu.memory_space<hbm>>
    %dma_start3A_433 = tpu.memref_squeeze %dma_start3A_432 : memref<1x50x128xf32, #tpu.memory_space<hbm>> -> memref<50x128xf32, #tpu.memory_space<hbm>>
    %dma_start3A_434 = arith.constant 50 : i32
    %dma_start3A_435 = arith.constant 0 : i32
    %dma_start3A_436 = tpu.memref_slice %arg9[%dma_start3A_434, %dma_start3A_435] : memref<200x128xf32, #tpu.memory_space<vmem>> -> memref<50x128xf32, #tpu.memory_space<vmem>>
    tpu.enqueue_dma source(%dma_start3A_436 : memref<50x128xf32, #tpu.memory_space<vmem>>) target(%dma_start3A_433 : memref<50x128xf32, #tpu.memory_space<hbm>>) target_semaphore(%arg17 : memref<!tpu.dma_semaphore, #tpu.memory_space<semaphore_mem>>)
    %add3A_437 = arith.constant 2 : i32
    %add3A_438 = arith.addi %add3A_404, %add3A_437 : i32
    %dma_start3A_439 = arith.constant 100 : i32
    %dma_start3A_440 = arith.constant 0 : i32
    %dma_start3A_441 = tpu.memref_slice %arg9[%dma_start3A_439, %dma_start3A_440] : memref<200x128xf32, #tpu.memory_space<vmem>> -> memref<50x128xf32, #tpu.memory_space<vmem>>
    %dma_start3A_442 = arith.constant 0 : i32
    %dma_start3A_443 = arith.constant 0 : i32
    %dma_start3A_444 = tpu.memref_slice %arg4[%add3A_438, %dma_start3A_442, %dma_start3A_443] : memref<16384x50x128xf32, #tpu.memory_space<hbm>> -> memref<1x50x128xf32, #tpu.memory_space<hbm>>
    %dma_start3A_445 = tpu.memref_squeeze %dma_start3A_444 : memref<1x50x128xf32, #tpu.memory_space<hbm>> -> memref<50x128xf32, #tpu.memory_space<hbm>>
    %dma_start3A_446 = arith.constant 0 : i32
    %dma_start3A_447 = arith.constant 0 : i32
    %dma_start3A_448 = tpu.memref_slice %arg4[%add3A_438, %dma_start3A_446, %dma_start3A_447] : memref<16384x50x128xf32, #tpu.memory_space<hbm>> -> memref<1x50x128xf32, #tpu.memory_space<hbm>>
    %dma_start3A_449 = tpu.memref_squeeze %dma_start3A_448 : memref<1x50x128xf32, #tpu.memory_space<hbm>> -> memref<50x128xf32, #tpu.memory_space<hbm>>
    %dma_start3A_450 = arith.constant 100 : i32
    %dma_start3A_451 = arith.constant 0 : i32
    %dma_start3A_452 = tpu.memref_slice %arg9[%dma_start3A_450, %dma_start3A_451] : memref<200x128xf32, #tpu.memory_space<vmem>> -> memref<50x128xf32, #tpu.memory_space<vmem>>
    tpu.enqueue_dma source(%dma_start3A_452 : memref<50x128xf32, #tpu.memory_space<vmem>>) target(%dma_start3A_449 : memref<50x128xf32, #tpu.memory_space<hbm>>) target_semaphore(%arg17 : memref<!tpu.dma_semaphore, #tpu.memory_space<semaphore_mem>>)
    %add3A_453 = arith.constant 3 : i32
    %add3A_454 = arith.addi %add3A_404, %add3A_453 : i32
    %dma_start3A_455 = arith.constant 150 : i32
    %dma_start3A_456 = arith.constant 0 : i32
    %dma_start3A_457 = tpu.memref_slice %arg9[%dma_start3A_455, %dma_start3A_456] : memref<200x128xf32, #tpu.memory_space<vmem>> -> memref<50x128xf32, #tpu.memory_space<vmem>>
    %dma_start3A_458 = arith.constant 0 : i32
    %dma_start3A_459 = arith.constant 0 : i32
    %dma_start3A_460 = tpu.memref_slice %arg4[%add3A_454, %dma_start3A_458, %dma_start3A_459] : memref<16384x50x128xf32, #tpu.memory_space<hbm>> -> memref<1x50x128xf32, #tpu.memory_space<hbm>>
    %dma_start3A_461 = tpu.memref_squeeze %dma_start3A_460 : memref<1x50x128xf32, #tpu.memory_space<hbm>> -> memref<50x128xf32, #tpu.memory_space<hbm>>
    %dma_start3A_462 = arith.constant 0 : i32
    %dma_start3A_463 = arith.constant 0 : i32
    %dma_start3A_464 = tpu.memref_slice %arg4[%add3A_454, %dma_start3A_462, %dma_start3A_463] : memref<16384x50x128xf32, #tpu.memory_space<hbm>> -> memref<1x50x128xf32, #tpu.memory_space<hbm>>
    %dma_start3A_465 = tpu.memref_squeeze %dma_start3A_464 : memref<1x50x128xf32, #tpu.memory_space<hbm>> -> memref<50x128xf32, #tpu.memory_space<hbm>>
    %dma_start3A_466 = arith.constant 150 : i32
    %dma_start3A_467 = arith.constant 0 : i32
    %dma_start3A_468 = tpu.memref_slice %arg9[%dma_start3A_466, %dma_start3A_467] : memref<200x128xf32, #tpu.memory_space<vmem>> -> memref<50x128xf32, #tpu.memory_space<vmem>>
    tpu.enqueue_dma source(%dma_start3A_468 : memref<50x128xf32, #tpu.memory_space<vmem>>) target(%dma_start3A_465 : memref<50x128xf32, #tpu.memory_space<hbm>>) target_semaphore(%arg17 : memref<!tpu.dma_semaphore, #tpu.memory_space<semaphore_mem>>)
    %dma_wait3A_469 = arith.constant 0 : i32
    %dma_wait3A_470 = arith.constant 0 : i32
    %dma_wait3A_471 = arith.constant 0 : i32
    %dma_wait3A_472 = tpu.memref_slice %arg7[%dma_wait3A_470, %dma_wait3A_471] : memref<200x128xf32, #tpu.memory_space<vmem>> -> memref<50x128xf32, #tpu.memory_space<vmem>>
    %dma_wait3A_473 = arith.constant 0 : i32
    %dma_wait3A_474 = arith.constant 0 : i32
    %dma_wait3A_475 = tpu.memref_slice %arg4[%dma_wait3A_469, %dma_wait3A_473, %dma_wait3A_474] : memref<16384x50x128xf32, #tpu.memory_space<hbm>> -> memref<1x50x128xf32, #tpu.memory_space<hbm>>
    %dma_wait3A_476 = tpu.memref_squeeze %dma_wait3A_475 : memref<1x50x128xf32, #tpu.memory_space<hbm>> -> memref<50x128xf32, #tpu.memory_space<hbm>>
    %dma_wait3A_477 = arith.constant 0 : i32
    %dma_wait3A_478 = arith.constant 0 : i32
    %dma_wait3A_479 = tpu.memref_slice %arg4[%dma_wait3A_469, %dma_wait3A_477, %dma_wait3A_478] : memref<16384x50x128xf32, #tpu.memory_space<hbm>> -> memref<1x50x128xf32, #tpu.memory_space<hbm>>
    %dma_wait3A_480 = tpu.memref_squeeze %dma_wait3A_479 : memref<1x50x128xf32, #tpu.memory_space<hbm>> -> memref<50x128xf32, #tpu.memory_space<hbm>>
    %dma_wait3A_481 = arith.constant 0 : i32
    %dma_wait3A_482 = arith.constant 0 : i32
    %dma_wait3A_483 = tpu.memref_slice %arg7[%dma_wait3A_481, %dma_wait3A_482] : memref<200x128xf32, #tpu.memory_space<vmem>> -> memref<50x128xf32, #tpu.memory_space<vmem>>
    tpu.wait_dma2 semaphore(%arg15 : memref<!tpu.dma_semaphore, #tpu.memory_space<semaphore_mem>>) src(%dma_wait3A_483 : memref<50x128xf32, #tpu.memory_space<vmem>>) dst(%dma_wait3A_480 : memref<50x128xf32, #tpu.memory_space<hbm>>)
    %dma_wait3A_484 = arith.constant 0 : i32
    %dma_wait3A_485 = arith.constant 50 : i32
    %dma_wait3A_486 = arith.constant 0 : i32
    %dma_wait3A_487 = tpu.memref_slice %arg7[%dma_wait3A_485, %dma_wait3A_486] : memref<200x128xf32, #tpu.memory_space<vmem>> -> memref<50x128xf32, #tpu.memory_space<vmem>>
    %dma_wait3A_488 = arith.constant 0 : i32
    %dma_wait3A_489 = arith.constant 0 : i32
    %dma_wait3A_490 = tpu.memref_slice %arg4[%dma_wait3A_484, %dma_wait3A_488, %dma_wait3A_489] : memref<16384x50x128xf32, #tpu.memory_space<hbm>> -> memref<1x50x128xf32, #tpu.memory_space<hbm>>
    %dma_wait3A_491 = tpu.memref_squeeze %dma_wait3A_490 : memref<1x50x128xf32, #tpu.memory_space<hbm>> -> memref<50x128xf32, #tpu.memory_space<hbm>>
    %dma_wait3A_492 = arith.constant 0 : i32
    %dma_wait3A_493 = arith.constant 0 : i32
    %dma_wait3A_494 = tpu.memref_slice %arg4[%dma_wait3A_484, %dma_wait3A_492, %dma_wait3A_493] : memref<16384x50x128xf32, #tpu.memory_space<hbm>> -> memref<1x50x128xf32, #tpu.memory_space<hbm>>
    %dma_wait3A_495 = tpu.memref_squeeze %dma_wait3A_494 : memref<1x50x128xf32, #tpu.memory_space<hbm>> -> memref<50x128xf32, #tpu.memory_space<hbm>>
    %dma_wait3A_496 = arith.constant 50 : i32
    %dma_wait3A_497 = arith.constant 0 : i32
    %dma_wait3A_498 = tpu.memref_slice %arg7[%dma_wait3A_496, %dma_wait3A_497] : memref<200x128xf32, #tpu.memory_space<vmem>> -> memref<50x128xf32, #tpu.memory_space<vmem>>
    tpu.wait_dma2 semaphore(%arg15 : memref<!tpu.dma_semaphore, #tpu.memory_space<semaphore_mem>>) src(%dma_wait3A_498 : memref<50x128xf32, #tpu.memory_space<vmem>>) dst(%dma_wait3A_495 : memref<50x128xf32, #tpu.memory_space<hbm>>)
    %dma_wait3A_499 = arith.constant 0 : i32
    %dma_wait3A_500 = arith.constant 100 : i32
    %dma_wait3A_501 = arith.constant 0 : i32
    %dma_wait3A_502 = tpu.memref_slice %arg7[%dma_wait3A_500, %dma_wait3A_501] : memref<200x128xf32, #tpu.memory_space<vmem>> -> memref<50x128xf32, #tpu.memory_space<vmem>>
    %dma_wait3A_503 = arith.constant 0 : i32
    %dma_wait3A_504 = arith.constant 0 : i32
    %dma_wait3A_505 = tpu.memref_slice %arg4[%dma_wait3A_499, %dma_wait3A_503, %dma_wait3A_504] : memref<16384x50x128xf32, #tpu.memory_space<hbm>> -> memref<1x50x128xf32, #tpu.memory_space<hbm>>
    %dma_wait3A_506 = tpu.memref_squeeze %dma_wait3A_505 : memref<1x50x128xf32, #tpu.memory_space<hbm>> -> memref<50x128xf32, #tpu.memory_space<hbm>>
    %dma_wait3A_507 = arith.constant 0 : i32
    %dma_wait3A_508 = arith.constant 0 : i32
    %dma_wait3A_509 = tpu.memref_slice %arg4[%dma_wait3A_499, %dma_wait3A_507, %dma_wait3A_508] : memref<16384x50x128xf32, #tpu.memory_space<hbm>> -> memref<1x50x128xf32, #tpu.memory_space<hbm>>
    %dma_wait3A_510 = tpu.memref_squeeze %dma_wait3A_509 : memref<1x50x128xf32, #tpu.memory_space<hbm>> -> memref<50x128xf32, #tpu.memory_space<hbm>>
    %dma_wait3A_511 = arith.constant 100 : i32
    %dma_wait3A_512 = arith.constant 0 : i32
    %dma_wait3A_513 = tpu.memref_slice %arg7[%dma_wait3A_511, %dma_wait3A_512] : memref<200x128xf32, #tpu.memory_space<vmem>> -> memref<50x128xf32, #tpu.memory_space<vmem>>
    tpu.wait_dma2 semaphore(%arg15 : memref<!tpu.dma_semaphore, #tpu.memory_space<semaphore_mem>>) src(%dma_wait3A_513 : memref<50x128xf32, #tpu.memory_space<vmem>>) dst(%dma_wait3A_510 : memref<50x128xf32, #tpu.memory_space<hbm>>)
    %dma_wait3A_514 = arith.constant 0 : i32
    %dma_wait3A_515 = arith.constant 150 : i32
    %dma_wait3A_516 = arith.constant 0 : i32
    %dma_wait3A_517 = tpu.memref_slice %arg7[%dma_wait3A_515, %dma_wait3A_516] : memref<200x128xf32, #tpu.memory_space<vmem>> -> memref<50x128xf32, #tpu.memory_space<vmem>>
    %dma_wait3A_518 = arith.constant 0 : i32
    %dma_wait3A_519 = arith.constant 0 : i32
    %dma_wait3A_520 = tpu.memref_slice %arg4[%dma_wait3A_514, %dma_wait3A_518, %dma_wait3A_519] : memref<16384x50x128xf32, #tpu.memory_space<hbm>> -> memref<1x50x128xf32, #tpu.memory_space<hbm>>
    %dma_wait3A_521 = tpu.memref_squeeze %dma_wait3A_520 : memref<1x50x128xf32, #tpu.memory_space<hbm>> -> memref<50x128xf32, #tpu.memory_space<hbm>>
    %dma_wait3A_522 = arith.constant 0 : i32
    %dma_wait3A_523 = arith.constant 0 : i32
    %dma_wait3A_524 = tpu.memref_slice %arg4[%dma_wait3A_514, %dma_wait3A_522, %dma_wait3A_523] : memref<16384x50x128xf32, #tpu.memory_space<hbm>> -> memref<1x50x128xf32, #tpu.memory_space<hbm>>
    %dma_wait3A_525 = tpu.memref_squeeze %dma_wait3A_524 : memref<1x50x128xf32, #tpu.memory_space<hbm>> -> memref<50x128xf32, #tpu.memory_space<hbm>>
    %dma_wait3A_526 = arith.constant 150 : i32
    %dma_wait3A_527 = arith.constant 0 : i32
    %dma_wait3A_528 = tpu.memref_slice %arg7[%dma_wait3A_526, %dma_wait3A_527] : memref<200x128xf32, #tpu.memory_space<vmem>> -> memref<50x128xf32, #tpu.memory_space<vmem>>
    tpu.wait_dma2 semaphore(%arg15 : memref<!tpu.dma_semaphore, #tpu.memory_space<semaphore_mem>>) src(%dma_wait3A_528 : memref<50x128xf32, #tpu.memory_space<vmem>>) dst(%dma_wait3A_525 : memref<50x128xf32, #tpu.memory_space<hbm>>)
    %dma_start3A_529 = arith.constant 0 : i32
    %dma_start3A_530 = arith.constant 0 : i32
    %dma_start3A_531 = tpu.memref_slice %arg7[%dma_start3A_529, %dma_start3A_530] : memref<200x128xf32, #tpu.memory_space<vmem>> -> memref<104x128xf32, #tpu.memory_space<vmem>>
    %dma_start3A_532 = arith.constant 1000 : i32
    %dma_start3A_533 = tpu.memref_slice %arg5[%dma_start3A_532] : memref<25600xi32, #tpu.memory_space<vmem>> -> memref<104xi32, #tpu.memory_space<vmem>>
    %dma_start3A_534 = arith.constant 0 : i32
    %dma_start3A_535 = arith.constant 0 : i32
    %dma_start3A_536 = tpu.memref_slice %arg3[%dma_start3A_534, %dma_start3A_535] : memref<100000x128xf32, #tpu.memory_space<hbm>> -> memref<100000x128xf32, #tpu.memory_space<hbm>>
    tpu.enqueue_indirect_dma source(%dma_start3A_536 : memref<100000x128xf32, #tpu.memory_space<hbm>>) target(%dma_start3A_531 : memref<104x128xf32, #tpu.memory_space<vmem>>) offsets(%dma_start3A_533 : memref<104xi32, #tpu.memory_space<vmem>>) semaphore(%arg11 : memref<!tpu.dma_semaphore, #tpu.memory_space<semaphore_mem>>)
    %dma_start3A_537 = arith.constant 104 : i32
    %dma_start3A_538 = arith.constant 0 : i32
    %dma_start3A_539 = tpu.memref_slice %arg7[%dma_start3A_537, %dma_start3A_538] : memref<200x128xf32, #tpu.memory_space<vmem>> -> memref<96x128xf32, #tpu.memory_space<vmem>>
    %dma_start3A_540 = arith.constant 1104 : i32
    %dma_start3A_541 = tpu.memref_slice %arg5[%dma_start3A_540] : memref<25600xi32, #tpu.memory_space<vmem>> -> memref<96xi32, #tpu.memory_space<vmem>>
    %dma_start3A_542 = arith.constant 0 : i32
    %dma_start3A_543 = arith.constant 0 : i32
    %dma_start3A_544 = tpu.memref_slice %arg3[%dma_start3A_542, %dma_start3A_543] : memref<100000x128xf32, #tpu.memory_space<hbm>> -> memref<100000x128xf32, #tpu.memory_space<hbm>>
    tpu.enqueue_indirect_dma source(%dma_start3A_544 : memref<100000x128xf32, #tpu.memory_space<hbm>>) target(%dma_start3A_539 : memref<96x128xf32, #tpu.memory_space<vmem>>) offsets(%dma_start3A_541 : memref<96xi32, #tpu.memory_space<vmem>>) semaphore(%arg11 : memref<!tpu.dma_semaphore, #tpu.memory_space<semaphore_mem>>)
    %scan3A = arith.constant 0 : i32
    %scan3A_545 = arith.constant 30 : i32
    %scan3A_546 = arith.addi %scan3A, %scan3A_545 : i32
    %scan3A_547 = arith.constant 1 : i32
    scf.for %scan3A_1269 = %scan3A to %scan3A_546 step %scan3A_547  : i32 {
      %mul3A_1270 = arith.constant 4 : i32
      %mul3A_1271 = arith.muli %scan3A_1269, %mul3A_1270 : i32
      %add3A_1272 = arith.constant 4 : i32
      %add3A_1273 = arith.addi %add3A_1272, %mul3A_1271 : i32
      %add3A_1274 = arith.constant 0 : i32
      %add3A_1275 = arith.addi %add3A_1273, %add3A_1274 : i32
      %dma_wait3A_1276 = arith.constant 0 : i32
      %dma_wait3A_1277 = arith.constant 0 : i32
      %dma_wait3A_1278 = tpu.memref_slice %arg6[%dma_wait3A_1276, %dma_wait3A_1277] : memref<200x128xf32, #tpu.memory_space<vmem>> -> memref<104x128xf32, #tpu.memory_space<vmem>>
      %dma_wait3A_1279 = arith.constant 0 : i32
      %dma_wait3A_1280 = tpu.memref_slice %arg5[%dma_wait3A_1279] : memref<25600xi32, #tpu.memory_space<vmem>> -> memref<104xi32, #tpu.memory_space<vmem>>
      %dma_wait3A_1281 = arith.constant 0 : i32
      %dma_wait3A_1282 = arith.constant 0 : i32
      %dma_wait3A_1283 = tpu.memref_slice %arg3[%dma_wait3A_1281, %dma_wait3A_1282] : memref<100000x128xf32, #tpu.memory_space<hbm>> -> memref<100000x128xf32, #tpu.memory_space<hbm>>
      tpu.wait_indirect_dma semaphore(%arg10 : memref<!tpu.dma_semaphore, #tpu.memory_space<semaphore_mem>>) src(%dma_wait3A_1283 : memref<100000x128xf32, #tpu.memory_space<hbm>>) dst(%dma_wait3A_1278 : memref<104x128xf32, #tpu.memory_space<vmem>>)
      %dma_wait3A_1284 = arith.constant 104 : i32
      %dma_wait3A_1285 = arith.constant 0 : i32
      %dma_wait3A_1286 = tpu.memref_slice %arg6[%dma_wait3A_1284, %dma_wait3A_1285] : memref<200x128xf32, #tpu.memory_space<vmem>> -> memref<96x128xf32, #tpu.memory_space<vmem>>
      %dma_wait3A_1287 = arith.constant 0 : i32
      %dma_wait3A_1288 = tpu.memref_slice %arg5[%dma_wait3A_1287] : memref<25600xi32, #tpu.memory_space<vmem>> -> memref<96xi32, #tpu.memory_space<vmem>>
      %dma_wait3A_1289 = arith.constant 0 : i32
      %dma_wait3A_1290 = arith.constant 0 : i32
      %dma_wait3A_1291 = tpu.memref_slice %arg3[%dma_wait3A_1289, %dma_wait3A_1290] : memref<100000x128xf32, #tpu.memory_space<hbm>> -> memref<100000x128xf32, #tpu.memory_space<hbm>>
      tpu.wait_indirect_dma semaphore(%arg10 : memref<!tpu.dma_semaphore, #tpu.memory_space<semaphore_mem>>) src(%dma_wait3A_1291 : memref<100000x128xf32, #tpu.memory_space<hbm>>) dst(%dma_wait3A_1286 : memref<96x128xf32, #tpu.memory_space<vmem>>)
      %mul3A_1292 = arith.constant 4 : i32
      %mul3A_1293 = arith.muli %add3A_1275, %mul3A_1292 : i32
      %add3A_1294 = arith.addi %mul3A_2, %mul3A_1293 : i32
      %add3A_1295 = arith.constant 0 : i32
      %add3A_1296 = arith.addi %add3A_1294, %add3A_1295 : i32
      %dma_start3A_1297 = arith.constant 0 : i32
      %dma_start3A_1298 = arith.constant 0 : i32
      %dma_start3A_1299 = tpu.memref_slice %arg6[%dma_start3A_1297, %dma_start3A_1298] : memref<200x128xf32, #tpu.memory_space<vmem>> -> memref<50x128xf32, #tpu.memory_space<vmem>>
      %dma_start3A_1300 = arith.constant 0 : i32
      %dma_start3A_1301 = arith.constant 0 : i32
      %dma_start3A_1302 = tpu.memref_slice %arg4[%add3A_1296, %dma_start3A_1300, %dma_start3A_1301] : memref<16384x50x128xf32, #tpu.memory_space<hbm>> -> memref<1x50x128xf32, #tpu.memory_space<hbm>>
      %dma_start3A_1303 = tpu.memref_squeeze %dma_start3A_1302 : memref<1x50x128xf32, #tpu.memory_space<hbm>> -> memref<50x128xf32, #tpu.memory_space<hbm>>
      %dma_start3A_1304 = arith.constant 0 : i32
      %dma_start3A_1305 = arith.constant 0 : i32
      %dma_start3A_1306 = tpu.memref_slice %arg4[%add3A_1296, %dma_start3A_1304, %dma_start3A_1305] : memref<16384x50x128xf32, #tpu.memory_space<hbm>> -> memref<1x50x128xf32, #tpu.memory_space<hbm>>
      %dma_start3A_1307 = tpu.memref_squeeze %dma_start3A_1306 : memref<1x50x128xf32, #tpu.memory_space<hbm>> -> memref<50x128xf32, #tpu.memory_space<hbm>>
      %dma_start3A_1308 = arith.constant 0 : i32
      %dma_start3A_1309 = arith.constant 0 : i32
      %dma_start3A_1310 = tpu.memref_slice %arg6[%dma_start3A_1308, %dma_start3A_1309] : memref<200x128xf32, #tpu.memory_space<vmem>> -> memref<50x128xf32, #tpu.memory_space<vmem>>
      tpu.enqueue_dma source(%dma_start3A_1310 : memref<50x128xf32, #tpu.memory_space<vmem>>) target(%dma_start3A_1307 : memref<50x128xf32, #tpu.memory_space<hbm>>) target_semaphore(%arg14 : memref<!tpu.dma_semaphore, #tpu.memory_space<semaphore_mem>>)
      %add3A_1311 = arith.constant 1 : i32
      %add3A_1312 = arith.addi %add3A_1294, %add3A_1311 : i32
      %dma_start3A_1313 = arith.constant 50 : i32
      %dma_start3A_1314 = arith.constant 0 : i32
      %dma_start3A_1315 = tpu.memref_slice %arg6[%dma_start3A_1313, %dma_start3A_1314] : memref<200x128xf32, #tpu.memory_space<vmem>> -> memref<50x128xf32, #tpu.memory_space<vmem>>
      %dma_start3A_1316 = arith.constant 0 : i32
      %dma_start3A_1317 = arith.constant 0 : i32
      %dma_start3A_1318 = tpu.memref_slice %arg4[%add3A_1312, %dma_start3A_1316, %dma_start3A_1317] : memref<16384x50x128xf32, #tpu.memory_space<hbm>> -> memref<1x50x128xf32, #tpu.memory_space<hbm>>
      %dma_start3A_1319 = tpu.memref_squeeze %dma_start3A_1318 : memref<1x50x128xf32, #tpu.memory_space<hbm>> -> memref<50x128xf32, #tpu.memory_space<hbm>>
      %dma_start3A_1320 = arith.constant 0 : i32
      %dma_start3A_1321 = arith.constant 0 : i32
      %dma_start3A_1322 = tpu.memref_slice %arg4[%add3A_1312, %dma_start3A_1320, %dma_start3A_1321] : memref<16384x50x128xf32, #tpu.memory_space<hbm>> -> memref<1x50x128xf32, #tpu.memory_space<hbm>>
      %dma_start3A_1323 = tpu.memref_squeeze %dma_start3A_1322 : memref<1x50x128xf32, #tpu.memory_space<hbm>> -> memref<50x128xf32, #tpu.memory_space<hbm>>
      %dma_start3A_1324 = arith.constant 50 : i32
      %dma_start3A_1325 = arith.constant 0 : i32
      %dma_start3A_1326 = tpu.memref_slice %arg6[%dma_start3A_1324, %dma_start3A_1325] : memref<200x128xf32, #tpu.memory_space<vmem>> -> memref<50x128xf32, #tpu.memory_space<vmem>>
      tpu.enqueue_dma source(%dma_start3A_1326 : memref<50x128xf32, #tpu.memory_space<vmem>>) target(%dma_start3A_1323 : memref<50x128xf32, #tpu.memory_space<hbm>>) target_semaphore(%arg14 : memref<!tpu.dma_semaphore, #tpu.memory_space<semaphore_mem>>)
      %add3A_1327 = arith.constant 2 : i32
      %add3A_1328 = arith.addi %add3A_1294, %add3A_1327 : i32
      %dma_start3A_1329 = arith.constant 100 : i32
      %dma_start3A_1330 = arith.constant 0 : i32
      %dma_start3A_1331 = tpu.memref_slice %arg6[%dma_start3A_1329, %dma_start3A_1330] : memref<200x128xf32, #tpu.memory_space<vmem>> -> memref<50x128xf32, #tpu.memory_space<vmem>>
      %dma_start3A_1332 = arith.constant 0 : i32
      %dma_start3A_1333 = arith.constant 0 : i32
      %dma_start3A_1334 = tpu.memref_slice %arg4[%add3A_1328, %dma_start3A_1332, %dma_start3A_1333] : memref<16384x50x128xf32, #tpu.memory_space<hbm>> -> memref<1x50x128xf32, #tpu.memory_space<hbm>>
      %dma_start3A_1335 = tpu.memref_squeeze %dma_start3A_1334 : memref<1x50x128xf32, #tpu.memory_space<hbm>> -> memref<50x128xf32, #tpu.memory_space<hbm>>
      %dma_start3A_1336 = arith.constant 0 : i32
      %dma_start3A_1337 = arith.constant 0 : i32
      %dma_start3A_1338 = tpu.memref_slice %arg4[%add3A_1328, %dma_start3A_1336, %dma_start3A_1337] : memref<16384x50x128xf32, #tpu.memory_space<hbm>> -> memref<1x50x128xf32, #tpu.memory_space<hbm>>
      %dma_start3A_1339 = tpu.memref_squeeze %dma_start3A_1338 : memref<1x50x128xf32, #tpu.memory_space<hbm>> -> memref<50x128xf32, #tpu.memory_space<hbm>>
      %dma_start3A_1340 = arith.constant 100 : i32
      %dma_start3A_1341 = arith.constant 0 : i32
      %dma_start3A_1342 = tpu.memref_slice %arg6[%dma_start3A_1340, %dma_start3A_1341] : memref<200x128xf32, #tpu.memory_space<vmem>> -> memref<50x128xf32, #tpu.memory_space<vmem>>
      tpu.enqueue_dma source(%dma_start3A_1342 : memref<50x128xf32, #tpu.memory_space<vmem>>) target(%dma_start3A_1339 : memref<50x128xf32, #tpu.memory_space<hbm>>) target_semaphore(%arg14 : memref<!tpu.dma_semaphore, #tpu.memory_space<semaphore_mem>>)
      %add3A_1343 = arith.constant 3 : i32
      %add3A_1344 = arith.addi %add3A_1294, %add3A_1343 : i32
      %dma_start3A_1345 = arith.constant 150 : i32
      %dma_start3A_1346 = arith.constant 0 : i32
      %dma_start3A_1347 = tpu.memref_slice %arg6[%dma_start3A_1345, %dma_start3A_1346] : memref<200x128xf32, #tpu.memory_space<vmem>> -> memref<50x128xf32, #tpu.memory_space<vmem>>
      %dma_start3A_1348 = arith.constant 0 : i32
      %dma_start3A_1349 = arith.constant 0 : i32
      %dma_start3A_1350 = tpu.memref_slice %arg4[%add3A_1344, %dma_start3A_1348, %dma_start3A_1349] : memref<16384x50x128xf32, #tpu.memory_space<hbm>> -> memref<1x50x128xf32, #tpu.memory_space<hbm>>
      %dma_start3A_1351 = tpu.memref_squeeze %dma_start3A_1350 : memref<1x50x128xf32, #tpu.memory_space<hbm>> -> memref<50x128xf32, #tpu.memory_space<hbm>>
      %dma_start3A_1352 = arith.constant 0 : i32
      %dma_start3A_1353 = arith.constant 0 : i32
      %dma_start3A_1354 = tpu.memref_slice %arg4[%add3A_1344, %dma_start3A_1352, %dma_start3A_1353] : memref<16384x50x128xf32, #tpu.memory_space<hbm>> -> memref<1x50x128xf32, #tpu.memory_space<hbm>>
      %dma_start3A_1355 = tpu.memref_squeeze %dma_start3A_1354 : memref<1x50x128xf32, #tpu.memory_space<hbm>> -> memref<50x128xf32, #tpu.memory_space<hbm>>
      %dma_start3A_1356 = arith.constant 150 : i32
      %dma_start3A_1357 = arith.constant 0 : i32
      %dma_start3A_1358 = tpu.memref_slice %arg6[%dma_start3A_1356, %dma_start3A_1357] : memref<200x128xf32, #tpu.memory_space<vmem>> -> memref<50x128xf32, #tpu.memory_space<vmem>>
      tpu.enqueue_dma source(%dma_start3A_1358 : memref<50x128xf32, #tpu.memory_space<vmem>>) target(%dma_start3A_1355 : memref<50x128xf32, #tpu.memory_space<hbm>>) target_semaphore(%arg14 : memref<!tpu.dma_semaphore, #tpu.memory_space<semaphore_mem>>)
      %dma_wait3A_1359 = arith.constant 0 : i32
      %dma_wait3A_1360 = arith.constant 0 : i32
      %dma_wait3A_1361 = arith.constant 0 : i32
      %dma_wait3A_1362 = tpu.memref_slice %arg8[%dma_wait3A_1360, %dma_wait3A_1361] : memref<200x128xf32, #tpu.memory_space<vmem>> -> memref<50x128xf32, #tpu.memory_space<vmem>>
      %dma_wait3A_1363 = arith.constant 0 : i32
      %dma_wait3A_1364 = arith.constant 0 : i32
      %dma_wait3A_1365 = tpu.memref_slice %arg4[%dma_wait3A_1359, %dma_wait3A_1363, %dma_wait3A_1364] : memref<16384x50x128xf32, #tpu.memory_space<hbm>> -> memref<1x50x128xf32, #tpu.memory_space<hbm>>
      %dma_wait3A_1366 = tpu.memref_squeeze %dma_wait3A_1365 : memref<1x50x128xf32, #tpu.memory_space<hbm>> -> memref<50x128xf32, #tpu.memory_space<hbm>>
      %dma_wait3A_1367 = arith.constant 0 : i32
      %dma_wait3A_1368 = arith.constant 0 : i32
      %dma_wait3A_1369 = tpu.memref_slice %arg4[%dma_wait3A_1359, %dma_wait3A_1367, %dma_wait3A_1368] : memref<16384x50x128xf32, #tpu.memory_space<hbm>> -> memref<1x50x128xf32, #tpu.memory_space<hbm>>
      %dma_wait3A_1370 = tpu.memref_squeeze %dma_wait3A_1369 : memref<1x50x128xf32, #tpu.memory_space<hbm>> -> memref<50x128xf32, #tpu.memory_space<hbm>>
      %dma_wait3A_1371 = arith.constant 0 : i32
      %dma_wait3A_1372 = arith.constant 0 : i32
      %dma_wait3A_1373 = tpu.memref_slice %arg8[%dma_wait3A_1371, %dma_wait3A_1372] : memref<200x128xf32, #tpu.memory_space<vmem>> -> memref<50x128xf32, #tpu.memory_space<vmem>>
      tpu.wait_dma2 semaphore(%arg16 : memref<!tpu.dma_semaphore, #tpu.memory_space<semaphore_mem>>) src(%dma_wait3A_1373 : memref<50x128xf32, #tpu.memory_space<vmem>>) dst(%dma_wait3A_1370 : memref<50x128xf32, #tpu.memory_space<hbm>>)
      %dma_wait3A_1374 = arith.constant 0 : i32
      %dma_wait3A_1375 = arith.constant 50 : i32
      %dma_wait3A_1376 = arith.constant 0 : i32
      %dma_wait3A_1377 = tpu.memref_slice %arg8[%dma_wait3A_1375, %dma_wait3A_1376] : memref<200x128xf32, #tpu.memory_space<vmem>> -> memref<50x128xf32, #tpu.memory_space<vmem>>
      %dma_wait3A_1378 = arith.constant 0 : i32
      %dma_wait3A_1379 = arith.constant 0 : i32
      %dma_wait3A_1380 = tpu.memref_slice %arg4[%dma_wait3A_1374, %dma_wait3A_1378, %dma_wait3A_1379] : memref<16384x50x128xf32, #tpu.memory_space<hbm>> -> memref<1x50x128xf32, #tpu.memory_space<hbm>>
      %dma_wait3A_1381 = tpu.memref_squeeze %dma_wait3A_1380 : memref<1x50x128xf32, #tpu.memory_space<hbm>> -> memref<50x128xf32, #tpu.memory_space<hbm>>
      %dma_wait3A_1382 = arith.constant 0 : i32
      %dma_wait3A_1383 = arith.constant 0 : i32
      %dma_wait3A_1384 = tpu.memref_slice %arg4[%dma_wait3A_1374, %dma_wait3A_1382, %dma_wait3A_1383] : memref<16384x50x128xf32, #tpu.memory_space<hbm>> -> memref<1x50x128xf32, #tpu.memory_space<hbm>>
      %dma_wait3A_1385 = tpu.memref_squeeze %dma_wait3A_1384 : memref<1x50x128xf32, #tpu.memory_space<hbm>> -> memref<50x128xf32, #tpu.memory_space<hbm>>
      %dma_wait3A_1386 = arith.constant 50 : i32
      %dma_wait3A_1387 = arith.constant 0 : i32
      %dma_wait3A_1388 = tpu.memref_slice %arg8[%dma_wait3A_1386, %dma_wait3A_1387] : memref<200x128xf32, #tpu.memory_space<vmem>> -> memref<50x128xf32, #tpu.memory_space<vmem>>
      tpu.wait_dma2 semaphore(%arg16 : memref<!tpu.dma_semaphore, #tpu.memory_space<semaphore_mem>>) src(%dma_wait3A_1388 : memref<50x128xf32, #tpu.memory_space<vmem>>) dst(%dma_wait3A_1385 : memref<50x128xf32, #tpu.memory_space<hbm>>)
      %dma_wait3A_1389 = arith.constant 0 : i32
      %dma_wait3A_1390 = arith.constant 100 : i32
      %dma_wait3A_1391 = arith.constant 0 : i32
      %dma_wait3A_1392 = tpu.memref_slice %arg8[%dma_wait3A_1390, %dma_wait3A_1391] : memref<200x128xf32, #tpu.memory_space<vmem>> -> memref<50x128xf32, #tpu.memory_space<vmem>>
      %dma_wait3A_1393 = arith.constant 0 : i32
      %dma_wait3A_1394 = arith.constant 0 : i32
      %dma_wait3A_1395 = tpu.memref_slice %arg4[%dma_wait3A_1389, %dma_wait3A_1393, %dma_wait3A_1394] : memref<16384x50x128xf32, #tpu.memory_space<hbm>> -> memref<1x50x128xf32, #tpu.memory_space<hbm>>
      %dma_wait3A_1396 = tpu.memref_squeeze %dma_wait3A_1395 : memref<1x50x128xf32, #tpu.memory_space<hbm>> -> memref<50x128xf32, #tpu.memory_space<hbm>>
      %dma_wait3A_1397 = arith.constant 0 : i32
      %dma_wait3A_1398 = arith.constant 0 : i32
      %dma_wait3A_1399 = tpu.memref_slice %arg4[%dma_wait3A_1389, %dma_wait3A_1397, %dma_wait3A_1398] : memref<16384x50x128xf32, #tpu.memory_space<hbm>> -> memref<1x50x128xf32, #tpu.memory_space<hbm>>
      %dma_wait3A_1400 = tpu.memref_squeeze %dma_wait3A_1399 : memref<1x50x128xf32, #tpu.memory_space<hbm>> -> memref<50x128xf32, #tpu.memory_space<hbm>>
      %dma_wait3A_1401 = arith.constant 100 : i32
      %dma_wait3A_1402 = arith.constant 0 : i32
      %dma_wait3A_1403 = tpu.memref_slice %arg8[%dma_wait3A_1401, %dma_wait3A_1402] : memref<200x128xf32, #tpu.memory_space<vmem>> -> memref<50x128xf32, #tpu.memory_space<vmem>>
      tpu.wait_dma2 semaphore(%arg16 : memref<!tpu.dma_semaphore, #tpu.memory_space<semaphore_mem>>) src(%dma_wait3A_1403 : memref<50x128xf32, #tpu.memory_space<vmem>>) dst(%dma_wait3A_1400 : memref<50x128xf32, #tpu.memory_space<hbm>>)
      %dma_wait3A_1404 = arith.constant 0 : i32
      %dma_wait3A_1405 = arith.constant 150 : i32
      %dma_wait3A_1406 = arith.constant 0 : i32
      %dma_wait3A_1407 = tpu.memref_slice %arg8[%dma_wait3A_1405, %dma_wait3A_1406] : memref<200x128xf32, #tpu.memory_space<vmem>> -> memref<50x128xf32, #tpu.memory_space<vmem>>
      %dma_wait3A_1408 = arith.constant 0 : i32
      %dma_wait3A_1409 = arith.constant 0 : i32
      %dma_wait3A_1410 = tpu.memref_slice %arg4[%dma_wait3A_1404, %dma_wait3A_1408, %dma_wait3A_1409] : memref<16384x50x128xf32, #tpu.memory_space<hbm>> -> memref<1x50x128xf32, #tpu.memory_space<hbm>>
      %dma_wait3A_1411 = tpu.memref_squeeze %dma_wait3A_1410 : memref<1x50x128xf32, #tpu.memory_space<hbm>> -> memref<50x128xf32, #tpu.memory_space<hbm>>
      %dma_wait3A_1412 = arith.constant 0 : i32
      %dma_wait3A_1413 = arith.constant 0 : i32
      %dma_wait3A_1414 = tpu.memref_slice %arg4[%dma_wait3A_1404, %dma_wait3A_1412, %dma_wait3A_1413] : memref<16384x50x128xf32, #tpu.memory_space<hbm>> -> memref<1x50x128xf32, #tpu.memory_space<hbm>>
      %dma_wait3A_1415 = tpu.memref_squeeze %dma_wait3A_1414 : memref<1x50x128xf32, #tpu.memory_space<hbm>> -> memref<50x128xf32, #tpu.memory_space<hbm>>
      %dma_wait3A_1416 = arith.constant 150 : i32
      %dma_wait3A_1417 = arith.constant 0 : i32
      %dma_wait3A_1418 = tpu.memref_slice %arg8[%dma_wait3A_1416, %dma_wait3A_1417] : memref<200x128xf32, #tpu.memory_space<vmem>> -> memref<50x128xf32, #tpu.memory_space<vmem>>
      tpu.wait_dma2 semaphore(%arg16 : memref<!tpu.dma_semaphore, #tpu.memory_space<semaphore_mem>>) src(%dma_wait3A_1418 : memref<50x128xf32, #tpu.memory_space<vmem>>) dst(%dma_wait3A_1415 : memref<50x128xf32, #tpu.memory_space<hbm>>)
      %add3A_1419 = arith.constant 2 : i32
      %add3A_1420 = arith.addi %add3A_1275, %add3A_1419 : i32
      %mul3A_1421 = arith.constant 200 : i32
      %mul3A_1422 = arith.muli %add3A_1420, %mul3A_1421 : i32
      %add3A_1423 = arith.constant 0 : i32
      %add3A_1424 = arith.addi %mul3A_1422, %add3A_1423 : i32
      %dma_start3A_1425 = arith.constant 0 : i32
      %dma_start3A_1426 = arith.constant 0 : i32
      %dma_start3A_1427 = tpu.memref_slice %arg8[%dma_start3A_1425, %dma_start3A_1426] : memref<200x128xf32, #tpu.memory_space<vmem>> -> memref<104x128xf32, #tpu.memory_space<vmem>>
      %dma_start3A_1428 = tpu.memref_slice %arg5[%add3A_1424] : memref<25600xi32, #tpu.memory_space<vmem>> -> memref<104xi32, #tpu.memory_space<vmem>>
      %dma_start3A_1429 = arith.constant 0 : i32
      %dma_start3A_1430 = arith.constant 0 : i32
      %dma_start3A_1431 = tpu.memref_slice %arg3[%dma_start3A_1429, %dma_start3A_1430] : memref<100000x128xf32, #tpu.memory_space<hbm>> -> memref<100000x128xf32, #tpu.memory_space<hbm>>
      tpu.enqueue_indirect_dma source(%dma_start3A_1431 : memref<100000x128xf32, #tpu.memory_space<hbm>>) target(%dma_start3A_1427 : memref<104x128xf32, #tpu.memory_space<vmem>>) offsets(%dma_start3A_1428 : memref<104xi32, #tpu.memory_space<vmem>>) semaphore(%arg12 : memref<!tpu.dma_semaphore, #tpu.memory_space<semaphore_mem>>)
      %mul3A_1432 = arith.constant 200 : i32
      %mul3A_1433 = arith.muli %add3A_1420, %mul3A_1432 : i32
      %add3A_1434 = arith.constant 104 : i32
      %add3A_1435 = arith.addi %mul3A_1433, %add3A_1434 : i32
      %dma_start3A_1436 = arith.constant 104 : i32
      %dma_start3A_1437 = arith.constant 0 : i32
      %dma_start3A_1438 = tpu.memref_slice %arg8[%dma_start3A_1436, %dma_start3A_1437] : memref<200x128xf32, #tpu.memory_space<vmem>> -> memref<96x128xf32, #tpu.memory_space<vmem>>
      %dma_start3A_1439 = tpu.memref_slice %arg5[%add3A_1435] : memref<25600xi32, #tpu.memory_space<vmem>> -> memref<96xi32, #tpu.memory_space<vmem>>
      %dma_start3A_1440 = arith.constant 0 : i32
      %dma_start3A_1441 = arith.constant 0 : i32
      %dma_start3A_1442 = tpu.memref_slice %arg3[%dma_start3A_1440, %dma_start3A_1441] : memref<100000x128xf32, #tpu.memory_space<hbm>> -> memref<100000x128xf32, #tpu.memory_space<hbm>>
      tpu.enqueue_indirect_dma source(%dma_start3A_1442 : memref<100000x128xf32, #tpu.memory_space<hbm>>) target(%dma_start3A_1438 : memref<96x128xf32, #tpu.memory_space<vmem>>) offsets(%dma_start3A_1439 : memref<96xi32, #tpu.memory_space<vmem>>) semaphore(%arg12 : memref<!tpu.dma_semaphore, #tpu.memory_space<semaphore_mem>>)
      %add3A_1443 = arith.constant 1 : i32
      %add3A_1444 = arith.addi %add3A_1273, %add3A_1443 : i32
      %dma_wait3A_1445 = arith.constant 0 : i32
      %dma_wait3A_1446 = arith.constant 0 : i32
      %dma_wait3A_1447 = tpu.memref_slice %arg7[%dma_wait3A_1445, %dma_wait3A_1446] : memref<200x128xf32, #tpu.memory_space<vmem>> -> memref<104x128xf32, #tpu.memory_space<vmem>>
      %dma_wait3A_1448 = arith.constant 0 : i32
      %dma_wait3A_1449 = tpu.memref_slice %arg5[%dma_wait3A_1448] : memref<25600xi32, #tpu.memory_space<vmem>> -> memref<104xi32, #tpu.memory_space<vmem>>
      %dma_wait3A_1450 = arith.constant 0 : i32
      %dma_wait3A_1451 = arith.constant 0 : i32
      %dma_wait3A_1452 = tpu.memref_slice %arg3[%dma_wait3A_1450, %dma_wait3A_1451] : memref<100000x128xf32, #tpu.memory_space<hbm>> -> memref<100000x128xf32, #tpu.memory_space<hbm>>
      tpu.wait_indirect_dma semaphore(%arg11 : memref<!tpu.dma_semaphore, #tpu.memory_space<semaphore_mem>>) src(%dma_wait3A_1452 : memref<100000x128xf32, #tpu.memory_space<hbm>>) dst(%dma_wait3A_1447 : memref<104x128xf32, #tpu.memory_space<vmem>>)
      %dma_wait3A_1453 = arith.constant 104 : i32
      %dma_wait3A_1454 = arith.constant 0 : i32
      %dma_wait3A_1455 = tpu.memref_slice %arg7[%dma_wait3A_1453, %dma_wait3A_1454] : memref<200x128xf32, #tpu.memory_space<vmem>> -> memref<96x128xf32, #tpu.memory_space<vmem>>
      %dma_wait3A_1456 = arith.constant 0 : i32
      %dma_wait3A_1457 = tpu.memref_slice %arg5[%dma_wait3A_1456] : memref<25600xi32, #tpu.memory_space<vmem>> -> memref<96xi32, #tpu.memory_space<vmem>>
      %dma_wait3A_1458 = arith.constant 0 : i32
      %dma_wait3A_1459 = arith.constant 0 : i32
      %dma_wait3A_1460 = tpu.memref_slice %arg3[%dma_wait3A_1458, %dma_wait3A_1459] : memref<100000x128xf32, #tpu.memory_space<hbm>> -> memref<100000x128xf32, #tpu.memory_space<hbm>>
      tpu.wait_indirect_dma semaphore(%arg11 : memref<!tpu.dma_semaphore, #tpu.memory_space<semaphore_mem>>) src(%dma_wait3A_1460 : memref<100000x128xf32, #tpu.memory_space<hbm>>) dst(%dma_wait3A_1455 : memref<96x128xf32, #tpu.memory_space<vmem>>)
      %mul3A_1461 = arith.constant 4 : i32
      %mul3A_1462 = arith.muli %add3A_1444, %mul3A_1461 : i32
      %add3A_1463 = arith.addi %mul3A_2, %mul3A_1462 : i32
      %add3A_1464 = arith.constant 0 : i32
      %add3A_1465 = arith.addi %add3A_1463, %add3A_1464 : i32
      %dma_start3A_1466 = arith.constant 0 : i32
      %dma_start3A_1467 = arith.constant 0 : i32
      %dma_start3A_1468 = tpu.memref_slice %arg7[%dma_start3A_1466, %dma_start3A_1467] : memref<200x128xf32, #tpu.memory_space<vmem>> -> memref<50x128xf32, #tpu.memory_space<vmem>>
      %dma_start3A_1469 = arith.constant 0 : i32
      %dma_start3A_1470 = arith.constant 0 : i32
      %dma_start3A_1471 = tpu.memref_slice %arg4[%add3A_1465, %dma_start3A_1469, %dma_start3A_1470] : memref<16384x50x128xf32, #tpu.memory_space<hbm>> -> memref<1x50x128xf32, #tpu.memory_space<hbm>>
      %dma_start3A_1472 = tpu.memref_squeeze %dma_start3A_1471 : memref<1x50x128xf32, #tpu.memory_space<hbm>> -> memref<50x128xf32, #tpu.memory_space<hbm>>
      %dma_start3A_1473 = arith.constant 0 : i32
      %dma_start3A_1474 = arith.constant 0 : i32
      %dma_start3A_1475 = tpu.memref_slice %arg4[%add3A_1465, %dma_start3A_1473, %dma_start3A_1474] : memref<16384x50x128xf32, #tpu.memory_space<hbm>> -> memref<1x50x128xf32, #tpu.memory_space<hbm>>
      %dma_start3A_1476 = tpu.memref_squeeze %dma_start3A_1475 : memref<1x50x128xf32, #tpu.memory_space<hbm>> -> memref<50x128xf32, #tpu.memory_space<hbm>>
      %dma_start3A_1477 = arith.constant 0 : i32
      %dma_start3A_1478 = arith.constant 0 : i32
      %dma_start3A_1479 = tpu.memref_slice %arg7[%dma_start3A_1477, %dma_start3A_1478] : memref<200x128xf32, #tpu.memory_space<vmem>> -> memref<50x128xf32, #tpu.memory_space<vmem>>
      tpu.enqueue_dma source(%dma_start3A_1479 : memref<50x128xf32, #tpu.memory_space<vmem>>) target(%dma_start3A_1476 : memref<50x128xf32, #tpu.memory_space<hbm>>) target_semaphore(%arg15 : memref<!tpu.dma_semaphore, #tpu.memory_space<semaphore_mem>>)
      %add3A_1480 = arith.constant 1 : i32
      %add3A_1481 = arith.addi %add3A_1463, %add3A_1480 : i32
      %dma_start3A_1482 = arith.constant 50 : i32
      %dma_start3A_1483 = arith.constant 0 : i32
      %dma_start3A_1484 = tpu.memref_slice %arg7[%dma_start3A_1482, %dma_start3A_1483] : memref<200x128xf32, #tpu.memory_space<vmem>> -> memref<50x128xf32, #tpu.memory_space<vmem>>
      %dma_start3A_1485 = arith.constant 0 : i32
      %dma_start3A_1486 = arith.constant 0 : i32
      %dma_start3A_1487 = tpu.memref_slice %arg4[%add3A_1481, %dma_start3A_1485, %dma_start3A_1486] : memref<16384x50x128xf32, #tpu.memory_space<hbm>> -> memref<1x50x128xf32, #tpu.memory_space<hbm>>
      %dma_start3A_1488 = tpu.memref_squeeze %dma_start3A_1487 : memref<1x50x128xf32, #tpu.memory_space<hbm>> -> memref<50x128xf32, #tpu.memory_space<hbm>>
      %dma_start3A_1489 = arith.constant 0 : i32
      %dma_start3A_1490 = arith.constant 0 : i32
      %dma_start3A_1491 = tpu.memref_slice %arg4[%add3A_1481, %dma_start3A_1489, %dma_start3A_1490] : memref<16384x50x128xf32, #tpu.memory_space<hbm>> -> memref<1x50x128xf32, #tpu.memory_space<hbm>>
      %dma_start3A_1492 = tpu.memref_squeeze %dma_start3A_1491 : memref<1x50x128xf32, #tpu.memory_space<hbm>> -> memref<50x128xf32, #tpu.memory_space<hbm>>
      %dma_start3A_1493 = arith.constant 50 : i32
      %dma_start3A_1494 = arith.constant 0 : i32
      %dma_start3A_1495 = tpu.memref_slice %arg7[%dma_start3A_1493, %dma_start3A_1494] : memref<200x128xf32, #tpu.memory_space<vmem>> -> memref<50x128xf32, #tpu.memory_space<vmem>>
      tpu.enqueue_dma source(%dma_start3A_1495 : memref<50x128xf32, #tpu.memory_space<vmem>>) target(%dma_start3A_1492 : memref<50x128xf32, #tpu.memory_space<hbm>>) target_semaphore(%arg15 : memref<!tpu.dma_semaphore, #tpu.memory_space<semaphore_mem>>)
      %add3A_1496 = arith.constant 2 : i32
      %add3A_1497 = arith.addi %add3A_1463, %add3A_1496 : i32
      %dma_start3A_1498 = arith.constant 100 : i32
      %dma_start3A_1499 = arith.constant 0 : i32
      %dma_start3A_1500 = tpu.memref_slice %arg7[%dma_start3A_1498, %dma_start3A_1499] : memref<200x128xf32, #tpu.memory_space<vmem>> -> memref<50x128xf32, #tpu.memory_space<vmem>>
      %dma_start3A_1501 = arith.constant 0 : i32
      %dma_start3A_1502 = arith.constant 0 : i32
      %dma_start3A_1503 = tpu.memref_slice %arg4[%add3A_1497, %dma_start3A_1501, %dma_start3A_1502] : memref<16384x50x128xf32, #tpu.memory_space<hbm>> -> memref<1x50x128xf32, #tpu.memory_space<hbm>>
      %dma_start3A_1504 = tpu.memref_squeeze %dma_start3A_1503 : memref<1x50x128xf32, #tpu.memory_space<hbm>> -> memref<50x128xf32, #tpu.memory_space<hbm>>
      %dma_start3A_1505 = arith.constant 0 : i32
      %dma_start3A_1506 = arith.constant 0 : i32
      %dma_start3A_1507 = tpu.memref_slice %arg4[%add3A_1497, %dma_start3A_1505, %dma_start3A_1506] : memref<16384x50x128xf32, #tpu.memory_space<hbm>> -> memref<1x50x128xf32, #tpu.memory_space<hbm>>
      %dma_start3A_1508 = tpu.memref_squeeze %dma_start3A_1507 : memref<1x50x128xf32, #tpu.memory_space<hbm>> -> memref<50x128xf32, #tpu.memory_space<hbm>>
      %dma_start3A_1509 = arith.constant 100 : i32
      %dma_start3A_1510 = arith.constant 0 : i32
      %dma_start3A_1511 = tpu.memref_slice %arg7[%dma_start3A_1509, %dma_start3A_1510] : memref<200x128xf32, #tpu.memory_space<vmem>> -> memref<50x128xf32, #tpu.memory_space<vmem>>
      tpu.enqueue_dma source(%dma_start3A_1511 : memref<50x128xf32, #tpu.memory_space<vmem>>) target(%dma_start3A_1508 : memref<50x128xf32, #tpu.memory_space<hbm>>) target_semaphore(%arg15 : memref<!tpu.dma_semaphore, #tpu.memory_space<semaphore_mem>>)
      %add3A_1512 = arith.constant 3 : i32
      %add3A_1513 = arith.addi %add3A_1463, %add3A_1512 : i32
      %dma_start3A_1514 = arith.constant 150 : i32
      %dma_start3A_1515 = arith.constant 0 : i32
      %dma_start3A_1516 = tpu.memref_slice %arg7[%dma_start3A_1514, %dma_start3A_1515] : memref<200x128xf32, #tpu.memory_space<vmem>> -> memref<50x128xf32, #tpu.memory_space<vmem>>
      %dma_start3A_1517 = arith.constant 0 : i32
      %dma_start3A_1518 = arith.constant 0 : i32
      %dma_start3A_1519 = tpu.memref_slice %arg4[%add3A_1513, %dma_start3A_1517, %dma_start3A_1518] : memref<16384x50x128xf32, #tpu.memory_space<hbm>> -> memref<1x50x128xf32, #tpu.memory_space<hbm>>
      %dma_start3A_1520 = tpu.memref_squeeze %dma_start3A_1519 : memref<1x50x128xf32, #tpu.memory_space<hbm>> -> memref<50x128xf32, #tpu.memory_space<hbm>>
      %dma_start3A_1521 = arith.constant 0 : i32
      %dma_start3A_1522 = arith.constant 0 : i32
      %dma_start3A_1523 = tpu.memref_slice %arg4[%add3A_1513, %dma_start3A_1521, %dma_start3A_1522] : memref<16384x50x128xf32, #tpu.memory_space<hbm>> -> memref<1x50x128xf32, #tpu.memory_space<hbm>>
      %dma_start3A_1524 = tpu.memref_squeeze %dma_start3A_1523 : memref<1x50x128xf32, #tpu.memory_space<hbm>> -> memref<50x128xf32, #tpu.memory_space<hbm>>
      %dma_start3A_1525 = arith.constant 150 : i32
      %dma_start3A_1526 = arith.constant 0 : i32
      %dma_start3A_1527 = tpu.memref_slice %arg7[%dma_start3A_1525, %dma_start3A_1526] : memref<200x128xf32, #tpu.memory_space<vmem>> -> memref<50x128xf32, #tpu.memory_space<vmem>>
      tpu.enqueue_dma source(%dma_start3A_1527 : memref<50x128xf32, #tpu.memory_space<vmem>>) target(%dma_start3A_1524 : memref<50x128xf32, #tpu.memory_space<hbm>>) target_semaphore(%arg15 : memref<!tpu.dma_semaphore, #tpu.memory_space<semaphore_mem>>)
      %dma_wait3A_1528 = arith.constant 0 : i32
      %dma_wait3A_1529 = arith.constant 0 : i32
      %dma_wait3A_1530 = arith.constant 0 : i32
      %dma_wait3A_1531 = tpu.memref_slice %arg9[%dma_wait3A_1529, %dma_wait3A_1530] : memref<200x128xf32, #tpu.memory_space<vmem>> -> memref<50x128xf32, #tpu.memory_space<vmem>>
      %dma_wait3A_1532 = arith.constant 0 : i32
      %dma_wait3A_1533 = arith.constant 0 : i32
      %dma_wait3A_1534 = tpu.memref_slice %arg4[%dma_wait3A_1528, %dma_wait3A_1532, %dma_wait3A_1533] : memref<16384x50x128xf32, #tpu.memory_space<hbm>> -> memref<1x50x128xf32, #tpu.memory_space<hbm>>
      %dma_wait3A_1535 = tpu.memref_squeeze %dma_wait3A_1534 : memref<1x50x128xf32, #tpu.memory_space<hbm>> -> memref<50x128xf32, #tpu.memory_space<hbm>>
      %dma_wait3A_1536 = arith.constant 0 : i32
      %dma_wait3A_1537 = arith.constant 0 : i32
      %dma_wait3A_1538 = tpu.memref_slice %arg4[%dma_wait3A_1528, %dma_wait3A_1536, %dma_wait3A_1537] : memref<16384x50x128xf32, #tpu.memory_space<hbm>> -> memref<1x50x128xf32, #tpu.memory_space<hbm>>
      %dma_wait3A_1539 = tpu.memref_squeeze %dma_wait3A_1538 : memref<1x50x128xf32, #tpu.memory_space<hbm>> -> memref<50x128xf32, #tpu.memory_space<hbm>>
      %dma_wait3A_1540 = arith.constant 0 : i32
      %dma_wait3A_1541 = arith.constant 0 : i32
      %dma_wait3A_1542 = tpu.memref_slice %arg9[%dma_wait3A_1540, %dma_wait3A_1541] : memref<200x128xf32, #tpu.memory_space<vmem>> -> memref<50x128xf32, #tpu.memory_space<vmem>>
      tpu.wait_dma2 semaphore(%arg17 : memref<!tpu.dma_semaphore, #tpu.memory_space<semaphore_mem>>) src(%dma_wait3A_1542 : memref<50x128xf32, #tpu.memory_space<vmem>>) dst(%dma_wait3A_1539 : memref<50x128xf32, #tpu.memory_space<hbm>>)
      %dma_wait3A_1543 = arith.constant 0 : i32
      %dma_wait3A_1544 = arith.constant 50 : i32
      %dma_wait3A_1545 = arith.constant 0 : i32
      %dma_wait3A_1546 = tpu.memref_slice %arg9[%dma_wait3A_1544, %dma_wait3A_1545] : memref<200x128xf32, #tpu.memory_space<vmem>> -> memref<50x128xf32, #tpu.memory_space<vmem>>
      %dma_wait3A_1547 = arith.constant 0 : i32
      %dma_wait3A_1548 = arith.constant 0 : i32
      %dma_wait3A_1549 = tpu.memref_slice %arg4[%dma_wait3A_1543, %dma_wait3A_1547, %dma_wait3A_1548] : memref<16384x50x128xf32, #tpu.memory_space<hbm>> -> memref<1x50x128xf32, #tpu.memory_space<hbm>>
      %dma_wait3A_1550 = tpu.memref_squeeze %dma_wait3A_1549 : memref<1x50x128xf32, #tpu.memory_space<hbm>> -> memref<50x128xf32, #tpu.memory_space<hbm>>
      %dma_wait3A_1551 = arith.constant 0 : i32
      %dma_wait3A_1552 = arith.constant 0 : i32
      %dma_wait3A_1553 = tpu.memref_slice %arg4[%dma_wait3A_1543, %dma_wait3A_1551, %dma_wait3A_1552] : memref<16384x50x128xf32, #tpu.memory_space<hbm>> -> memref<1x50x128xf32, #tpu.memory_space<hbm>>
      %dma_wait3A_1554 = tpu.memref_squeeze %dma_wait3A_1553 : memref<1x50x128xf32, #tpu.memory_space<hbm>> -> memref<50x128xf32, #tpu.memory_space<hbm>>
      %dma_wait3A_1555 = arith.constant 50 : i32
      %dma_wait3A_1556 = arith.constant 0 : i32
      %dma_wait3A_1557 = tpu.memref_slice %arg9[%dma_wait3A_1555, %dma_wait3A_1556] : memref<200x128xf32, #tpu.memory_space<vmem>> -> memref<50x128xf32, #tpu.memory_space<vmem>>
      tpu.wait_dma2 semaphore(%arg17 : memref<!tpu.dma_semaphore, #tpu.memory_space<semaphore_mem>>) src(%dma_wait3A_1557 : memref<50x128xf32, #tpu.memory_space<vmem>>) dst(%dma_wait3A_1554 : memref<50x128xf32, #tpu.memory_space<hbm>>)
      %dma_wait3A_1558 = arith.constant 0 : i32
      %dma_wait3A_1559 = arith.constant 100 : i32
      %dma_wait3A_1560 = arith.constant 0 : i32
      %dma_wait3A_1561 = tpu.memref_slice %arg9[%dma_wait3A_1559, %dma_wait3A_1560] : memref<200x128xf32, #tpu.memory_space<vmem>> -> memref<50x128xf32, #tpu.memory_space<vmem>>
      %dma_wait3A_1562 = arith.constant 0 : i32
      %dma_wait3A_1563 = arith.constant 0 : i32
      %dma_wait3A_1564 = tpu.memref_slice %arg4[%dma_wait3A_1558, %dma_wait3A_1562, %dma_wait3A_1563] : memref<16384x50x128xf32, #tpu.memory_space<hbm>> -> memref<1x50x128xf32, #tpu.memory_space<hbm>>
      %dma_wait3A_1565 = tpu.memref_squeeze %dma_wait3A_1564 : memref<1x50x128xf32, #tpu.memory_space<hbm>> -> memref<50x128xf32, #tpu.memory_space<hbm>>
      %dma_wait3A_1566 = arith.constant 0 : i32
      %dma_wait3A_1567 = arith.constant 0 : i32
      %dma_wait3A_1568 = tpu.memref_slice %arg4[%dma_wait3A_1558, %dma_wait3A_1566, %dma_wait3A_1567] : memref<16384x50x128xf32, #tpu.memory_space<hbm>> -> memref<1x50x128xf32, #tpu.memory_space<hbm>>
      %dma_wait3A_1569 = tpu.memref_squeeze %dma_wait3A_1568 : memref<1x50x128xf32, #tpu.memory_space<hbm>> -> memref<50x128xf32, #tpu.memory_space<hbm>>
      %dma_wait3A_1570 = arith.constant 100 : i32
      %dma_wait3A_1571 = arith.constant 0 : i32
      %dma_wait3A_1572 = tpu.memref_slice %arg9[%dma_wait3A_1570, %dma_wait3A_1571] : memref<200x128xf32, #tpu.memory_space<vmem>> -> memref<50x128xf32, #tpu.memory_space<vmem>>
      tpu.wait_dma2 semaphore(%arg17 : memref<!tpu.dma_semaphore, #tpu.memory_space<semaphore_mem>>) src(%dma_wait3A_1572 : memref<50x128xf32, #tpu.memory_space<vmem>>) dst(%dma_wait3A_1569 : memref<50x128xf32, #tpu.memory_space<hbm>>)
      %dma_wait3A_1573 = arith.constant 0 : i32
      %dma_wait3A_1574 = arith.constant 150 : i32
      %dma_wait3A_1575 = arith.constant 0 : i32
      %dma_wait3A_1576 = tpu.memref_slice %arg9[%dma_wait3A_1574, %dma_wait3A_1575] : memref<200x128xf32, #tpu.memory_space<vmem>> -> memref<50x128xf32, #tpu.memory_space<vmem>>
      %dma_wait3A_1577 = arith.constant 0 : i32
      %dma_wait3A_1578 = arith.constant 0 : i32
      %dma_wait3A_1579 = tpu.memref_slice %arg4[%dma_wait3A_1573, %dma_wait3A_1577, %dma_wait3A_1578] : memref<16384x50x128xf32, #tpu.memory_space<hbm>> -> memref<1x50x128xf32, #tpu.memory_space<hbm>>
      %dma_wait3A_1580 = tpu.memref_squeeze %dma_wait3A_1579 : memref<1x50x128xf32, #tpu.memory_space<hbm>> -> memref<50x128xf32, #tpu.memory_space<hbm>>
      %dma_wait3A_1581 = arith.constant 0 : i32
      %dma_wait3A_1582 = arith.constant 0 : i32
      %dma_wait3A_1583 = tpu.memref_slice %arg4[%dma_wait3A_1573, %dma_wait3A_1581, %dma_wait3A_1582] : memref<16384x50x128xf32, #tpu.memory_space<hbm>> -> memref<1x50x128xf32, #tpu.memory_space<hbm>>
      %dma_wait3A_1584 = tpu.memref_squeeze %dma_wait3A_1583 : memref<1x50x128xf32, #tpu.memory_space<hbm>> -> memref<50x128xf32, #tpu.memory_space<hbm>>
      %dma_wait3A_1585 = arith.constant 150 : i32
      %dma_wait3A_1586 = arith.constant 0 : i32
      %dma_wait3A_1587 = tpu.memref_slice %arg9[%dma_wait3A_1585, %dma_wait3A_1586] : memref<200x128xf32, #tpu.memory_space<vmem>> -> memref<50x128xf32, #tpu.memory_space<vmem>>
      tpu.wait_dma2 semaphore(%arg17 : memref<!tpu.dma_semaphore, #tpu.memory_space<semaphore_mem>>) src(%dma_wait3A_1587 : memref<50x128xf32, #tpu.memory_space<vmem>>) dst(%dma_wait3A_1584 : memref<50x128xf32, #tpu.memory_space<hbm>>)
      %add3A_1588 = arith.constant 2 : i32
      %add3A_1589 = arith.addi %add3A_1444, %add3A_1588 : i32
      %mul3A_1590 = arith.constant 200 : i32
      %mul3A_1591 = arith.muli %add3A_1589, %mul3A_1590 : i32
      %add3A_1592 = arith.constant 0 : i32
      %add3A_1593 = arith.addi %mul3A_1591, %add3A_1592 : i32
      %dma_start3A_1594 = arith.constant 0 : i32
      %dma_start3A_1595 = arith.constant 0 : i32
      %dma_start3A_1596 = tpu.memref_slice %arg9[%dma_start3A_1594, %dma_start3A_1595] : memref<200x128xf32, #tpu.memory_space<vmem>> -> memref<104x128xf32, #tpu.memory_space<vmem>>
      %dma_start3A_1597 = tpu.memref_slice %arg5[%add3A_1593] : memref<25600xi32, #tpu.memory_space<vmem>> -> memref<104xi32, #tpu.memory_space<vmem>>
      %dma_start3A_1598 = arith.constant 0 : i32
      %dma_start3A_1599 = arith.constant 0 : i32
      %dma_start3A_1600 = tpu.memref_slice %arg3[%dma_start3A_1598, %dma_start3A_1599] : memref<100000x128xf32, #tpu.memory_space<hbm>> -> memref<100000x128xf32, #tpu.memory_space<hbm>>
      tpu.enqueue_indirect_dma source(%dma_start3A_1600 : memref<100000x128xf32, #tpu.memory_space<hbm>>) target(%dma_start3A_1596 : memref<104x128xf32, #tpu.memory_space<vmem>>) offsets(%dma_start3A_1597 : memref<104xi32, #tpu.memory_space<vmem>>) semaphore(%arg13 : memref<!tpu.dma_semaphore, #tpu.memory_space<semaphore_mem>>)
      %mul3A_1601 = arith.constant 200 : i32
      %mul3A_1602 = arith.muli %add3A_1589, %mul3A_1601 : i32
      %add3A_1603 = arith.constant 104 : i32
      %add3A_1604 = arith.addi %mul3A_1602, %add3A_1603 : i32
      %dma_start3A_1605 = arith.constant 104 : i32
      %dma_start3A_1606 = arith.constant 0 : i32
      %dma_start3A_1607 = tpu.memref_slice %arg9[%dma_start3A_1605, %dma_start3A_1606] : memref<200x128xf32, #tpu.memory_space<vmem>> -> memref<96x128xf32, #tpu.memory_space<vmem>>
      %dma_start3A_1608 = tpu.memref_slice %arg5[%add3A_1604] : memref<25600xi32, #tpu.memory_space<vmem>> -> memref<96xi32, #tpu.memory_space<vmem>>
      %dma_start3A_1609 = arith.constant 0 : i32
      %dma_start3A_1610 = arith.constant 0 : i32
      %dma_start3A_1611 = tpu.memref_slice %arg3[%dma_start3A_1609, %dma_start3A_1610] : memref<100000x128xf32, #tpu.memory_space<hbm>> -> memref<100000x128xf32, #tpu.memory_space<hbm>>
      tpu.enqueue_indirect_dma source(%dma_start3A_1611 : memref<100000x128xf32, #tpu.memory_space<hbm>>) target(%dma_start3A_1607 : memref<96x128xf32, #tpu.memory_space<vmem>>) offsets(%dma_start3A_1608 : memref<96xi32, #tpu.memory_space<vmem>>) semaphore(%arg13 : memref<!tpu.dma_semaphore, #tpu.memory_space<semaphore_mem>>)
      %add3A_1612 = arith.constant 2 : i32
      %add3A_1613 = arith.addi %add3A_1273, %add3A_1612 : i32
      %dma_wait3A_1614 = arith.constant 0 : i32
      %dma_wait3A_1615 = arith.constant 0 : i32
      %dma_wait3A_1616 = tpu.memref_slice %arg8[%dma_wait3A_1614, %dma_wait3A_1615] : memref<200x128xf32, #tpu.memory_space<vmem>> -> memref<104x128xf32, #tpu.memory_space<vmem>>
      %dma_wait3A_1617 = arith.constant 0 : i32
      %dma_wait3A_1618 = tpu.memref_slice %arg5[%dma_wait3A_1617] : memref<25600xi32, #tpu.memory_space<vmem>> -> memref<104xi32, #tpu.memory_space<vmem>>
      %dma_wait3A_1619 = arith.constant 0 : i32
      %dma_wait3A_1620 = arith.constant 0 : i32
      %dma_wait3A_1621 = tpu.memref_slice %arg3[%dma_wait3A_1619, %dma_wait3A_1620] : memref<100000x128xf32, #tpu.memory_space<hbm>> -> memref<100000x128xf32, #tpu.memory_space<hbm>>
      tpu.wait_indirect_dma semaphore(%arg12 : memref<!tpu.dma_semaphore, #tpu.memory_space<semaphore_mem>>) src(%dma_wait3A_1621 : memref<100000x128xf32, #tpu.memory_space<hbm>>) dst(%dma_wait3A_1616 : memref<104x128xf32, #tpu.memory_space<vmem>>)
      %dma_wait3A_1622 = arith.constant 104 : i32
      %dma_wait3A_1623 = arith.constant 0 : i32
      %dma_wait3A_1624 = tpu.memref_slice %arg8[%dma_wait3A_1622, %dma_wait3A_1623] : memref<200x128xf32, #tpu.memory_space<vmem>> -> memref<96x128xf32, #tpu.memory_space<vmem>>
      %dma_wait3A_1625 = arith.constant 0 : i32
      %dma_wait3A_1626 = tpu.memref_slice %arg5[%dma_wait3A_1625] : memref<25600xi32, #tpu.memory_space<vmem>> -> memref<96xi32, #tpu.memory_space<vmem>>
      %dma_wait3A_1627 = arith.constant 0 : i32
      %dma_wait3A_1628 = arith.constant 0 : i32
      %dma_wait3A_1629 = tpu.memref_slice %arg3[%dma_wait3A_1627, %dma_wait3A_1628] : memref<100000x128xf32, #tpu.memory_space<hbm>> -> memref<100000x128xf32, #tpu.memory_space<hbm>>
      tpu.wait_indirect_dma semaphore(%arg12 : memref<!tpu.dma_semaphore, #tpu.memory_space<semaphore_mem>>) src(%dma_wait3A_1629 : memref<100000x128xf32, #tpu.memory_space<hbm>>) dst(%dma_wait3A_1624 : memref<96x128xf32, #tpu.memory_space<vmem>>)
      %mul3A_1630 = arith.constant 4 : i32
      %mul3A_1631 = arith.muli %add3A_1613, %mul3A_1630 : i32
      %add3A_1632 = arith.addi %mul3A_2, %mul3A_1631 : i32
      %add3A_1633 = arith.constant 0 : i32
      %add3A_1634 = arith.addi %add3A_1632, %add3A_1633 : i32
      %dma_start3A_1635 = arith.constant 0 : i32
      %dma_start3A_1636 = arith.constant 0 : i32
      %dma_start3A_1637 = tpu.memref_slice %arg8[%dma_start3A_1635, %dma_start3A_1636] : memref<200x128xf32, #tpu.memory_space<vmem>> -> memref<50x128xf32, #tpu.memory_space<vmem>>
      %dma_start3A_1638 = arith.constant 0 : i32
      %dma_start3A_1639 = arith.constant 0 : i32
      %dma_start3A_1640 = tpu.memref_slice %arg4[%add3A_1634, %dma_start3A_1638, %dma_start3A_1639] : memref<16384x50x128xf32, #tpu.memory_space<hbm>> -> memref<1x50x128xf32, #tpu.memory_space<hbm>>
      %dma_start3A_1641 = tpu.memref_squeeze %dma_start3A_1640 : memref<1x50x128xf32, #tpu.memory_space<hbm>> -> memref<50x128xf32, #tpu.memory_space<hbm>>
      %dma_start3A_1642 = arith.constant 0 : i32
      %dma_start3A_1643 = arith.constant 0 : i32
      %dma_start3A_1644 = tpu.memref_slice %arg4[%add3A_1634, %dma_start3A_1642, %dma_start3A_1643] : memref<16384x50x128xf32, #tpu.memory_space<hbm>> -> memref<1x50x128xf32, #tpu.memory_space<hbm>>
      %dma_start3A_1645 = tpu.memref_squeeze %dma_start3A_1644 : memref<1x50x128xf32, #tpu.memory_space<hbm>> -> memref<50x128xf32, #tpu.memory_space<hbm>>
      %dma_start3A_1646 = arith.constant 0 : i32
      %dma_start3A_1647 = arith.constant 0 : i32
      %dma_start3A_1648 = tpu.memref_slice %arg8[%dma_start3A_1646, %dma_start3A_1647] : memref<200x128xf32, #tpu.memory_space<vmem>> -> memref<50x128xf32, #tpu.memory_space<vmem>>
      tpu.enqueue_dma source(%dma_start3A_1648 : memref<50x128xf32, #tpu.memory_space<vmem>>) target(%dma_start3A_1645 : memref<50x128xf32, #tpu.memory_space<hbm>>) target_semaphore(%arg16 : memref<!tpu.dma_semaphore, #tpu.memory_space<semaphore_mem>>)
      %add3A_1649 = arith.constant 1 : i32
      %add3A_1650 = arith.addi %add3A_1632, %add3A_1649 : i32
      %dma_start3A_1651 = arith.constant 50 : i32
      %dma_start3A_1652 = arith.constant 0 : i32
      %dma_start3A_1653 = tpu.memref_slice %arg8[%dma_start3A_1651, %dma_start3A_1652] : memref<200x128xf32, #tpu.memory_space<vmem>> -> memref<50x128xf32, #tpu.memory_space<vmem>>
      %dma_start3A_1654 = arith.constant 0 : i32
      %dma_start3A_1655 = arith.constant 0 : i32
      %dma_start3A_1656 = tpu.memref_slice %arg4[%add3A_1650, %dma_start3A_1654, %dma_start3A_1655] : memref<16384x50x128xf32, #tpu.memory_space<hbm>> -> memref<1x50x128xf32, #tpu.memory_space<hbm>>
      %dma_start3A_1657 = tpu.memref_squeeze %dma_start3A_1656 : memref<1x50x128xf32, #tpu.memory_space<hbm>> -> memref<50x128xf32, #tpu.memory_space<hbm>>
      %dma_start3A_1658 = arith.constant 0 : i32
      %dma_start3A_1659 = arith.constant 0 : i32
      %dma_start3A_1660 = tpu.memref_slice %arg4[%add3A_1650, %dma_start3A_1658, %dma_start3A_1659] : memref<16384x50x128xf32, #tpu.memory_space<hbm>> -> memref<1x50x128xf32, #tpu.memory_space<hbm>>
      %dma_start3A_1661 = tpu.memref_squeeze %dma_start3A_1660 : memref<1x50x128xf32, #tpu.memory_space<hbm>> -> memref<50x128xf32, #tpu.memory_space<hbm>>
      %dma_start3A_1662 = arith.constant 50 : i32
      %dma_start3A_1663 = arith.constant 0 : i32
      %dma_start3A_1664 = tpu.memref_slice %arg8[%dma_start3A_1662, %dma_start3A_1663] : memref<200x128xf32, #tpu.memory_space<vmem>> -> memref<50x128xf32, #tpu.memory_space<vmem>>
      tpu.enqueue_dma source(%dma_start3A_1664 : memref<50x128xf32, #tpu.memory_space<vmem>>) target(%dma_start3A_1661 : memref<50x128xf32, #tpu.memory_space<hbm>>) target_semaphore(%arg16 : memref<!tpu.dma_semaphore, #tpu.memory_space<semaphore_mem>>)
      %add3A_1665 = arith.constant 2 : i32
      %add3A_1666 = arith.addi %add3A_1632, %add3A_1665 : i32
      %dma_start3A_1667 = arith.constant 100 : i32
      %dma_start3A_1668 = arith.constant 0 : i32
      %dma_start3A_1669 = tpu.memref_slice %arg8[%dma_start3A_1667, %dma_start3A_1668] : memref<200x128xf32, #tpu.memory_space<vmem>> -> memref<50x128xf32, #tpu.memory_space<vmem>>
      %dma_start3A_1670 = arith.constant 0 : i32
      %dma_start3A_1671 = arith.constant 0 : i32
      %dma_start3A_1672 = tpu.memref_slice %arg4[%add3A_1666, %dma_start3A_1670, %dma_start3A_1671] : memref<16384x50x128xf32, #tpu.memory_space<hbm>> -> memref<1x50x128xf32, #tpu.memory_space<hbm>>
      %dma_start3A_1673 = tpu.memref_squeeze %dma_start3A_1672 : memref<1x50x128xf32, #tpu.memory_space<hbm>> -> memref<50x128xf32, #tpu.memory_space<hbm>>
      %dma_start3A_1674 = arith.constant 0 : i32
      %dma_start3A_1675 = arith.constant 0 : i32
      %dma_start3A_1676 = tpu.memref_slice %arg4[%add3A_1666, %dma_start3A_1674, %dma_start3A_1675] : memref<16384x50x128xf32, #tpu.memory_space<hbm>> -> memref<1x50x128xf32, #tpu.memory_space<hbm>>
      %dma_start3A_1677 = tpu.memref_squeeze %dma_start3A_1676 : memref<1x50x128xf32, #tpu.memory_space<hbm>> -> memref<50x128xf32, #tpu.memory_space<hbm>>
      %dma_start3A_1678 = arith.constant 100 : i32
      %dma_start3A_1679 = arith.constant 0 : i32
      %dma_start3A_1680 = tpu.memref_slice %arg8[%dma_start3A_1678, %dma_start3A_1679] : memref<200x128xf32, #tpu.memory_space<vmem>> -> memref<50x128xf32, #tpu.memory_space<vmem>>
      tpu.enqueue_dma source(%dma_start3A_1680 : memref<50x128xf32, #tpu.memory_space<vmem>>) target(%dma_start3A_1677 : memref<50x128xf32, #tpu.memory_space<hbm>>) target_semaphore(%arg16 : memref<!tpu.dma_semaphore, #tpu.memory_space<semaphore_mem>>)
      %add3A_1681 = arith.constant 3 : i32
      %add3A_1682 = arith.addi %add3A_1632, %add3A_1681 : i32
      %dma_start3A_1683 = arith.constant 150 : i32
      %dma_start3A_1684 = arith.constant 0 : i32
      %dma_start3A_1685 = tpu.memref_slice %arg8[%dma_start3A_1683, %dma_start3A_1684] : memref<200x128xf32, #tpu.memory_space<vmem>> -> memref<50x128xf32, #tpu.memory_space<vmem>>
      %dma_start3A_1686 = arith.constant 0 : i32
      %dma_start3A_1687 = arith.constant 0 : i32
      %dma_start3A_1688 = tpu.memref_slice %arg4[%add3A_1682, %dma_start3A_1686, %dma_start3A_1687] : memref<16384x50x128xf32, #tpu.memory_space<hbm>> -> memref<1x50x128xf32, #tpu.memory_space<hbm>>
      %dma_start3A_1689 = tpu.memref_squeeze %dma_start3A_1688 : memref<1x50x128xf32, #tpu.memory_space<hbm>> -> memref<50x128xf32, #tpu.memory_space<hbm>>
      %dma_start3A_1690 = arith.constant 0 : i32
      %dma_start3A_1691 = arith.constant 0 : i32
      %dma_start3A_1692 = tpu.memref_slice %arg4[%add3A_1682, %dma_start3A_1690, %dma_start3A_1691] : memref<16384x50x128xf32, #tpu.memory_space<hbm>> -> memref<1x50x128xf32, #tpu.memory_space<hbm>>
      %dma_start3A_1693 = tpu.memref_squeeze %dma_start3A_1692 : memref<1x50x128xf32, #tpu.memory_space<hbm>> -> memref<50x128xf32, #tpu.memory_space<hbm>>
      %dma_start3A_1694 = arith.constant 150 : i32
      %dma_start3A_1695 = arith.constant 0 : i32
      %dma_start3A_1696 = tpu.memref_slice %arg8[%dma_start3A_1694, %dma_start3A_1695] : memref<200x128xf32, #tpu.memory_space<vmem>> -> memref<50x128xf32, #tpu.memory_space<vmem>>
      tpu.enqueue_dma source(%dma_start3A_1696 : memref<50x128xf32, #tpu.memory_space<vmem>>) target(%dma_start3A_1693 : memref<50x128xf32, #tpu.memory_space<hbm>>) target_semaphore(%arg16 : memref<!tpu.dma_semaphore, #tpu.memory_space<semaphore_mem>>)
      %dma_wait3A_1697 = arith.constant 0 : i32
      %dma_wait3A_1698 = arith.constant 0 : i32
      %dma_wait3A_1699 = arith.constant 0 : i32
      %dma_wait3A_1700 = tpu.memref_slice %arg6[%dma_wait3A_1698, %dma_wait3A_1699] : memref<200x128xf32, #tpu.memory_space<vmem>> -> memref<50x128xf32, #tpu.memory_space<vmem>>
      %dma_wait3A_1701 = arith.constant 0 : i32
      %dma_wait3A_1702 = arith.constant 0 : i32
      %dma_wait3A_1703 = tpu.memref_slice %arg4[%dma_wait3A_1697, %dma_wait3A_1701, %dma_wait3A_1702] : memref<16384x50x128xf32, #tpu.memory_space<hbm>> -> memref<1x50x128xf32, #tpu.memory_space<hbm>>
      %dma_wait3A_1704 = tpu.memref_squeeze %dma_wait3A_1703 : memref<1x50x128xf32, #tpu.memory_space<hbm>> -> memref<50x128xf32, #tpu.memory_space<hbm>>
      %dma_wait3A_1705 = arith.constant 0 : i32
      %dma_wait3A_1706 = arith.constant 0 : i32
      %dma_wait3A_1707 = tpu.memref_slice %arg4[%dma_wait3A_1697, %dma_wait3A_1705, %dma_wait3A_1706] : memref<16384x50x128xf32, #tpu.memory_space<hbm>> -> memref<1x50x128xf32, #tpu.memory_space<hbm>>
      %dma_wait3A_1708 = tpu.memref_squeeze %dma_wait3A_1707 : memref<1x50x128xf32, #tpu.memory_space<hbm>> -> memref<50x128xf32, #tpu.memory_space<hbm>>
      %dma_wait3A_1709 = arith.constant 0 : i32
      %dma_wait3A_1710 = arith.constant 0 : i32
      %dma_wait3A_1711 = tpu.memref_slice %arg6[%dma_wait3A_1709, %dma_wait3A_1710] : memref<200x128xf32, #tpu.memory_space<vmem>> -> memref<50x128xf32, #tpu.memory_space<vmem>>
      tpu.wait_dma2 semaphore(%arg14 : memref<!tpu.dma_semaphore, #tpu.memory_space<semaphore_mem>>) src(%dma_wait3A_1711 : memref<50x128xf32, #tpu.memory_space<vmem>>) dst(%dma_wait3A_1708 : memref<50x128xf32, #tpu.memory_space<hbm>>)
      %dma_wait3A_1712 = arith.constant 0 : i32
      %dma_wait3A_1713 = arith.constant 50 : i32
      %dma_wait3A_1714 = arith.constant 0 : i32
      %dma_wait3A_1715 = tpu.memref_slice %arg6[%dma_wait3A_1713, %dma_wait3A_1714] : memref<200x128xf32, #tpu.memory_space<vmem>> -> memref<50x128xf32, #tpu.memory_space<vmem>>
      %dma_wait3A_1716 = arith.constant 0 : i32
      %dma_wait3A_1717 = arith.constant 0 : i32
      %dma_wait3A_1718 = tpu.memref_slice %arg4[%dma_wait3A_1712, %dma_wait3A_1716, %dma_wait3A_1717] : memref<16384x50x128xf32, #tpu.memory_space<hbm>> -> memref<1x50x128xf32, #tpu.memory_space<hbm>>
      %dma_wait3A_1719 = tpu.memref_squeeze %dma_wait3A_1718 : memref<1x50x128xf32, #tpu.memory_space<hbm>> -> memref<50x128xf32, #tpu.memory_space<hbm>>
      %dma_wait3A_1720 = arith.constant 0 : i32
      %dma_wait3A_1721 = arith.constant 0 : i32
      %dma_wait3A_1722 = tpu.memref_slice %arg4[%dma_wait3A_1712, %dma_wait3A_1720, %dma_wait3A_1721] : memref<16384x50x128xf32, #tpu.memory_space<hbm>> -> memref<1x50x128xf32, #tpu.memory_space<hbm>>
      %dma_wait3A_1723 = tpu.memref_squeeze %dma_wait3A_1722 : memref<1x50x128xf32, #tpu.memory_space<hbm>> -> memref<50x128xf32, #tpu.memory_space<hbm>>
      %dma_wait3A_1724 = arith.constant 50 : i32
      %dma_wait3A_1725 = arith.constant 0 : i32
      %dma_wait3A_1726 = tpu.memref_slice %arg6[%dma_wait3A_1724, %dma_wait3A_1725] : memref<200x128xf32, #tpu.memory_space<vmem>> -> memref<50x128xf32, #tpu.memory_space<vmem>>
      tpu.wait_dma2 semaphore(%arg14 : memref<!tpu.dma_semaphore, #tpu.memory_space<semaphore_mem>>) src(%dma_wait3A_1726 : memref<50x128xf32, #tpu.memory_space<vmem>>) dst(%dma_wait3A_1723 : memref<50x128xf32, #tpu.memory_space<hbm>>)
      %dma_wait3A_1727 = arith.constant 0 : i32
      %dma_wait3A_1728 = arith.constant 100 : i32
      %dma_wait3A_1729 = arith.constant 0 : i32
      %dma_wait3A_1730 = tpu.memref_slice %arg6[%dma_wait3A_1728, %dma_wait3A_1729] : memref<200x128xf32, #tpu.memory_space<vmem>> -> memref<50x128xf32, #tpu.memory_space<vmem>>
      %dma_wait3A_1731 = arith.constant 0 : i32
      %dma_wait3A_1732 = arith.constant 0 : i32
      %dma_wait3A_1733 = tpu.memref_slice %arg4[%dma_wait3A_1727, %dma_wait3A_1731, %dma_wait3A_1732] : memref<16384x50x128xf32, #tpu.memory_space<hbm>> -> memref<1x50x128xf32, #tpu.memory_space<hbm>>
      %dma_wait3A_1734 = tpu.memref_squeeze %dma_wait3A_1733 : memref<1x50x128xf32, #tpu.memory_space<hbm>> -> memref<50x128xf32, #tpu.memory_space<hbm>>
      %dma_wait3A_1735 = arith.constant 0 : i32
      %dma_wait3A_1736 = arith.constant 0 : i32
      %dma_wait3A_1737 = tpu.memref_slice %arg4[%dma_wait3A_1727, %dma_wait3A_1735, %dma_wait3A_1736] : memref<16384x50x128xf32, #tpu.memory_space<hbm>> -> memref<1x50x128xf32, #tpu.memory_space<hbm>>
      %dma_wait3A_1738 = tpu.memref_squeeze %dma_wait3A_1737 : memref<1x50x128xf32, #tpu.memory_space<hbm>> -> memref<50x128xf32, #tpu.memory_space<hbm>>
      %dma_wait3A_1739 = arith.constant 100 : i32
      %dma_wait3A_1740 = arith.constant 0 : i32
      %dma_wait3A_1741 = tpu.memref_slice %arg6[%dma_wait3A_1739, %dma_wait3A_1740] : memref<200x128xf32, #tpu.memory_space<vmem>> -> memref<50x128xf32, #tpu.memory_space<vmem>>
      tpu.wait_dma2 semaphore(%arg14 : memref<!tpu.dma_semaphore, #tpu.memory_space<semaphore_mem>>) src(%dma_wait3A_1741 : memref<50x128xf32, #tpu.memory_space<vmem>>) dst(%dma_wait3A_1738 : memref<50x128xf32, #tpu.memory_space<hbm>>)
      %dma_wait3A_1742 = arith.constant 0 : i32
      %dma_wait3A_1743 = arith.constant 150 : i32
      %dma_wait3A_1744 = arith.constant 0 : i32
      %dma_wait3A_1745 = tpu.memref_slice %arg6[%dma_wait3A_1743, %dma_wait3A_1744] : memref<200x128xf32, #tpu.memory_space<vmem>> -> memref<50x128xf32, #tpu.memory_space<vmem>>
      %dma_wait3A_1746 = arith.constant 0 : i32
      %dma_wait3A_1747 = arith.constant 0 : i32
      %dma_wait3A_1748 = tpu.memref_slice %arg4[%dma_wait3A_1742, %dma_wait3A_1746, %dma_wait3A_1747] : memref<16384x50x128xf32, #tpu.memory_space<hbm>> -> memref<1x50x128xf32, #tpu.memory_space<hbm>>
      %dma_wait3A_1749 = tpu.memref_squeeze %dma_wait3A_1748 : memref<1x50x128xf32, #tpu.memory_space<hbm>> -> memref<50x128xf32, #tpu.memory_space<hbm>>
      %dma_wait3A_1750 = arith.constant 0 : i32
      %dma_wait3A_1751 = arith.constant 0 : i32
      %dma_wait3A_1752 = tpu.memref_slice %arg4[%dma_wait3A_1742, %dma_wait3A_1750, %dma_wait3A_1751] : memref<16384x50x128xf32, #tpu.memory_space<hbm>> -> memref<1x50x128xf32, #tpu.memory_space<hbm>>
      %dma_wait3A_1753 = tpu.memref_squeeze %dma_wait3A_1752 : memref<1x50x128xf32, #tpu.memory_space<hbm>> -> memref<50x128xf32, #tpu.memory_space<hbm>>
      %dma_wait3A_1754 = arith.constant 150 : i32
      %dma_wait3A_1755 = arith.constant 0 : i32
      %dma_wait3A_1756 = tpu.memref_slice %arg6[%dma_wait3A_1754, %dma_wait3A_1755] : memref<200x128xf32, #tpu.memory_space<vmem>> -> memref<50x128xf32, #tpu.memory_space<vmem>>
      tpu.wait_dma2 semaphore(%arg14 : memref<!tpu.dma_semaphore, #tpu.memory_space<semaphore_mem>>) src(%dma_wait3A_1756 : memref<50x128xf32, #tpu.memory_space<vmem>>) dst(%dma_wait3A_1753 : memref<50x128xf32, #tpu.memory_space<hbm>>)
      %add3A_1757 = arith.constant 2 : i32
      %add3A_1758 = arith.addi %add3A_1613, %add3A_1757 : i32
      %mul3A_1759 = arith.constant 200 : i32
      %mul3A_1760 = arith.muli %add3A_1758, %mul3A_1759 : i32
      %add3A_1761 = arith.constant 0 : i32
      %add3A_1762 = arith.addi %mul3A_1760, %add3A_1761 : i32
      %dma_start3A_1763 = arith.constant 0 : i32
      %dma_start3A_1764 = arith.constant 0 : i32
      %dma_start3A_1765 = tpu.memref_slice %arg6[%dma_start3A_1763, %dma_start3A_1764] : memref<200x128xf32, #tpu.memory_space<vmem>> -> memref<104x128xf32, #tpu.memory_space<vmem>>
      %dma_start3A_1766 = tpu.memref_slice %arg5[%add3A_1762] : memref<25600xi32, #tpu.memory_space<vmem>> -> memref<104xi32, #tpu.memory_space<vmem>>
      %dma_start3A_1767 = arith.constant 0 : i32
      %dma_start3A_1768 = arith.constant 0 : i32
      %dma_start3A_1769 = tpu.memref_slice %arg3[%dma_start3A_1767, %dma_start3A_1768] : memref<100000x128xf32, #tpu.memory_space<hbm>> -> memref<100000x128xf32, #tpu.memory_space<hbm>>
      tpu.enqueue_indirect_dma source(%dma_start3A_1769 : memref<100000x128xf32, #tpu.memory_space<hbm>>) target(%dma_start3A_1765 : memref<104x128xf32, #tpu.memory_space<vmem>>) offsets(%dma_start3A_1766 : memref<104xi32, #tpu.memory_space<vmem>>) semaphore(%arg10 : memref<!tpu.dma_semaphore, #tpu.memory_space<semaphore_mem>>)
      %mul3A_1770 = arith.constant 200 : i32
      %mul3A_1771 = arith.muli %add3A_1758, %mul3A_1770 : i32
      %add3A_1772 = arith.constant 104 : i32
      %add3A_1773 = arith.addi %mul3A_1771, %add3A_1772 : i32
      %dma_start3A_1774 = arith.constant 104 : i32
      %dma_start3A_1775 = arith.constant 0 : i32
      %dma_start3A_1776 = tpu.memref_slice %arg6[%dma_start3A_1774, %dma_start3A_1775] : memref<200x128xf32, #tpu.memory_space<vmem>> -> memref<96x128xf32, #tpu.memory_space<vmem>>
      %dma_start3A_1777 = tpu.memref_slice %arg5[%add3A_1773] : memref<25600xi32, #tpu.memory_space<vmem>> -> memref<96xi32, #tpu.memory_space<vmem>>
      %dma_start3A_1778 = arith.constant 0 : i32
      %dma_start3A_1779 = arith.constant 0 : i32
      %dma_start3A_1780 = tpu.memref_slice %arg3[%dma_start3A_1778, %dma_start3A_1779] : memref<100000x128xf32, #tpu.memory_space<hbm>> -> memref<100000x128xf32, #tpu.memory_space<hbm>>
      tpu.enqueue_indirect_dma source(%dma_start3A_1780 : memref<100000x128xf32, #tpu.memory_space<hbm>>) target(%dma_start3A_1776 : memref<96x128xf32, #tpu.memory_space<vmem>>) offsets(%dma_start3A_1777 : memref<96xi32, #tpu.memory_space<vmem>>) semaphore(%arg10 : memref<!tpu.dma_semaphore, #tpu.memory_space<semaphore_mem>>)
      %add3A_1781 = arith.constant 3 : i32
      %add3A_1782 = arith.addi %add3A_1273, %add3A_1781 : i32
      %dma_wait3A_1783 = arith.constant 0 : i32
      %dma_wait3A_1784 = arith.constant 0 : i32
      %dma_wait3A_1785 = tpu.memref_slice %arg9[%dma_wait3A_1783, %dma_wait3A_1784] : memref<200x128xf32, #tpu.memory_space<vmem>> -> memref<104x128xf32, #tpu.memory_space<vmem>>
      %dma_wait3A_1786 = arith.constant 0 : i32
      %dma_wait3A_1787 = tpu.memref_slice %arg5[%dma_wait3A_1786] : memref<25600xi32, #tpu.memory_space<vmem>> -> memref<104xi32, #tpu.memory_space<vmem>>
      %dma_wait3A_1788 = arith.constant 0 : i32
      %dma_wait3A_1789 = arith.constant 0 : i32
      %dma_wait3A_1790 = tpu.memref_slice %arg3[%dma_wait3A_1788, %dma_wait3A_1789] : memref<100000x128xf32, #tpu.memory_space<hbm>> -> memref<100000x128xf32, #tpu.memory_space<hbm>>
      tpu.wait_indirect_dma semaphore(%arg13 : memref<!tpu.dma_semaphore, #tpu.memory_space<semaphore_mem>>) src(%dma_wait3A_1790 : memref<100000x128xf32, #tpu.memory_space<hbm>>) dst(%dma_wait3A_1785 : memref<104x128xf32, #tpu.memory_space<vmem>>)
      %dma_wait3A_1791 = arith.constant 104 : i32
      %dma_wait3A_1792 = arith.constant 0 : i32
      %dma_wait3A_1793 = tpu.memref_slice %arg9[%dma_wait3A_1791, %dma_wait3A_1792] : memref<200x128xf32, #tpu.memory_space<vmem>> -> memref<96x128xf32, #tpu.memory_space<vmem>>
      %dma_wait3A_1794 = arith.constant 0 : i32
      %dma_wait3A_1795 = tpu.memref_slice %arg5[%dma_wait3A_1794] : memref<25600xi32, #tpu.memory_space<vmem>> -> memref<96xi32, #tpu.memory_space<vmem>>
      %dma_wait3A_1796 = arith.constant 0 : i32
      %dma_wait3A_1797 = arith.constant 0 : i32
      %dma_wait3A_1798 = tpu.memref_slice %arg3[%dma_wait3A_1796, %dma_wait3A_1797] : memref<100000x128xf32, #tpu.memory_space<hbm>> -> memref<100000x128xf32, #tpu.memory_space<hbm>>
      tpu.wait_indirect_dma semaphore(%arg13 : memref<!tpu.dma_semaphore, #tpu.memory_space<semaphore_mem>>) src(%dma_wait3A_1798 : memref<100000x128xf32, #tpu.memory_space<hbm>>) dst(%dma_wait3A_1793 : memref<96x128xf32, #tpu.memory_space<vmem>>)
      %mul3A_1799 = arith.constant 4 : i32
      %mul3A_1800 = arith.muli %add3A_1782, %mul3A_1799 : i32
      %add3A_1801 = arith.addi %mul3A_2, %mul3A_1800 : i32
      %add3A_1802 = arith.constant 0 : i32
      %add3A_1803 = arith.addi %add3A_1801, %add3A_1802 : i32
      %dma_start3A_1804 = arith.constant 0 : i32
      %dma_start3A_1805 = arith.constant 0 : i32
      %dma_start3A_1806 = tpu.memref_slice %arg9[%dma_start3A_1804, %dma_start3A_1805] : memref<200x128xf32, #tpu.memory_space<vmem>> -> memref<50x128xf32, #tpu.memory_space<vmem>>
      %dma_start3A_1807 = arith.constant 0 : i32
      %dma_start3A_1808 = arith.constant 0 : i32
      %dma_start3A_1809 = tpu.memref_slice %arg4[%add3A_1803, %dma_start3A_1807, %dma_start3A_1808] : memref<16384x50x128xf32, #tpu.memory_space<hbm>> -> memref<1x50x128xf32, #tpu.memory_space<hbm>>
      %dma_start3A_1810 = tpu.memref_squeeze %dma_start3A_1809 : memref<1x50x128xf32, #tpu.memory_space<hbm>> -> memref<50x128xf32, #tpu.memory_space<hbm>>
      %dma_start3A_1811 = arith.constant 0 : i32
      %dma_start3A_1812 = arith.constant 0 : i32
      %dma_start3A_1813 = tpu.memref_slice %arg4[%add3A_1803, %dma_start3A_1811, %dma_start3A_1812] : memref<16384x50x128xf32, #tpu.memory_space<hbm>> -> memref<1x50x128xf32, #tpu.memory_space<hbm>>
      %dma_start3A_1814 = tpu.memref_squeeze %dma_start3A_1813 : memref<1x50x128xf32, #tpu.memory_space<hbm>> -> memref<50x128xf32, #tpu.memory_space<hbm>>
      %dma_start3A_1815 = arith.constant 0 : i32
      %dma_start3A_1816 = arith.constant 0 : i32
      %dma_start3A_1817 = tpu.memref_slice %arg9[%dma_start3A_1815, %dma_start3A_1816] : memref<200x128xf32, #tpu.memory_space<vmem>> -> memref<50x128xf32, #tpu.memory_space<vmem>>
      tpu.enqueue_dma source(%dma_start3A_1817 : memref<50x128xf32, #tpu.memory_space<vmem>>) target(%dma_start3A_1814 : memref<50x128xf32, #tpu.memory_space<hbm>>) target_semaphore(%arg17 : memref<!tpu.dma_semaphore, #tpu.memory_space<semaphore_mem>>)
      %add3A_1818 = arith.constant 1 : i32
      %add3A_1819 = arith.addi %add3A_1801, %add3A_1818 : i32
      %dma_start3A_1820 = arith.constant 50 : i32
      %dma_start3A_1821 = arith.constant 0 : i32
      %dma_start3A_1822 = tpu.memref_slice %arg9[%dma_start3A_1820, %dma_start3A_1821] : memref<200x128xf32, #tpu.memory_space<vmem>> -> memref<50x128xf32, #tpu.memory_space<vmem>>
      %dma_start3A_1823 = arith.constant 0 : i32
      %dma_start3A_1824 = arith.constant 0 : i32
      %dma_start3A_1825 = tpu.memref_slice %arg4[%add3A_1819, %dma_start3A_1823, %dma_start3A_1824] : memref<16384x50x128xf32, #tpu.memory_space<hbm>> -> memref<1x50x128xf32, #tpu.memory_space<hbm>>
      %dma_start3A_1826 = tpu.memref_squeeze %dma_start3A_1825 : memref<1x50x128xf32, #tpu.memory_space<hbm>> -> memref<50x128xf32, #tpu.memory_space<hbm>>
      %dma_start3A_1827 = arith.constant 0 : i32
      %dma_start3A_1828 = arith.constant 0 : i32
      %dma_start3A_1829 = tpu.memref_slice %arg4[%add3A_1819, %dma_start3A_1827, %dma_start3A_1828] : memref<16384x50x128xf32, #tpu.memory_space<hbm>> -> memref<1x50x128xf32, #tpu.memory_space<hbm>>
      %dma_start3A_1830 = tpu.memref_squeeze %dma_start3A_1829 : memref<1x50x128xf32, #tpu.memory_space<hbm>> -> memref<50x128xf32, #tpu.memory_space<hbm>>
      %dma_start3A_1831 = arith.constant 50 : i32
      %dma_start3A_1832 = arith.constant 0 : i32
      %dma_start3A_1833 = tpu.memref_slice %arg9[%dma_start3A_1831, %dma_start3A_1832] : memref<200x128xf32, #tpu.memory_space<vmem>> -> memref<50x128xf32, #tpu.memory_space<vmem>>
      tpu.enqueue_dma source(%dma_start3A_1833 : memref<50x128xf32, #tpu.memory_space<vmem>>) target(%dma_start3A_1830 : memref<50x128xf32, #tpu.memory_space<hbm>>) target_semaphore(%arg17 : memref<!tpu.dma_semaphore, #tpu.memory_space<semaphore_mem>>)
      %add3A_1834 = arith.constant 2 : i32
      %add3A_1835 = arith.addi %add3A_1801, %add3A_1834 : i32
      %dma_start3A_1836 = arith.constant 100 : i32
      %dma_start3A_1837 = arith.constant 0 : i32
      %dma_start3A_1838 = tpu.memref_slice %arg9[%dma_start3A_1836, %dma_start3A_1837] : memref<200x128xf32, #tpu.memory_space<vmem>> -> memref<50x128xf32, #tpu.memory_space<vmem>>
      %dma_start3A_1839 = arith.constant 0 : i32
      %dma_start3A_1840 = arith.constant 0 : i32
      %dma_start3A_1841 = tpu.memref_slice %arg4[%add3A_1835, %dma_start3A_1839, %dma_start3A_1840] : memref<16384x50x128xf32, #tpu.memory_space<hbm>> -> memref<1x50x128xf32, #tpu.memory_space<hbm>>
      %dma_start3A_1842 = tpu.memref_squeeze %dma_start3A_1841 : memref<1x50x128xf32, #tpu.memory_space<hbm>> -> memref<50x128xf32, #tpu.memory_space<hbm>>
      %dma_start3A_1843 = arith.constant 0 : i32
      %dma_start3A_1844 = arith.constant 0 : i32
      %dma_start3A_1845 = tpu.memref_slice %arg4[%add3A_1835, %dma_start3A_1843, %dma_start3A_1844] : memref<16384x50x128xf32, #tpu.memory_space<hbm>> -> memref<1x50x128xf32, #tpu.memory_space<hbm>>
      %dma_start3A_1846 = tpu.memref_squeeze %dma_start3A_1845 : memref<1x50x128xf32, #tpu.memory_space<hbm>> -> memref<50x128xf32, #tpu.memory_space<hbm>>
      %dma_start3A_1847 = arith.constant 100 : i32
      %dma_start3A_1848 = arith.constant 0 : i32
      %dma_start3A_1849 = tpu.memref_slice %arg9[%dma_start3A_1847, %dma_start3A_1848] : memref<200x128xf32, #tpu.memory_space<vmem>> -> memref<50x128xf32, #tpu.memory_space<vmem>>
      tpu.enqueue_dma source(%dma_start3A_1849 : memref<50x128xf32, #tpu.memory_space<vmem>>) target(%dma_start3A_1846 : memref<50x128xf32, #tpu.memory_space<hbm>>) target_semaphore(%arg17 : memref<!tpu.dma_semaphore, #tpu.memory_space<semaphore_mem>>)
      %add3A_1850 = arith.constant 3 : i32
      %add3A_1851 = arith.addi %add3A_1801, %add3A_1850 : i32
      %dma_start3A_1852 = arith.constant 150 : i32
      %dma_start3A_1853 = arith.constant 0 : i32
      %dma_start3A_1854 = tpu.memref_slice %arg9[%dma_start3A_1852, %dma_start3A_1853] : memref<200x128xf32, #tpu.memory_space<vmem>> -> memref<50x128xf32, #tpu.memory_space<vmem>>
      %dma_start3A_1855 = arith.constant 0 : i32
      %dma_start3A_1856 = arith.constant 0 : i32
      %dma_start3A_1857 = tpu.memref_slice %arg4[%add3A_1851, %dma_start3A_1855, %dma_start3A_1856] : memref<16384x50x128xf32, #tpu.memory_space<hbm>> -> memref<1x50x128xf32, #tpu.memory_space<hbm>>
      %dma_start3A_1858 = tpu.memref_squeeze %dma_start3A_1857 : memref<1x50x128xf32, #tpu.memory_space<hbm>> -> memref<50x128xf32, #tpu.memory_space<hbm>>
      %dma_start3A_1859 = arith.constant 0 : i32
      %dma_start3A_1860 = arith.constant 0 : i32
      %dma_start3A_1861 = tpu.memref_slice %arg4[%add3A_1851, %dma_start3A_1859, %dma_start3A_1860] : memref<16384x50x128xf32, #tpu.memory_space<hbm>> -> memref<1x50x128xf32, #tpu.memory_space<hbm>>
      %dma_start3A_1862 = tpu.memref_squeeze %dma_start3A_1861 : memref<1x50x128xf32, #tpu.memory_space<hbm>> -> memref<50x128xf32, #tpu.memory_space<hbm>>
      %dma_start3A_1863 = arith.constant 150 : i32
      %dma_start3A_1864 = arith.constant 0 : i32
      %dma_start3A_1865 = tpu.memref_slice %arg9[%dma_start3A_1863, %dma_start3A_1864] : memref<200x128xf32, #tpu.memory_space<vmem>> -> memref<50x128xf32, #tpu.memory_space<vmem>>
      tpu.enqueue_dma source(%dma_start3A_1865 : memref<50x128xf32, #tpu.memory_space<vmem>>) target(%dma_start3A_1862 : memref<50x128xf32, #tpu.memory_space<hbm>>) target_semaphore(%arg17 : memref<!tpu.dma_semaphore, #tpu.memory_space<semaphore_mem>>)
      %dma_wait3A_1866 = arith.constant 0 : i32
      %dma_wait3A_1867 = arith.constant 0 : i32
      %dma_wait3A_1868 = arith.constant 0 : i32
      %dma_wait3A_1869 = tpu.memref_slice %arg7[%dma_wait3A_1867, %dma_wait3A_1868] : memref<200x128xf32, #tpu.memory_space<vmem>> -> memref<50x128xf32, #tpu.memory_space<vmem>>
      %dma_wait3A_1870 = arith.constant 0 : i32
      %dma_wait3A_1871 = arith.constant 0 : i32
      %dma_wait3A_1872 = tpu.memref_slice %arg4[%dma_wait3A_1866, %dma_wait3A_1870, %dma_wait3A_1871] : memref<16384x50x128xf32, #tpu.memory_space<hbm>> -> memref<1x50x128xf32, #tpu.memory_space<hbm>>
      %dma_wait3A_1873 = tpu.memref_squeeze %dma_wait3A_1872 : memref<1x50x128xf32, #tpu.memory_space<hbm>> -> memref<50x128xf32, #tpu.memory_space<hbm>>
      %dma_wait3A_1874 = arith.constant 0 : i32
      %dma_wait3A_1875 = arith.constant 0 : i32
      %dma_wait3A_1876 = tpu.memref_slice %arg4[%dma_wait3A_1866, %dma_wait3A_1874, %dma_wait3A_1875] : memref<16384x50x128xf32, #tpu.memory_space<hbm>> -> memref<1x50x128xf32, #tpu.memory_space<hbm>>
      %dma_wait3A_1877 = tpu.memref_squeeze %dma_wait3A_1876 : memref<1x50x128xf32, #tpu.memory_space<hbm>> -> memref<50x128xf32, #tpu.memory_space<hbm>>
      %dma_wait3A_1878 = arith.constant 0 : i32
      %dma_wait3A_1879 = arith.constant 0 : i32
      %dma_wait3A_1880 = tpu.memref_slice %arg7[%dma_wait3A_1878, %dma_wait3A_1879] : memref<200x128xf32, #tpu.memory_space<vmem>> -> memref<50x128xf32, #tpu.memory_space<vmem>>
      tpu.wait_dma2 semaphore(%arg15 : memref<!tpu.dma_semaphore, #tpu.memory_space<semaphore_mem>>) src(%dma_wait3A_1880 : memref<50x128xf32, #tpu.memory_space<vmem>>) dst(%dma_wait3A_1877 : memref<50x128xf32, #tpu.memory_space<hbm>>)
      %dma_wait3A_1881 = arith.constant 0 : i32
      %dma_wait3A_1882 = arith.constant 50 : i32
      %dma_wait3A_1883 = arith.constant 0 : i32
      %dma_wait3A_1884 = tpu.memref_slice %arg7[%dma_wait3A_1882, %dma_wait3A_1883] : memref<200x128xf32, #tpu.memory_space<vmem>> -> memref<50x128xf32, #tpu.memory_space<vmem>>
      %dma_wait3A_1885 = arith.constant 0 : i32
      %dma_wait3A_1886 = arith.constant 0 : i32
      %dma_wait3A_1887 = tpu.memref_slice %arg4[%dma_wait3A_1881, %dma_wait3A_1885, %dma_wait3A_1886] : memref<16384x50x128xf32, #tpu.memory_space<hbm>> -> memref<1x50x128xf32, #tpu.memory_space<hbm>>
      %dma_wait3A_1888 = tpu.memref_squeeze %dma_wait3A_1887 : memref<1x50x128xf32, #tpu.memory_space<hbm>> -> memref<50x128xf32, #tpu.memory_space<hbm>>
      %dma_wait3A_1889 = arith.constant 0 : i32
      %dma_wait3A_1890 = arith.constant 0 : i32
      %dma_wait3A_1891 = tpu.memref_slice %arg4[%dma_wait3A_1881, %dma_wait3A_1889, %dma_wait3A_1890] : memref<16384x50x128xf32, #tpu.memory_space<hbm>> -> memref<1x50x128xf32, #tpu.memory_space<hbm>>
      %dma_wait3A_1892 = tpu.memref_squeeze %dma_wait3A_1891 : memref<1x50x128xf32, #tpu.memory_space<hbm>> -> memref<50x128xf32, #tpu.memory_space<hbm>>
      %dma_wait3A_1893 = arith.constant 50 : i32
      %dma_wait3A_1894 = arith.constant 0 : i32
      %dma_wait3A_1895 = tpu.memref_slice %arg7[%dma_wait3A_1893, %dma_wait3A_1894] : memref<200x128xf32, #tpu.memory_space<vmem>> -> memref<50x128xf32, #tpu.memory_space<vmem>>
      tpu.wait_dma2 semaphore(%arg15 : memref<!tpu.dma_semaphore, #tpu.memory_space<semaphore_mem>>) src(%dma_wait3A_1895 : memref<50x128xf32, #tpu.memory_space<vmem>>) dst(%dma_wait3A_1892 : memref<50x128xf32, #tpu.memory_space<hbm>>)
      %dma_wait3A_1896 = arith.constant 0 : i32
      %dma_wait3A_1897 = arith.constant 100 : i32
      %dma_wait3A_1898 = arith.constant 0 : i32
      %dma_wait3A_1899 = tpu.memref_slice %arg7[%dma_wait3A_1897, %dma_wait3A_1898] : memref<200x128xf32, #tpu.memory_space<vmem>> -> memref<50x128xf32, #tpu.memory_space<vmem>>
      %dma_wait3A_1900 = arith.constant 0 : i32
      %dma_wait3A_1901 = arith.constant 0 : i32
      %dma_wait3A_1902 = tpu.memref_slice %arg4[%dma_wait3A_1896, %dma_wait3A_1900, %dma_wait3A_1901] : memref<16384x50x128xf32, #tpu.memory_space<hbm>> -> memref<1x50x128xf32, #tpu.memory_space<hbm>>
      %dma_wait3A_1903 = tpu.memref_squeeze %dma_wait3A_1902 : memref<1x50x128xf32, #tpu.memory_space<hbm>> -> memref<50x128xf32, #tpu.memory_space<hbm>>
      %dma_wait3A_1904 = arith.constant 0 : i32
      %dma_wait3A_1905 = arith.constant 0 : i32
      %dma_wait3A_1906 = tpu.memref_slice %arg4[%dma_wait3A_1896, %dma_wait3A_1904, %dma_wait3A_1905] : memref<16384x50x128xf32, #tpu.memory_space<hbm>> -> memref<1x50x128xf32, #tpu.memory_space<hbm>>
      %dma_wait3A_1907 = tpu.memref_squeeze %dma_wait3A_1906 : memref<1x50x128xf32, #tpu.memory_space<hbm>> -> memref<50x128xf32, #tpu.memory_space<hbm>>
      %dma_wait3A_1908 = arith.constant 100 : i32
      %dma_wait3A_1909 = arith.constant 0 : i32
      %dma_wait3A_1910 = tpu.memref_slice %arg7[%dma_wait3A_1908, %dma_wait3A_1909] : memref<200x128xf32, #tpu.memory_space<vmem>> -> memref<50x128xf32, #tpu.memory_space<vmem>>
      tpu.wait_dma2 semaphore(%arg15 : memref<!tpu.dma_semaphore, #tpu.memory_space<semaphore_mem>>) src(%dma_wait3A_1910 : memref<50x128xf32, #tpu.memory_space<vmem>>) dst(%dma_wait3A_1907 : memref<50x128xf32, #tpu.memory_space<hbm>>)
      %dma_wait3A_1911 = arith.constant 0 : i32
      %dma_wait3A_1912 = arith.constant 150 : i32
      %dma_wait3A_1913 = arith.constant 0 : i32
      %dma_wait3A_1914 = tpu.memref_slice %arg7[%dma_wait3A_1912, %dma_wait3A_1913] : memref<200x128xf32, #tpu.memory_space<vmem>> -> memref<50x128xf32, #tpu.memory_space<vmem>>
      %dma_wait3A_1915 = arith.constant 0 : i32
      %dma_wait3A_1916 = arith.constant 0 : i32
      %dma_wait3A_1917 = tpu.memref_slice %arg4[%dma_wait3A_1911, %dma_wait3A_1915, %dma_wait3A_1916] : memref<16384x50x128xf32, #tpu.memory_space<hbm>> -> memref<1x50x128xf32, #tpu.memory_space<hbm>>
      %dma_wait3A_1918 = tpu.memref_squeeze %dma_wait3A_1917 : memref<1x50x128xf32, #tpu.memory_space<hbm>> -> memref<50x128xf32, #tpu.memory_space<hbm>>
      %dma_wait3A_1919 = arith.constant 0 : i32
      %dma_wait3A_1920 = arith.constant 0 : i32
      %dma_wait3A_1921 = tpu.memref_slice %arg4[%dma_wait3A_1911, %dma_wait3A_1919, %dma_wait3A_1920] : memref<16384x50x128xf32, #tpu.memory_space<hbm>> -> memref<1x50x128xf32, #tpu.memory_space<hbm>>
      %dma_wait3A_1922 = tpu.memref_squeeze %dma_wait3A_1921 : memref<1x50x128xf32, #tpu.memory_space<hbm>> -> memref<50x128xf32, #tpu.memory_space<hbm>>
      %dma_wait3A_1923 = arith.constant 150 : i32
      %dma_wait3A_1924 = arith.constant 0 : i32
      %dma_wait3A_1925 = tpu.memref_slice %arg7[%dma_wait3A_1923, %dma_wait3A_1924] : memref<200x128xf32, #tpu.memory_space<vmem>> -> memref<50x128xf32, #tpu.memory_space<vmem>>
      tpu.wait_dma2 semaphore(%arg15 : memref<!tpu.dma_semaphore, #tpu.memory_space<semaphore_mem>>) src(%dma_wait3A_1925 : memref<50x128xf32, #tpu.memory_space<vmem>>) dst(%dma_wait3A_1922 : memref<50x128xf32, #tpu.memory_space<hbm>>)
      %add3A_1926 = arith.constant 2 : i32
      %add3A_1927 = arith.addi %add3A_1782, %add3A_1926 : i32
      %mul3A_1928 = arith.constant 200 : i32
      %mul3A_1929 = arith.muli %add3A_1927, %mul3A_1928 : i32
      %add3A_1930 = arith.constant 0 : i32
      %add3A_1931 = arith.addi %mul3A_1929, %add3A_1930 : i32
      %dma_start3A_1932 = arith.constant 0 : i32
      %dma_start3A_1933 = arith.constant 0 : i32
      %dma_start3A_1934 = tpu.memref_slice %arg7[%dma_start3A_1932, %dma_start3A_1933] : memref<200x128xf32, #tpu.memory_space<vmem>> -> memref<104x128xf32, #tpu.memory_space<vmem>>
      %dma_start3A_1935 = tpu.memref_slice %arg5[%add3A_1931] : memref<25600xi32, #tpu.memory_space<vmem>> -> memref<104xi32, #tpu.memory_space<vmem>>
      %dma_start3A_1936 = arith.constant 0 : i32
      %dma_start3A_1937 = arith.constant 0 : i32
      %dma_start3A_1938 = tpu.memref_slice %arg3[%dma_start3A_1936, %dma_start3A_1937] : memref<100000x128xf32, #tpu.memory_space<hbm>> -> memref<100000x128xf32, #tpu.memory_space<hbm>>
      tpu.enqueue_indirect_dma source(%dma_start3A_1938 : memref<100000x128xf32, #tpu.memory_space<hbm>>) target(%dma_start3A_1934 : memref<104x128xf32, #tpu.memory_space<vmem>>) offsets(%dma_start3A_1935 : memref<104xi32, #tpu.memory_space<vmem>>) semaphore(%arg11 : memref<!tpu.dma_semaphore, #tpu.memory_space<semaphore_mem>>)
      %mul3A_1939 = arith.constant 200 : i32
      %mul3A_1940 = arith.muli %add3A_1927, %mul3A_1939 : i32
      %add3A_1941 = arith.constant 104 : i32
      %add3A_1942 = arith.addi %mul3A_1940, %add3A_1941 : i32
      %dma_start3A_1943 = arith.constant 104 : i32
      %dma_start3A_1944 = arith.constant 0 : i32
      %dma_start3A_1945 = tpu.memref_slice %arg7[%dma_start3A_1943, %dma_start3A_1944] : memref<200x128xf32, #tpu.memory_space<vmem>> -> memref<96x128xf32, #tpu.memory_space<vmem>>
      %dma_start3A_1946 = tpu.memref_slice %arg5[%add3A_1942] : memref<25600xi32, #tpu.memory_space<vmem>> -> memref<96xi32, #tpu.memory_space<vmem>>
      %dma_start3A_1947 = arith.constant 0 : i32
      %dma_start3A_1948 = arith.constant 0 : i32
      %dma_start3A_1949 = tpu.memref_slice %arg3[%dma_start3A_1947, %dma_start3A_1948] : memref<100000x128xf32, #tpu.memory_space<hbm>> -> memref<100000x128xf32, #tpu.memory_space<hbm>>
      tpu.enqueue_indirect_dma source(%dma_start3A_1949 : memref<100000x128xf32, #tpu.memory_space<hbm>>) target(%dma_start3A_1945 : memref<96x128xf32, #tpu.memory_space<vmem>>) offsets(%dma_start3A_1946 : memref<96xi32, #tpu.memory_space<vmem>>) semaphore(%arg11 : memref<!tpu.dma_semaphore, #tpu.memory_space<semaphore_mem>>)
    }
    %scan3A_548 = arith.constant 30 : i32
    %dma_wait3A_549 = arith.constant 0 : i32
    %dma_wait3A_550 = arith.constant 0 : i32
    %dma_wait3A_551 = tpu.memref_slice %arg6[%dma_wait3A_549, %dma_wait3A_550] : memref<200x128xf32, #tpu.memory_space<vmem>> -> memref<104x128xf32, #tpu.memory_space<vmem>>
    %dma_wait3A_552 = arith.constant 0 : i32
    %dma_wait3A_553 = tpu.memref_slice %arg5[%dma_wait3A_552] : memref<25600xi32, #tpu.memory_space<vmem>> -> memref<104xi32, #tpu.memory_space<vmem>>
    %dma_wait3A_554 = arith.constant 0 : i32
    %dma_wait3A_555 = arith.constant 0 : i32
    %dma_wait3A_556 = tpu.memref_slice %arg3[%dma_wait3A_554, %dma_wait3A_555] : memref<100000x128xf32, #tpu.memory_space<hbm>> -> memref<100000x128xf32, #tpu.memory_space<hbm>>
    tpu.wait_indirect_dma semaphore(%arg10 : memref<!tpu.dma_semaphore, #tpu.memory_space<semaphore_mem>>) src(%dma_wait3A_556 : memref<100000x128xf32, #tpu.memory_space<hbm>>) dst(%dma_wait3A_551 : memref<104x128xf32, #tpu.memory_space<vmem>>)
    %dma_wait3A_557 = arith.constant 104 : i32
    %dma_wait3A_558 = arith.constant 0 : i32
    %dma_wait3A_559 = tpu.memref_slice %arg6[%dma_wait3A_557, %dma_wait3A_558] : memref<200x128xf32, #tpu.memory_space<vmem>> -> memref<96x128xf32, #tpu.memory_space<vmem>>
    %dma_wait3A_560 = arith.constant 0 : i32
    %dma_wait3A_561 = tpu.memref_slice %arg5[%dma_wait3A_560] : memref<25600xi32, #tpu.memory_space<vmem>> -> memref<96xi32, #tpu.memory_space<vmem>>
    %dma_wait3A_562 = arith.constant 0 : i32
    %dma_wait3A_563 = arith.constant 0 : i32
    %dma_wait3A_564 = tpu.memref_slice %arg3[%dma_wait3A_562, %dma_wait3A_563] : memref<100000x128xf32, #tpu.memory_space<hbm>> -> memref<100000x128xf32, #tpu.memory_space<hbm>>
    tpu.wait_indirect_dma semaphore(%arg10 : memref<!tpu.dma_semaphore, #tpu.memory_space<semaphore_mem>>) src(%dma_wait3A_564 : memref<100000x128xf32, #tpu.memory_space<hbm>>) dst(%dma_wait3A_559 : memref<96x128xf32, #tpu.memory_space<vmem>>)
    %add3A_565 = arith.constant 496 : i32
    %add3A_566 = arith.addi %mul3A_2, %add3A_565 : i32
    %add3A_567 = arith.constant 0 : i32
    %add3A_568 = arith.addi %add3A_566, %add3A_567 : i32
    %dma_start3A_569 = arith.constant 0 : i32
    %dma_start3A_570 = arith.constant 0 : i32
    %dma_start3A_571 = tpu.memref_slice %arg6[%dma_start3A_569, %dma_start3A_570] : memref<200x128xf32, #tpu.memory_space<vmem>> -> memref<50x128xf32, #tpu.memory_space<vmem>>
    %dma_start3A_572 = arith.constant 0 : i32
    %dma_start3A_573 = arith.constant 0 : i32
    %dma_start3A_574 = tpu.memref_slice %arg4[%add3A_568, %dma_start3A_572, %dma_start3A_573] : memref<16384x50x128xf32, #tpu.memory_space<hbm>> -> memref<1x50x128xf32, #tpu.memory_space<hbm>>
    %dma_start3A_575 = tpu.memref_squeeze %dma_start3A_574 : memref<1x50x128xf32, #tpu.memory_space<hbm>> -> memref<50x128xf32, #tpu.memory_space<hbm>>
    %dma_start3A_576 = arith.constant 0 : i32
    %dma_start3A_577 = arith.constant 0 : i32
    %dma_start3A_578 = tpu.memref_slice %arg4[%add3A_568, %dma_start3A_576, %dma_start3A_577] : memref<16384x50x128xf32, #tpu.memory_space<hbm>> -> memref<1x50x128xf32, #tpu.memory_space<hbm>>
    %dma_start3A_579 = tpu.memref_squeeze %dma_start3A_578 : memref<1x50x128xf32, #tpu.memory_space<hbm>> -> memref<50x128xf32, #tpu.memory_space<hbm>>
    %dma_start3A_580 = arith.constant 0 : i32
    %dma_start3A_581 = arith.constant 0 : i32
    %dma_start3A_582 = tpu.memref_slice %arg6[%dma_start3A_580, %dma_start3A_581] : memref<200x128xf32, #tpu.memory_space<vmem>> -> memref<50x128xf32, #tpu.memory_space<vmem>>
    tpu.enqueue_dma source(%dma_start3A_582 : memref<50x128xf32, #tpu.memory_space<vmem>>) target(%dma_start3A_579 : memref<50x128xf32, #tpu.memory_space<hbm>>) target_semaphore(%arg14 : memref<!tpu.dma_semaphore, #tpu.memory_space<semaphore_mem>>)
    %add3A_583 = arith.constant 1 : i32
    %add3A_584 = arith.addi %add3A_566, %add3A_583 : i32
    %dma_start3A_585 = arith.constant 50 : i32
    %dma_start3A_586 = arith.constant 0 : i32
    %dma_start3A_587 = tpu.memref_slice %arg6[%dma_start3A_585, %dma_start3A_586] : memref<200x128xf32, #tpu.memory_space<vmem>> -> memref<50x128xf32, #tpu.memory_space<vmem>>
    %dma_start3A_588 = arith.constant 0 : i32
    %dma_start3A_589 = arith.constant 0 : i32
    %dma_start3A_590 = tpu.memref_slice %arg4[%add3A_584, %dma_start3A_588, %dma_start3A_589] : memref<16384x50x128xf32, #tpu.memory_space<hbm>> -> memref<1x50x128xf32, #tpu.memory_space<hbm>>
    %dma_start3A_591 = tpu.memref_squeeze %dma_start3A_590 : memref<1x50x128xf32, #tpu.memory_space<hbm>> -> memref<50x128xf32, #tpu.memory_space<hbm>>
    %dma_start3A_592 = arith.constant 0 : i32
    %dma_start3A_593 = arith.constant 0 : i32
    %dma_start3A_594 = tpu.memref_slice %arg4[%add3A_584, %dma_start3A_592, %dma_start3A_593] : memref<16384x50x128xf32, #tpu.memory_space<hbm>> -> memref<1x50x128xf32, #tpu.memory_space<hbm>>
    %dma_start3A_595 = tpu.memref_squeeze %dma_start3A_594 : memref<1x50x128xf32, #tpu.memory_space<hbm>> -> memref<50x128xf32, #tpu.memory_space<hbm>>
    %dma_start3A_596 = arith.constant 50 : i32
    %dma_start3A_597 = arith.constant 0 : i32
    %dma_start3A_598 = tpu.memref_slice %arg6[%dma_start3A_596, %dma_start3A_597] : memref<200x128xf32, #tpu.memory_space<vmem>> -> memref<50x128xf32, #tpu.memory_space<vmem>>
    tpu.enqueue_dma source(%dma_start3A_598 : memref<50x128xf32, #tpu.memory_space<vmem>>) target(%dma_start3A_595 : memref<50x128xf32, #tpu.memory_space<hbm>>) target_semaphore(%arg14 : memref<!tpu.dma_semaphore, #tpu.memory_space<semaphore_mem>>)
    %add3A_599 = arith.constant 2 : i32
    %add3A_600 = arith.addi %add3A_566, %add3A_599 : i32
    %dma_start3A_601 = arith.constant 100 : i32
    %dma_start3A_602 = arith.constant 0 : i32
    %dma_start3A_603 = tpu.memref_slice %arg6[%dma_start3A_601, %dma_start3A_602] : memref<200x128xf32, #tpu.memory_space<vmem>> -> memref<50x128xf32, #tpu.memory_space<vmem>>
    %dma_start3A_604 = arith.constant 0 : i32
    %dma_start3A_605 = arith.constant 0 : i32
    %dma_start3A_606 = tpu.memref_slice %arg4[%add3A_600, %dma_start3A_604, %dma_start3A_605] : memref<16384x50x128xf32, #tpu.memory_space<hbm>> -> memref<1x50x128xf32, #tpu.memory_space<hbm>>
    %dma_start3A_607 = tpu.memref_squeeze %dma_start3A_606 : memref<1x50x128xf32, #tpu.memory_space<hbm>> -> memref<50x128xf32, #tpu.memory_space<hbm>>
    %dma_start3A_608 = arith.constant 0 : i32
    %dma_start3A_609 = arith.constant 0 : i32
    %dma_start3A_610 = tpu.memref_slice %arg4[%add3A_600, %dma_start3A_608, %dma_start3A_609] : memref<16384x50x128xf32, #tpu.memory_space<hbm>> -> memref<1x50x128xf32, #tpu.memory_space<hbm>>
    %dma_start3A_611 = tpu.memref_squeeze %dma_start3A_610 : memref<1x50x128xf32, #tpu.memory_space<hbm>> -> memref<50x128xf32, #tpu.memory_space<hbm>>
    %dma_start3A_612 = arith.constant 100 : i32
    %dma_start3A_613 = arith.constant 0 : i32
    %dma_start3A_614 = tpu.memref_slice %arg6[%dma_start3A_612, %dma_start3A_613] : memref<200x128xf32, #tpu.memory_space<vmem>> -> memref<50x128xf32, #tpu.memory_space<vmem>>
    tpu.enqueue_dma source(%dma_start3A_614 : memref<50x128xf32, #tpu.memory_space<vmem>>) target(%dma_start3A_611 : memref<50x128xf32, #tpu.memory_space<hbm>>) target_semaphore(%arg14 : memref<!tpu.dma_semaphore, #tpu.memory_space<semaphore_mem>>)
    %add3A_615 = arith.constant 3 : i32
    %add3A_616 = arith.addi %add3A_566, %add3A_615 : i32
    %dma_start3A_617 = arith.constant 150 : i32
    %dma_start3A_618 = arith.constant 0 : i32
    %dma_start3A_619 = tpu.memref_slice %arg6[%dma_start3A_617, %dma_start3A_618] : memref<200x128xf32, #tpu.memory_space<vmem>> -> memref<50x128xf32, #tpu.memory_space<vmem>>
    %dma_start3A_620 = arith.constant 0 : i32
    %dma_start3A_621 = arith.constant 0 : i32
    %dma_start3A_622 = tpu.memref_slice %arg4[%add3A_616, %dma_start3A_620, %dma_start3A_621] : memref<16384x50x128xf32, #tpu.memory_space<hbm>> -> memref<1x50x128xf32, #tpu.memory_space<hbm>>
    %dma_start3A_623 = tpu.memref_squeeze %dma_start3A_622 : memref<1x50x128xf32, #tpu.memory_space<hbm>> -> memref<50x128xf32, #tpu.memory_space<hbm>>
    %dma_start3A_624 = arith.constant 0 : i32
    %dma_start3A_625 = arith.constant 0 : i32
    %dma_start3A_626 = tpu.memref_slice %arg4[%add3A_616, %dma_start3A_624, %dma_start3A_625] : memref<16384x50x128xf32, #tpu.memory_space<hbm>> -> memref<1x50x128xf32, #tpu.memory_space<hbm>>
    %dma_start3A_627 = tpu.memref_squeeze %dma_start3A_626 : memref<1x50x128xf32, #tpu.memory_space<hbm>> -> memref<50x128xf32, #tpu.memory_space<hbm>>
    %dma_start3A_628 = arith.constant 150 : i32
    %dma_start3A_629 = arith.constant 0 : i32
    %dma_start3A_630 = tpu.memref_slice %arg6[%dma_start3A_628, %dma_start3A_629] : memref<200x128xf32, #tpu.memory_space<vmem>> -> memref<50x128xf32, #tpu.memory_space<vmem>>
    tpu.enqueue_dma source(%dma_start3A_630 : memref<50x128xf32, #tpu.memory_space<vmem>>) target(%dma_start3A_627 : memref<50x128xf32, #tpu.memory_space<hbm>>) target_semaphore(%arg14 : memref<!tpu.dma_semaphore, #tpu.memory_space<semaphore_mem>>)
    %dma_wait3A_631 = arith.constant 0 : i32
    %dma_wait3A_632 = arith.constant 0 : i32
    %dma_wait3A_633 = arith.constant 0 : i32
    %dma_wait3A_634 = tpu.memref_slice %arg8[%dma_wait3A_632, %dma_wait3A_633] : memref<200x128xf32, #tpu.memory_space<vmem>> -> memref<50x128xf32, #tpu.memory_space<vmem>>
    %dma_wait3A_635 = arith.constant 0 : i32
    %dma_wait3A_636 = arith.constant 0 : i32
    %dma_wait3A_637 = tpu.memref_slice %arg4[%dma_wait3A_631, %dma_wait3A_635, %dma_wait3A_636] : memref<16384x50x128xf32, #tpu.memory_space<hbm>> -> memref<1x50x128xf32, #tpu.memory_space<hbm>>
    %dma_wait3A_638 = tpu.memref_squeeze %dma_wait3A_637 : memref<1x50x128xf32, #tpu.memory_space<hbm>> -> memref<50x128xf32, #tpu.memory_space<hbm>>
    %dma_wait3A_639 = arith.constant 0 : i32
    %dma_wait3A_640 = arith.constant 0 : i32
    %dma_wait3A_641 = tpu.memref_slice %arg4[%dma_wait3A_631, %dma_wait3A_639, %dma_wait3A_640] : memref<16384x50x128xf32, #tpu.memory_space<hbm>> -> memref<1x50x128xf32, #tpu.memory_space<hbm>>
    %dma_wait3A_642 = tpu.memref_squeeze %dma_wait3A_641 : memref<1x50x128xf32, #tpu.memory_space<hbm>> -> memref<50x128xf32, #tpu.memory_space<hbm>>
    %dma_wait3A_643 = arith.constant 0 : i32
    %dma_wait3A_644 = arith.constant 0 : i32
    %dma_wait3A_645 = tpu.memref_slice %arg8[%dma_wait3A_643, %dma_wait3A_644] : memref<200x128xf32, #tpu.memory_space<vmem>> -> memref<50x128xf32, #tpu.memory_space<vmem>>
    tpu.wait_dma2 semaphore(%arg16 : memref<!tpu.dma_semaphore, #tpu.memory_space<semaphore_mem>>) src(%dma_wait3A_645 : memref<50x128xf32, #tpu.memory_space<vmem>>) dst(%dma_wait3A_642 : memref<50x128xf32, #tpu.memory_space<hbm>>)
    %dma_wait3A_646 = arith.constant 0 : i32
    %dma_wait3A_647 = arith.constant 50 : i32
    %dma_wait3A_648 = arith.constant 0 : i32
    %dma_wait3A_649 = tpu.memref_slice %arg8[%dma_wait3A_647, %dma_wait3A_648] : memref<200x128xf32, #tpu.memory_space<vmem>> -> memref<50x128xf32, #tpu.memory_space<vmem>>
    %dma_wait3A_650 = arith.constant 0 : i32
    %dma_wait3A_651 = arith.constant 0 : i32
    %dma_wait3A_652 = tpu.memref_slice %arg4[%dma_wait3A_646, %dma_wait3A_650, %dma_wait3A_651] : memref<16384x50x128xf32, #tpu.memory_space<hbm>> -> memref<1x50x128xf32, #tpu.memory_space<hbm>>
    %dma_wait3A_653 = tpu.memref_squeeze %dma_wait3A_652 : memref<1x50x128xf32, #tpu.memory_space<hbm>> -> memref<50x128xf32, #tpu.memory_space<hbm>>
    %dma_wait3A_654 = arith.constant 0 : i32
    %dma_wait3A_655 = arith.constant 0 : i32
    %dma_wait3A_656 = tpu.memref_slice %arg4[%dma_wait3A_646, %dma_wait3A_654, %dma_wait3A_655] : memref<16384x50x128xf32, #tpu.memory_space<hbm>> -> memref<1x50x128xf32, #tpu.memory_space<hbm>>
    %dma_wait3A_657 = tpu.memref_squeeze %dma_wait3A_656 : memref<1x50x128xf32, #tpu.memory_space<hbm>> -> memref<50x128xf32, #tpu.memory_space<hbm>>
    %dma_wait3A_658 = arith.constant 50 : i32
    %dma_wait3A_659 = arith.constant 0 : i32
    %dma_wait3A_660 = tpu.memref_slice %arg8[%dma_wait3A_658, %dma_wait3A_659] : memref<200x128xf32, #tpu.memory_space<vmem>> -> memref<50x128xf32, #tpu.memory_space<vmem>>
    tpu.wait_dma2 semaphore(%arg16 : memref<!tpu.dma_semaphore, #tpu.memory_space<semaphore_mem>>) src(%dma_wait3A_660 : memref<50x128xf32, #tpu.memory_space<vmem>>) dst(%dma_wait3A_657 : memref<50x128xf32, #tpu.memory_space<hbm>>)
    %dma_wait3A_661 = arith.constant 0 : i32
    %dma_wait3A_662 = arith.constant 100 : i32
    %dma_wait3A_663 = arith.constant 0 : i32
    %dma_wait3A_664 = tpu.memref_slice %arg8[%dma_wait3A_662, %dma_wait3A_663] : memref<200x128xf32, #tpu.memory_space<vmem>> -> memref<50x128xf32, #tpu.memory_space<vmem>>
    %dma_wait3A_665 = arith.constant 0 : i32
    %dma_wait3A_666 = arith.constant 0 : i32
    %dma_wait3A_667 = tpu.memref_slice %arg4[%dma_wait3A_661, %dma_wait3A_665, %dma_wait3A_666] : memref<16384x50x128xf32, #tpu.memory_space<hbm>> -> memref<1x50x128xf32, #tpu.memory_space<hbm>>
    %dma_wait3A_668 = tpu.memref_squeeze %dma_wait3A_667 : memref<1x50x128xf32, #tpu.memory_space<hbm>> -> memref<50x128xf32, #tpu.memory_space<hbm>>
    %dma_wait3A_669 = arith.constant 0 : i32
    %dma_wait3A_670 = arith.constant 0 : i32
    %dma_wait3A_671 = tpu.memref_slice %arg4[%dma_wait3A_661, %dma_wait3A_669, %dma_wait3A_670] : memref<16384x50x128xf32, #tpu.memory_space<hbm>> -> memref<1x50x128xf32, #tpu.memory_space<hbm>>
    %dma_wait3A_672 = tpu.memref_squeeze %dma_wait3A_671 : memref<1x50x128xf32, #tpu.memory_space<hbm>> -> memref<50x128xf32, #tpu.memory_space<hbm>>
    %dma_wait3A_673 = arith.constant 100 : i32
    %dma_wait3A_674 = arith.constant 0 : i32
    %dma_wait3A_675 = tpu.memref_slice %arg8[%dma_wait3A_673, %dma_wait3A_674] : memref<200x128xf32, #tpu.memory_space<vmem>> -> memref<50x128xf32, #tpu.memory_space<vmem>>
    tpu.wait_dma2 semaphore(%arg16 : memref<!tpu.dma_semaphore, #tpu.memory_space<semaphore_mem>>) src(%dma_wait3A_675 : memref<50x128xf32, #tpu.memory_space<vmem>>) dst(%dma_wait3A_672 : memref<50x128xf32, #tpu.memory_space<hbm>>)
    %dma_wait3A_676 = arith.constant 0 : i32
    %dma_wait3A_677 = arith.constant 150 : i32
    %dma_wait3A_678 = arith.constant 0 : i32
    %dma_wait3A_679 = tpu.memref_slice %arg8[%dma_wait3A_677, %dma_wait3A_678] : memref<200x128xf32, #tpu.memory_space<vmem>> -> memref<50x128xf32, #tpu.memory_space<vmem>>
    %dma_wait3A_680 = arith.constant 0 : i32
    %dma_wait3A_681 = arith.constant 0 : i32
    %dma_wait3A_682 = tpu.memref_slice %arg4[%dma_wait3A_676, %dma_wait3A_680, %dma_wait3A_681] : memref<16384x50x128xf32, #tpu.memory_space<hbm>> -> memref<1x50x128xf32, #tpu.memory_space<hbm>>
    %dma_wait3A_683 = tpu.memref_squeeze %dma_wait3A_682 : memref<1x50x128xf32, #tpu.memory_space<hbm>> -> memref<50x128xf32, #tpu.memory_space<hbm>>
    %dma_wait3A_684 = arith.constant 0 : i32
    %dma_wait3A_685 = arith.constant 0 : i32
    %dma_wait3A_686 = tpu.memref_slice %arg4[%dma_wait3A_676, %dma_wait3A_684, %dma_wait3A_685] : memref<16384x50x128xf32, #tpu.memory_space<hbm>> -> memref<1x50x128xf32, #tpu.memory_space<hbm>>
    %dma_wait3A_687 = tpu.memref_squeeze %dma_wait3A_686 : memref<1x50x128xf32, #tpu.memory_space<hbm>> -> memref<50x128xf32, #tpu.memory_space<hbm>>
    %dma_wait3A_688 = arith.constant 150 : i32
    %dma_wait3A_689 = arith.constant 0 : i32
    %dma_wait3A_690 = tpu.memref_slice %arg8[%dma_wait3A_688, %dma_wait3A_689] : memref<200x128xf32, #tpu.memory_space<vmem>> -> memref<50x128xf32, #tpu.memory_space<vmem>>
    tpu.wait_dma2 semaphore(%arg16 : memref<!tpu.dma_semaphore, #tpu.memory_space<semaphore_mem>>) src(%dma_wait3A_690 : memref<50x128xf32, #tpu.memory_space<vmem>>) dst(%dma_wait3A_687 : memref<50x128xf32, #tpu.memory_space<hbm>>)
    %dma_start3A_691 = arith.constant 0 : i32
    %dma_start3A_692 = arith.constant 0 : i32
    %dma_start3A_693 = tpu.memref_slice %arg8[%dma_start3A_691, %dma_start3A_692] : memref<200x128xf32, #tpu.memory_space<vmem>> -> memref<104x128xf32, #tpu.memory_space<vmem>>
    %dma_start3A_694 = arith.constant 25200 : i32
    %dma_start3A_695 = tpu.memref_slice %arg5[%dma_start3A_694] : memref<25600xi32, #tpu.memory_space<vmem>> -> memref<104xi32, #tpu.memory_space<vmem>>
    %dma_start3A_696 = arith.constant 0 : i32
    %dma_start3A_697 = arith.constant 0 : i32
    %dma_start3A_698 = tpu.memref_slice %arg3[%dma_start3A_696, %dma_start3A_697] : memref<100000x128xf32, #tpu.memory_space<hbm>> -> memref<100000x128xf32, #tpu.memory_space<hbm>>
    tpu.enqueue_indirect_dma source(%dma_start3A_698 : memref<100000x128xf32, #tpu.memory_space<hbm>>) target(%dma_start3A_693 : memref<104x128xf32, #tpu.memory_space<vmem>>) offsets(%dma_start3A_695 : memref<104xi32, #tpu.memory_space<vmem>>) semaphore(%arg12 : memref<!tpu.dma_semaphore, #tpu.memory_space<semaphore_mem>>)
    %dma_start3A_699 = arith.constant 104 : i32
    %dma_start3A_700 = arith.constant 0 : i32
    %dma_start3A_701 = tpu.memref_slice %arg8[%dma_start3A_699, %dma_start3A_700] : memref<200x128xf32, #tpu.memory_space<vmem>> -> memref<96x128xf32, #tpu.memory_space<vmem>>
    %dma_start3A_702 = arith.constant 25304 : i32
    %dma_start3A_703 = tpu.memref_slice %arg5[%dma_start3A_702] : memref<25600xi32, #tpu.memory_space<vmem>> -> memref<96xi32, #tpu.memory_space<vmem>>
    %dma_start3A_704 = arith.constant 0 : i32
    %dma_start3A_705 = arith.constant 0 : i32
    %dma_start3A_706 = tpu.memref_slice %arg3[%dma_start3A_704, %dma_start3A_705] : memref<100000x128xf32, #tpu.memory_space<hbm>> -> memref<100000x128xf32, #tpu.memory_space<hbm>>
    tpu.enqueue_indirect_dma source(%dma_start3A_706 : memref<100000x128xf32, #tpu.memory_space<hbm>>) target(%dma_start3A_701 : memref<96x128xf32, #tpu.memory_space<vmem>>) offsets(%dma_start3A_703 : memref<96xi32, #tpu.memory_space<vmem>>) semaphore(%arg12 : memref<!tpu.dma_semaphore, #tpu.memory_space<semaphore_mem>>)
    %dma_wait3A_707 = arith.constant 0 : i32
    %dma_wait3A_708 = arith.constant 0 : i32
    %dma_wait3A_709 = tpu.memref_slice %arg7[%dma_wait3A_707, %dma_wait3A_708] : memref<200x128xf32, #tpu.memory_space<vmem>> -> memref<104x128xf32, #tpu.memory_space<vmem>>
    %dma_wait3A_710 = arith.constant 0 : i32
    %dma_wait3A_711 = tpu.memref_slice %arg5[%dma_wait3A_710] : memref<25600xi32, #tpu.memory_space<vmem>> -> memref<104xi32, #tpu.memory_space<vmem>>
    %dma_wait3A_712 = arith.constant 0 : i32
    %dma_wait3A_713 = arith.constant 0 : i32
    %dma_wait3A_714 = tpu.memref_slice %arg3[%dma_wait3A_712, %dma_wait3A_713] : memref<100000x128xf32, #tpu.memory_space<hbm>> -> memref<100000x128xf32, #tpu.memory_space<hbm>>
    tpu.wait_indirect_dma semaphore(%arg11 : memref<!tpu.dma_semaphore, #tpu.memory_space<semaphore_mem>>) src(%dma_wait3A_714 : memref<100000x128xf32, #tpu.memory_space<hbm>>) dst(%dma_wait3A_709 : memref<104x128xf32, #tpu.memory_space<vmem>>)
    %dma_wait3A_715 = arith.constant 104 : i32
    %dma_wait3A_716 = arith.constant 0 : i32
    %dma_wait3A_717 = tpu.memref_slice %arg7[%dma_wait3A_715, %dma_wait3A_716] : memref<200x128xf32, #tpu.memory_space<vmem>> -> memref<96x128xf32, #tpu.memory_space<vmem>>
    %dma_wait3A_718 = arith.constant 0 : i32
    %dma_wait3A_719 = tpu.memref_slice %arg5[%dma_wait3A_718] : memref<25600xi32, #tpu.memory_space<vmem>> -> memref<96xi32, #tpu.memory_space<vmem>>
    %dma_wait3A_720 = arith.constant 0 : i32
    %dma_wait3A_721 = arith.constant 0 : i32
    %dma_wait3A_722 = tpu.memref_slice %arg3[%dma_wait3A_720, %dma_wait3A_721] : memref<100000x128xf32, #tpu.memory_space<hbm>> -> memref<100000x128xf32, #tpu.memory_space<hbm>>
    tpu.wait_indirect_dma semaphore(%arg11 : memref<!tpu.dma_semaphore, #tpu.memory_space<semaphore_mem>>) src(%dma_wait3A_722 : memref<100000x128xf32, #tpu.memory_space<hbm>>) dst(%dma_wait3A_717 : memref<96x128xf32, #tpu.memory_space<vmem>>)
    %add3A_723 = arith.constant 500 : i32
    %add3A_724 = arith.addi %mul3A_2, %add3A_723 : i32
    %add3A_725 = arith.constant 0 : i32
    %add3A_726 = arith.addi %add3A_724, %add3A_725 : i32
    %dma_start3A_727 = arith.constant 0 : i32
    %dma_start3A_728 = arith.constant 0 : i32
    %dma_start3A_729 = tpu.memref_slice %arg7[%dma_start3A_727, %dma_start3A_728] : memref<200x128xf32, #tpu.memory_space<vmem>> -> memref<50x128xf32, #tpu.memory_space<vmem>>
    %dma_start3A_730 = arith.constant 0 : i32
    %dma_start3A_731 = arith.constant 0 : i32
    %dma_start3A_732 = tpu.memref_slice %arg4[%add3A_726, %dma_start3A_730, %dma_start3A_731] : memref<16384x50x128xf32, #tpu.memory_space<hbm>> -> memref<1x50x128xf32, #tpu.memory_space<hbm>>
    %dma_start3A_733 = tpu.memref_squeeze %dma_start3A_732 : memref<1x50x128xf32, #tpu.memory_space<hbm>> -> memref<50x128xf32, #tpu.memory_space<hbm>>
    %dma_start3A_734 = arith.constant 0 : i32
    %dma_start3A_735 = arith.constant 0 : i32
    %dma_start3A_736 = tpu.memref_slice %arg4[%add3A_726, %dma_start3A_734, %dma_start3A_735] : memref<16384x50x128xf32, #tpu.memory_space<hbm>> -> memref<1x50x128xf32, #tpu.memory_space<hbm>>
    %dma_start3A_737 = tpu.memref_squeeze %dma_start3A_736 : memref<1x50x128xf32, #tpu.memory_space<hbm>> -> memref<50x128xf32, #tpu.memory_space<hbm>>
    %dma_start3A_738 = arith.constant 0 : i32
    %dma_start3A_739 = arith.constant 0 : i32
    %dma_start3A_740 = tpu.memref_slice %arg7[%dma_start3A_738, %dma_start3A_739] : memref<200x128xf32, #tpu.memory_space<vmem>> -> memref<50x128xf32, #tpu.memory_space<vmem>>
    tpu.enqueue_dma source(%dma_start3A_740 : memref<50x128xf32, #tpu.memory_space<vmem>>) target(%dma_start3A_737 : memref<50x128xf32, #tpu.memory_space<hbm>>) target_semaphore(%arg15 : memref<!tpu.dma_semaphore, #tpu.memory_space<semaphore_mem>>)
    %add3A_741 = arith.constant 1 : i32
    %add3A_742 = arith.addi %add3A_724, %add3A_741 : i32
    %dma_start3A_743 = arith.constant 50 : i32
    %dma_start3A_744 = arith.constant 0 : i32
    %dma_start3A_745 = tpu.memref_slice %arg7[%dma_start3A_743, %dma_start3A_744] : memref<200x128xf32, #tpu.memory_space<vmem>> -> memref<50x128xf32, #tpu.memory_space<vmem>>
    %dma_start3A_746 = arith.constant 0 : i32
    %dma_start3A_747 = arith.constant 0 : i32
    %dma_start3A_748 = tpu.memref_slice %arg4[%add3A_742, %dma_start3A_746, %dma_start3A_747] : memref<16384x50x128xf32, #tpu.memory_space<hbm>> -> memref<1x50x128xf32, #tpu.memory_space<hbm>>
    %dma_start3A_749 = tpu.memref_squeeze %dma_start3A_748 : memref<1x50x128xf32, #tpu.memory_space<hbm>> -> memref<50x128xf32, #tpu.memory_space<hbm>>
    %dma_start3A_750 = arith.constant 0 : i32
    %dma_start3A_751 = arith.constant 0 : i32
    %dma_start3A_752 = tpu.memref_slice %arg4[%add3A_742, %dma_start3A_750, %dma_start3A_751] : memref<16384x50x128xf32, #tpu.memory_space<hbm>> -> memref<1x50x128xf32, #tpu.memory_space<hbm>>
    %dma_start3A_753 = tpu.memref_squeeze %dma_start3A_752 : memref<1x50x128xf32, #tpu.memory_space<hbm>> -> memref<50x128xf32, #tpu.memory_space<hbm>>
    %dma_start3A_754 = arith.constant 50 : i32
    %dma_start3A_755 = arith.constant 0 : i32
    %dma_start3A_756 = tpu.memref_slice %arg7[%dma_start3A_754, %dma_start3A_755] : memref<200x128xf32, #tpu.memory_space<vmem>> -> memref<50x128xf32, #tpu.memory_space<vmem>>
    tpu.enqueue_dma source(%dma_start3A_756 : memref<50x128xf32, #tpu.memory_space<vmem>>) target(%dma_start3A_753 : memref<50x128xf32, #tpu.memory_space<hbm>>) target_semaphore(%arg15 : memref<!tpu.dma_semaphore, #tpu.memory_space<semaphore_mem>>)
    %add3A_757 = arith.constant 2 : i32
    %add3A_758 = arith.addi %add3A_724, %add3A_757 : i32
    %dma_start3A_759 = arith.constant 100 : i32
    %dma_start3A_760 = arith.constant 0 : i32
    %dma_start3A_761 = tpu.memref_slice %arg7[%dma_start3A_759, %dma_start3A_760] : memref<200x128xf32, #tpu.memory_space<vmem>> -> memref<50x128xf32, #tpu.memory_space<vmem>>
    %dma_start3A_762 = arith.constant 0 : i32
    %dma_start3A_763 = arith.constant 0 : i32
    %dma_start3A_764 = tpu.memref_slice %arg4[%add3A_758, %dma_start3A_762, %dma_start3A_763] : memref<16384x50x128xf32, #tpu.memory_space<hbm>> -> memref<1x50x128xf32, #tpu.memory_space<hbm>>
    %dma_start3A_765 = tpu.memref_squeeze %dma_start3A_764 : memref<1x50x128xf32, #tpu.memory_space<hbm>> -> memref<50x128xf32, #tpu.memory_space<hbm>>
    %dma_start3A_766 = arith.constant 0 : i32
    %dma_start3A_767 = arith.constant 0 : i32
    %dma_start3A_768 = tpu.memref_slice %arg4[%add3A_758, %dma_start3A_766, %dma_start3A_767] : memref<16384x50x128xf32, #tpu.memory_space<hbm>> -> memref<1x50x128xf32, #tpu.memory_space<hbm>>
    %dma_start3A_769 = tpu.memref_squeeze %dma_start3A_768 : memref<1x50x128xf32, #tpu.memory_space<hbm>> -> memref<50x128xf32, #tpu.memory_space<hbm>>
    %dma_start3A_770 = arith.constant 100 : i32
    %dma_start3A_771 = arith.constant 0 : i32
    %dma_start3A_772 = tpu.memref_slice %arg7[%dma_start3A_770, %dma_start3A_771] : memref<200x128xf32, #tpu.memory_space<vmem>> -> memref<50x128xf32, #tpu.memory_space<vmem>>
    tpu.enqueue_dma source(%dma_start3A_772 : memref<50x128xf32, #tpu.memory_space<vmem>>) target(%dma_start3A_769 : memref<50x128xf32, #tpu.memory_space<hbm>>) target_semaphore(%arg15 : memref<!tpu.dma_semaphore, #tpu.memory_space<semaphore_mem>>)
    %add3A_773 = arith.constant 3 : i32
    %add3A_774 = arith.addi %add3A_724, %add3A_773 : i32
    %dma_start3A_775 = arith.constant 150 : i32
    %dma_start3A_776 = arith.constant 0 : i32
    %dma_start3A_777 = tpu.memref_slice %arg7[%dma_start3A_775, %dma_start3A_776] : memref<200x128xf32, #tpu.memory_space<vmem>> -> memref<50x128xf32, #tpu.memory_space<vmem>>
    %dma_start3A_778 = arith.constant 0 : i32
    %dma_start3A_779 = arith.constant 0 : i32
    %dma_start3A_780 = tpu.memref_slice %arg4[%add3A_774, %dma_start3A_778, %dma_start3A_779] : memref<16384x50x128xf32, #tpu.memory_space<hbm>> -> memref<1x50x128xf32, #tpu.memory_space<hbm>>
    %dma_start3A_781 = tpu.memref_squeeze %dma_start3A_780 : memref<1x50x128xf32, #tpu.memory_space<hbm>> -> memref<50x128xf32, #tpu.memory_space<hbm>>
    %dma_start3A_782 = arith.constant 0 : i32
    %dma_start3A_783 = arith.constant 0 : i32
    %dma_start3A_784 = tpu.memref_slice %arg4[%add3A_774, %dma_start3A_782, %dma_start3A_783] : memref<16384x50x128xf32, #tpu.memory_space<hbm>> -> memref<1x50x128xf32, #tpu.memory_space<hbm>>
    %dma_start3A_785 = tpu.memref_squeeze %dma_start3A_784 : memref<1x50x128xf32, #tpu.memory_space<hbm>> -> memref<50x128xf32, #tpu.memory_space<hbm>>
    %dma_start3A_786 = arith.constant 150 : i32
    %dma_start3A_787 = arith.constant 0 : i32
    %dma_start3A_788 = tpu.memref_slice %arg7[%dma_start3A_786, %dma_start3A_787] : memref<200x128xf32, #tpu.memory_space<vmem>> -> memref<50x128xf32, #tpu.memory_space<vmem>>
    tpu.enqueue_dma source(%dma_start3A_788 : memref<50x128xf32, #tpu.memory_space<vmem>>) target(%dma_start3A_785 : memref<50x128xf32, #tpu.memory_space<hbm>>) target_semaphore(%arg15 : memref<!tpu.dma_semaphore, #tpu.memory_space<semaphore_mem>>)
    %dma_wait3A_789 = arith.constant 0 : i32
    %dma_wait3A_790 = arith.constant 0 : i32
    %dma_wait3A_791 = arith.constant 0 : i32
    %dma_wait3A_792 = tpu.memref_slice %arg9[%dma_wait3A_790, %dma_wait3A_791] : memref<200x128xf32, #tpu.memory_space<vmem>> -> memref<50x128xf32, #tpu.memory_space<vmem>>
    %dma_wait3A_793 = arith.constant 0 : i32
    %dma_wait3A_794 = arith.constant 0 : i32
    %dma_wait3A_795 = tpu.memref_slice %arg4[%dma_wait3A_789, %dma_wait3A_793, %dma_wait3A_794] : memref<16384x50x128xf32, #tpu.memory_space<hbm>> -> memref<1x50x128xf32, #tpu.memory_space<hbm>>
    %dma_wait3A_796 = tpu.memref_squeeze %dma_wait3A_795 : memref<1x50x128xf32, #tpu.memory_space<hbm>> -> memref<50x128xf32, #tpu.memory_space<hbm>>
    %dma_wait3A_797 = arith.constant 0 : i32
    %dma_wait3A_798 = arith.constant 0 : i32
    %dma_wait3A_799 = tpu.memref_slice %arg4[%dma_wait3A_789, %dma_wait3A_797, %dma_wait3A_798] : memref<16384x50x128xf32, #tpu.memory_space<hbm>> -> memref<1x50x128xf32, #tpu.memory_space<hbm>>
    %dma_wait3A_800 = tpu.memref_squeeze %dma_wait3A_799 : memref<1x50x128xf32, #tpu.memory_space<hbm>> -> memref<50x128xf32, #tpu.memory_space<hbm>>
    %dma_wait3A_801 = arith.constant 0 : i32
    %dma_wait3A_802 = arith.constant 0 : i32
    %dma_wait3A_803 = tpu.memref_slice %arg9[%dma_wait3A_801, %dma_wait3A_802] : memref<200x128xf32, #tpu.memory_space<vmem>> -> memref<50x128xf32, #tpu.memory_space<vmem>>
    tpu.wait_dma2 semaphore(%arg17 : memref<!tpu.dma_semaphore, #tpu.memory_space<semaphore_mem>>) src(%dma_wait3A_803 : memref<50x128xf32, #tpu.memory_space<vmem>>) dst(%dma_wait3A_800 : memref<50x128xf32, #tpu.memory_space<hbm>>)
    %dma_wait3A_804 = arith.constant 0 : i32
    %dma_wait3A_805 = arith.constant 50 : i32
    %dma_wait3A_806 = arith.constant 0 : i32
    %dma_wait3A_807 = tpu.memref_slice %arg9[%dma_wait3A_805, %dma_wait3A_806] : memref<200x128xf32, #tpu.memory_space<vmem>> -> memref<50x128xf32, #tpu.memory_space<vmem>>
    %dma_wait3A_808 = arith.constant 0 : i32
    %dma_wait3A_809 = arith.constant 0 : i32
    %dma_wait3A_810 = tpu.memref_slice %arg4[%dma_wait3A_804, %dma_wait3A_808, %dma_wait3A_809] : memref<16384x50x128xf32, #tpu.memory_space<hbm>> -> memref<1x50x128xf32, #tpu.memory_space<hbm>>
    %dma_wait3A_811 = tpu.memref_squeeze %dma_wait3A_810 : memref<1x50x128xf32, #tpu.memory_space<hbm>> -> memref<50x128xf32, #tpu.memory_space<hbm>>
    %dma_wait3A_812 = arith.constant 0 : i32
    %dma_wait3A_813 = arith.constant 0 : i32
    %dma_wait3A_814 = tpu.memref_slice %arg4[%dma_wait3A_804, %dma_wait3A_812, %dma_wait3A_813] : memref<16384x50x128xf32, #tpu.memory_space<hbm>> -> memref<1x50x128xf32, #tpu.memory_space<hbm>>
    %dma_wait3A_815 = tpu.memref_squeeze %dma_wait3A_814 : memref<1x50x128xf32, #tpu.memory_space<hbm>> -> memref<50x128xf32, #tpu.memory_space<hbm>>
    %dma_wait3A_816 = arith.constant 50 : i32
    %dma_wait3A_817 = arith.constant 0 : i32
    %dma_wait3A_818 = tpu.memref_slice %arg9[%dma_wait3A_816, %dma_wait3A_817] : memref<200x128xf32, #tpu.memory_space<vmem>> -> memref<50x128xf32, #tpu.memory_space<vmem>>
    tpu.wait_dma2 semaphore(%arg17 : memref<!tpu.dma_semaphore, #tpu.memory_space<semaphore_mem>>) src(%dma_wait3A_818 : memref<50x128xf32, #tpu.memory_space<vmem>>) dst(%dma_wait3A_815 : memref<50x128xf32, #tpu.memory_space<hbm>>)
    %dma_wait3A_819 = arith.constant 0 : i32
    %dma_wait3A_820 = arith.constant 100 : i32
    %dma_wait3A_821 = arith.constant 0 : i32
    %dma_wait3A_822 = tpu.memref_slice %arg9[%dma_wait3A_820, %dma_wait3A_821] : memref<200x128xf32, #tpu.memory_space<vmem>> -> memref<50x128xf32, #tpu.memory_space<vmem>>
    %dma_wait3A_823 = arith.constant 0 : i32
    %dma_wait3A_824 = arith.constant 0 : i32
    %dma_wait3A_825 = tpu.memref_slice %arg4[%dma_wait3A_819, %dma_wait3A_823, %dma_wait3A_824] : memref<16384x50x128xf32, #tpu.memory_space<hbm>> -> memref<1x50x128xf32, #tpu.memory_space<hbm>>
    %dma_wait3A_826 = tpu.memref_squeeze %dma_wait3A_825 : memref<1x50x128xf32, #tpu.memory_space<hbm>> -> memref<50x128xf32, #tpu.memory_space<hbm>>
    %dma_wait3A_827 = arith.constant 0 : i32
    %dma_wait3A_828 = arith.constant 0 : i32
    %dma_wait3A_829 = tpu.memref_slice %arg4[%dma_wait3A_819, %dma_wait3A_827, %dma_wait3A_828] : memref<16384x50x128xf32, #tpu.memory_space<hbm>> -> memref<1x50x128xf32, #tpu.memory_space<hbm>>
    %dma_wait3A_830 = tpu.memref_squeeze %dma_wait3A_829 : memref<1x50x128xf32, #tpu.memory_space<hbm>> -> memref<50x128xf32, #tpu.memory_space<hbm>>
    %dma_wait3A_831 = arith.constant 100 : i32
    %dma_wait3A_832 = arith.constant 0 : i32
    %dma_wait3A_833 = tpu.memref_slice %arg9[%dma_wait3A_831, %dma_wait3A_832] : memref<200x128xf32, #tpu.memory_space<vmem>> -> memref<50x128xf32, #tpu.memory_space<vmem>>
    tpu.wait_dma2 semaphore(%arg17 : memref<!tpu.dma_semaphore, #tpu.memory_space<semaphore_mem>>) src(%dma_wait3A_833 : memref<50x128xf32, #tpu.memory_space<vmem>>) dst(%dma_wait3A_830 : memref<50x128xf32, #tpu.memory_space<hbm>>)
    %dma_wait3A_834 = arith.constant 0 : i32
    %dma_wait3A_835 = arith.constant 150 : i32
    %dma_wait3A_836 = arith.constant 0 : i32
    %dma_wait3A_837 = tpu.memref_slice %arg9[%dma_wait3A_835, %dma_wait3A_836] : memref<200x128xf32, #tpu.memory_space<vmem>> -> memref<50x128xf32, #tpu.memory_space<vmem>>
    %dma_wait3A_838 = arith.constant 0 : i32
    %dma_wait3A_839 = arith.constant 0 : i32
    %dma_wait3A_840 = tpu.memref_slice %arg4[%dma_wait3A_834, %dma_wait3A_838, %dma_wait3A_839] : memref<16384x50x128xf32, #tpu.memory_space<hbm>> -> memref<1x50x128xf32, #tpu.memory_space<hbm>>
    %dma_wait3A_841 = tpu.memref_squeeze %dma_wait3A_840 : memref<1x50x128xf32, #tpu.memory_space<hbm>> -> memref<50x128xf32, #tpu.memory_space<hbm>>
    %dma_wait3A_842 = arith.constant 0 : i32
    %dma_wait3A_843 = arith.constant 0 : i32
    %dma_wait3A_844 = tpu.memref_slice %arg4[%dma_wait3A_834, %dma_wait3A_842, %dma_wait3A_843] : memref<16384x50x128xf32, #tpu.memory_space<hbm>> -> memref<1x50x128xf32, #tpu.memory_space<hbm>>
    %dma_wait3A_845 = tpu.memref_squeeze %dma_wait3A_844 : memref<1x50x128xf32, #tpu.memory_space<hbm>> -> memref<50x128xf32, #tpu.memory_space<hbm>>
    %dma_wait3A_846 = arith.constant 150 : i32
    %dma_wait3A_847 = arith.constant 0 : i32
    %dma_wait3A_848 = tpu.memref_slice %arg9[%dma_wait3A_846, %dma_wait3A_847] : memref<200x128xf32, #tpu.memory_space<vmem>> -> memref<50x128xf32, #tpu.memory_space<vmem>>
    tpu.wait_dma2 semaphore(%arg17 : memref<!tpu.dma_semaphore, #tpu.memory_space<semaphore_mem>>) src(%dma_wait3A_848 : memref<50x128xf32, #tpu.memory_space<vmem>>) dst(%dma_wait3A_845 : memref<50x128xf32, #tpu.memory_space<hbm>>)
    %dma_start3A_849 = arith.constant 0 : i32
    %dma_start3A_850 = arith.constant 0 : i32
    %dma_start3A_851 = tpu.memref_slice %arg9[%dma_start3A_849, %dma_start3A_850] : memref<200x128xf32, #tpu.memory_space<vmem>> -> memref<104x128xf32, #tpu.memory_space<vmem>>
    %dma_start3A_852 = arith.constant 25400 : i32
    %dma_start3A_853 = tpu.memref_slice %arg5[%dma_start3A_852] : memref<25600xi32, #tpu.memory_space<vmem>> -> memref<104xi32, #tpu.memory_space<vmem>>
    %dma_start3A_854 = arith.constant 0 : i32
    %dma_start3A_855 = arith.constant 0 : i32
    %dma_start3A_856 = tpu.memref_slice %arg3[%dma_start3A_854, %dma_start3A_855] : memref<100000x128xf32, #tpu.memory_space<hbm>> -> memref<100000x128xf32, #tpu.memory_space<hbm>>
    tpu.enqueue_indirect_dma source(%dma_start3A_856 : memref<100000x128xf32, #tpu.memory_space<hbm>>) target(%dma_start3A_851 : memref<104x128xf32, #tpu.memory_space<vmem>>) offsets(%dma_start3A_853 : memref<104xi32, #tpu.memory_space<vmem>>) semaphore(%arg13 : memref<!tpu.dma_semaphore, #tpu.memory_space<semaphore_mem>>)
    %dma_start3A_857 = arith.constant 104 : i32
    %dma_start3A_858 = arith.constant 0 : i32
    %dma_start3A_859 = tpu.memref_slice %arg9[%dma_start3A_857, %dma_start3A_858] : memref<200x128xf32, #tpu.memory_space<vmem>> -> memref<96x128xf32, #tpu.memory_space<vmem>>
    %dma_start3A_860 = arith.constant 25504 : i32
    %dma_start3A_861 = tpu.memref_slice %arg5[%dma_start3A_860] : memref<25600xi32, #tpu.memory_space<vmem>> -> memref<96xi32, #tpu.memory_space<vmem>>
    %dma_start3A_862 = arith.constant 0 : i32
    %dma_start3A_863 = arith.constant 0 : i32
    %dma_start3A_864 = tpu.memref_slice %arg3[%dma_start3A_862, %dma_start3A_863] : memref<100000x128xf32, #tpu.memory_space<hbm>> -> memref<100000x128xf32, #tpu.memory_space<hbm>>
    tpu.enqueue_indirect_dma source(%dma_start3A_864 : memref<100000x128xf32, #tpu.memory_space<hbm>>) target(%dma_start3A_859 : memref<96x128xf32, #tpu.memory_space<vmem>>) offsets(%dma_start3A_861 : memref<96xi32, #tpu.memory_space<vmem>>) semaphore(%arg13 : memref<!tpu.dma_semaphore, #tpu.memory_space<semaphore_mem>>)
    %dma_wait3A_865 = arith.constant 0 : i32
    %dma_wait3A_866 = arith.constant 0 : i32
    %dma_wait3A_867 = tpu.memref_slice %arg8[%dma_wait3A_865, %dma_wait3A_866] : memref<200x128xf32, #tpu.memory_space<vmem>> -> memref<104x128xf32, #tpu.memory_space<vmem>>
    %dma_wait3A_868 = arith.constant 0 : i32
    %dma_wait3A_869 = tpu.memref_slice %arg5[%dma_wait3A_868] : memref<25600xi32, #tpu.memory_space<vmem>> -> memref<104xi32, #tpu.memory_space<vmem>>
    %dma_wait3A_870 = arith.constant 0 : i32
    %dma_wait3A_871 = arith.constant 0 : i32
    %dma_wait3A_872 = tpu.memref_slice %arg3[%dma_wait3A_870, %dma_wait3A_871] : memref<100000x128xf32, #tpu.memory_space<hbm>> -> memref<100000x128xf32, #tpu.memory_space<hbm>>
    tpu.wait_indirect_dma semaphore(%arg12 : memref<!tpu.dma_semaphore, #tpu.memory_space<semaphore_mem>>) src(%dma_wait3A_872 : memref<100000x128xf32, #tpu.memory_space<hbm>>) dst(%dma_wait3A_867 : memref<104x128xf32, #tpu.memory_space<vmem>>)
    %dma_wait3A_873 = arith.constant 104 : i32
    %dma_wait3A_874 = arith.constant 0 : i32
    %dma_wait3A_875 = tpu.memref_slice %arg8[%dma_wait3A_873, %dma_wait3A_874] : memref<200x128xf32, #tpu.memory_space<vmem>> -> memref<96x128xf32, #tpu.memory_space<vmem>>
    %dma_wait3A_876 = arith.constant 0 : i32
    %dma_wait3A_877 = tpu.memref_slice %arg5[%dma_wait3A_876] : memref<25600xi32, #tpu.memory_space<vmem>> -> memref<96xi32, #tpu.memory_space<vmem>>
    %dma_wait3A_878 = arith.constant 0 : i32
    %dma_wait3A_879 = arith.constant 0 : i32
    %dma_wait3A_880 = tpu.memref_slice %arg3[%dma_wait3A_878, %dma_wait3A_879] : memref<100000x128xf32, #tpu.memory_space<hbm>> -> memref<100000x128xf32, #tpu.memory_space<hbm>>
    tpu.wait_indirect_dma semaphore(%arg12 : memref<!tpu.dma_semaphore, #tpu.memory_space<semaphore_mem>>) src(%dma_wait3A_880 : memref<100000x128xf32, #tpu.memory_space<hbm>>) dst(%dma_wait3A_875 : memref<96x128xf32, #tpu.memory_space<vmem>>)
    %add3A_881 = arith.constant 504 : i32
    %add3A_882 = arith.addi %mul3A_2, %add3A_881 : i32
    %add3A_883 = arith.constant 0 : i32
    %add3A_884 = arith.addi %add3A_882, %add3A_883 : i32
    %dma_start3A_885 = arith.constant 0 : i32
    %dma_start3A_886 = arith.constant 0 : i32
    %dma_start3A_887 = tpu.memref_slice %arg8[%dma_start3A_885, %dma_start3A_886] : memref<200x128xf32, #tpu.memory_space<vmem>> -> memref<50x128xf32, #tpu.memory_space<vmem>>
    %dma_start3A_888 = arith.constant 0 : i32
    %dma_start3A_889 = arith.constant 0 : i32
    %dma_start3A_890 = tpu.memref_slice %arg4[%add3A_884, %dma_start3A_888, %dma_start3A_889] : memref<16384x50x128xf32, #tpu.memory_space<hbm>> -> memref<1x50x128xf32, #tpu.memory_space<hbm>>
    %dma_start3A_891 = tpu.memref_squeeze %dma_start3A_890 : memref<1x50x128xf32, #tpu.memory_space<hbm>> -> memref<50x128xf32, #tpu.memory_space<hbm>>
    %dma_start3A_892 = arith.constant 0 : i32
    %dma_start3A_893 = arith.constant 0 : i32
    %dma_start3A_894 = tpu.memref_slice %arg4[%add3A_884, %dma_start3A_892, %dma_start3A_893] : memref<16384x50x128xf32, #tpu.memory_space<hbm>> -> memref<1x50x128xf32, #tpu.memory_space<hbm>>
    %dma_start3A_895 = tpu.memref_squeeze %dma_start3A_894 : memref<1x50x128xf32, #tpu.memory_space<hbm>> -> memref<50x128xf32, #tpu.memory_space<hbm>>
    %dma_start3A_896 = arith.constant 0 : i32
    %dma_start3A_897 = arith.constant 0 : i32
    %dma_start3A_898 = tpu.memref_slice %arg8[%dma_start3A_896, %dma_start3A_897] : memref<200x128xf32, #tpu.memory_space<vmem>> -> memref<50x128xf32, #tpu.memory_space<vmem>>
    tpu.enqueue_dma source(%dma_start3A_898 : memref<50x128xf32, #tpu.memory_space<vmem>>) target(%dma_start3A_895 : memref<50x128xf32, #tpu.memory_space<hbm>>) target_semaphore(%arg16 : memref<!tpu.dma_semaphore, #tpu.memory_space<semaphore_mem>>)
    %add3A_899 = arith.constant 1 : i32
    %add3A_900 = arith.addi %add3A_882, %add3A_899 : i32
    %dma_start3A_901 = arith.constant 50 : i32
    %dma_start3A_902 = arith.constant 0 : i32
    %dma_start3A_903 = tpu.memref_slice %arg8[%dma_start3A_901, %dma_start3A_902] : memref<200x128xf32, #tpu.memory_space<vmem>> -> memref<50x128xf32, #tpu.memory_space<vmem>>
    %dma_start3A_904 = arith.constant 0 : i32
    %dma_start3A_905 = arith.constant 0 : i32
    %dma_start3A_906 = tpu.memref_slice %arg4[%add3A_900, %dma_start3A_904, %dma_start3A_905] : memref<16384x50x128xf32, #tpu.memory_space<hbm>> -> memref<1x50x128xf32, #tpu.memory_space<hbm>>
    %dma_start3A_907 = tpu.memref_squeeze %dma_start3A_906 : memref<1x50x128xf32, #tpu.memory_space<hbm>> -> memref<50x128xf32, #tpu.memory_space<hbm>>
    %dma_start3A_908 = arith.constant 0 : i32
    %dma_start3A_909 = arith.constant 0 : i32
    %dma_start3A_910 = tpu.memref_slice %arg4[%add3A_900, %dma_start3A_908, %dma_start3A_909] : memref<16384x50x128xf32, #tpu.memory_space<hbm>> -> memref<1x50x128xf32, #tpu.memory_space<hbm>>
    %dma_start3A_911 = tpu.memref_squeeze %dma_start3A_910 : memref<1x50x128xf32, #tpu.memory_space<hbm>> -> memref<50x128xf32, #tpu.memory_space<hbm>>
    %dma_start3A_912 = arith.constant 50 : i32
    %dma_start3A_913 = arith.constant 0 : i32
    %dma_start3A_914 = tpu.memref_slice %arg8[%dma_start3A_912, %dma_start3A_913] : memref<200x128xf32, #tpu.memory_space<vmem>> -> memref<50x128xf32, #tpu.memory_space<vmem>>
    tpu.enqueue_dma source(%dma_start3A_914 : memref<50x128xf32, #tpu.memory_space<vmem>>) target(%dma_start3A_911 : memref<50x128xf32, #tpu.memory_space<hbm>>) target_semaphore(%arg16 : memref<!tpu.dma_semaphore, #tpu.memory_space<semaphore_mem>>)
    %add3A_915 = arith.constant 2 : i32
    %add3A_916 = arith.addi %add3A_882, %add3A_915 : i32
    %dma_start3A_917 = arith.constant 100 : i32
    %dma_start3A_918 = arith.constant 0 : i32
    %dma_start3A_919 = tpu.memref_slice %arg8[%dma_start3A_917, %dma_start3A_918] : memref<200x128xf32, #tpu.memory_space<vmem>> -> memref<50x128xf32, #tpu.memory_space<vmem>>
    %dma_start3A_920 = arith.constant 0 : i32
    %dma_start3A_921 = arith.constant 0 : i32
    %dma_start3A_922 = tpu.memref_slice %arg4[%add3A_916, %dma_start3A_920, %dma_start3A_921] : memref<16384x50x128xf32, #tpu.memory_space<hbm>> -> memref<1x50x128xf32, #tpu.memory_space<hbm>>
    %dma_start3A_923 = tpu.memref_squeeze %dma_start3A_922 : memref<1x50x128xf32, #tpu.memory_space<hbm>> -> memref<50x128xf32, #tpu.memory_space<hbm>>
    %dma_start3A_924 = arith.constant 0 : i32
    %dma_start3A_925 = arith.constant 0 : i32
    %dma_start3A_926 = tpu.memref_slice %arg4[%add3A_916, %dma_start3A_924, %dma_start3A_925] : memref<16384x50x128xf32, #tpu.memory_space<hbm>> -> memref<1x50x128xf32, #tpu.memory_space<hbm>>
    %dma_start3A_927 = tpu.memref_squeeze %dma_start3A_926 : memref<1x50x128xf32, #tpu.memory_space<hbm>> -> memref<50x128xf32, #tpu.memory_space<hbm>>
    %dma_start3A_928 = arith.constant 100 : i32
    %dma_start3A_929 = arith.constant 0 : i32
    %dma_start3A_930 = tpu.memref_slice %arg8[%dma_start3A_928, %dma_start3A_929] : memref<200x128xf32, #tpu.memory_space<vmem>> -> memref<50x128xf32, #tpu.memory_space<vmem>>
    tpu.enqueue_dma source(%dma_start3A_930 : memref<50x128xf32, #tpu.memory_space<vmem>>) target(%dma_start3A_927 : memref<50x128xf32, #tpu.memory_space<hbm>>) target_semaphore(%arg16 : memref<!tpu.dma_semaphore, #tpu.memory_space<semaphore_mem>>)
    %add3A_931 = arith.constant 3 : i32
    %add3A_932 = arith.addi %add3A_882, %add3A_931 : i32
    %dma_start3A_933 = arith.constant 150 : i32
    %dma_start3A_934 = arith.constant 0 : i32
    %dma_start3A_935 = tpu.memref_slice %arg8[%dma_start3A_933, %dma_start3A_934] : memref<200x128xf32, #tpu.memory_space<vmem>> -> memref<50x128xf32, #tpu.memory_space<vmem>>
    %dma_start3A_936 = arith.constant 0 : i32
    %dma_start3A_937 = arith.constant 0 : i32
    %dma_start3A_938 = tpu.memref_slice %arg4[%add3A_932, %dma_start3A_936, %dma_start3A_937] : memref<16384x50x128xf32, #tpu.memory_space<hbm>> -> memref<1x50x128xf32, #tpu.memory_space<hbm>>
    %dma_start3A_939 = tpu.memref_squeeze %dma_start3A_938 : memref<1x50x128xf32, #tpu.memory_space<hbm>> -> memref<50x128xf32, #tpu.memory_space<hbm>>
    %dma_start3A_940 = arith.constant 0 : i32
    %dma_start3A_941 = arith.constant 0 : i32
    %dma_start3A_942 = tpu.memref_slice %arg4[%add3A_932, %dma_start3A_940, %dma_start3A_941] : memref<16384x50x128xf32, #tpu.memory_space<hbm>> -> memref<1x50x128xf32, #tpu.memory_space<hbm>>
    %dma_start3A_943 = tpu.memref_squeeze %dma_start3A_942 : memref<1x50x128xf32, #tpu.memory_space<hbm>> -> memref<50x128xf32, #tpu.memory_space<hbm>>
    %dma_start3A_944 = arith.constant 150 : i32
    %dma_start3A_945 = arith.constant 0 : i32
    %dma_start3A_946 = tpu.memref_slice %arg8[%dma_start3A_944, %dma_start3A_945] : memref<200x128xf32, #tpu.memory_space<vmem>> -> memref<50x128xf32, #tpu.memory_space<vmem>>
    tpu.enqueue_dma source(%dma_start3A_946 : memref<50x128xf32, #tpu.memory_space<vmem>>) target(%dma_start3A_943 : memref<50x128xf32, #tpu.memory_space<hbm>>) target_semaphore(%arg16 : memref<!tpu.dma_semaphore, #tpu.memory_space<semaphore_mem>>)
    %dma_wait3A_947 = arith.constant 0 : i32
    %dma_wait3A_948 = arith.constant 0 : i32
    %dma_wait3A_949 = arith.constant 0 : i32
    %dma_wait3A_950 = tpu.memref_slice %arg6[%dma_wait3A_948, %dma_wait3A_949] : memref<200x128xf32, #tpu.memory_space<vmem>> -> memref<50x128xf32, #tpu.memory_space<vmem>>
    %dma_wait3A_951 = arith.constant 0 : i32
    %dma_wait3A_952 = arith.constant 0 : i32
    %dma_wait3A_953 = tpu.memref_slice %arg4[%dma_wait3A_947, %dma_wait3A_951, %dma_wait3A_952] : memref<16384x50x128xf32, #tpu.memory_space<hbm>> -> memref<1x50x128xf32, #tpu.memory_space<hbm>>
    %dma_wait3A_954 = tpu.memref_squeeze %dma_wait3A_953 : memref<1x50x128xf32, #tpu.memory_space<hbm>> -> memref<50x128xf32, #tpu.memory_space<hbm>>
    %dma_wait3A_955 = arith.constant 0 : i32
    %dma_wait3A_956 = arith.constant 0 : i32
    %dma_wait3A_957 = tpu.memref_slice %arg4[%dma_wait3A_947, %dma_wait3A_955, %dma_wait3A_956] : memref<16384x50x128xf32, #tpu.memory_space<hbm>> -> memref<1x50x128xf32, #tpu.memory_space<hbm>>
    %dma_wait3A_958 = tpu.memref_squeeze %dma_wait3A_957 : memref<1x50x128xf32, #tpu.memory_space<hbm>> -> memref<50x128xf32, #tpu.memory_space<hbm>>
    %dma_wait3A_959 = arith.constant 0 : i32
    %dma_wait3A_960 = arith.constant 0 : i32
    %dma_wait3A_961 = tpu.memref_slice %arg6[%dma_wait3A_959, %dma_wait3A_960] : memref<200x128xf32, #tpu.memory_space<vmem>> -> memref<50x128xf32, #tpu.memory_space<vmem>>
    tpu.wait_dma2 semaphore(%arg14 : memref<!tpu.dma_semaphore, #tpu.memory_space<semaphore_mem>>) src(%dma_wait3A_961 : memref<50x128xf32, #tpu.memory_space<vmem>>) dst(%dma_wait3A_958 : memref<50x128xf32, #tpu.memory_space<hbm>>)
    %dma_wait3A_962 = arith.constant 0 : i32
    %dma_wait3A_963 = arith.constant 50 : i32
    %dma_wait3A_964 = arith.constant 0 : i32
    %dma_wait3A_965 = tpu.memref_slice %arg6[%dma_wait3A_963, %dma_wait3A_964] : memref<200x128xf32, #tpu.memory_space<vmem>> -> memref<50x128xf32, #tpu.memory_space<vmem>>
    %dma_wait3A_966 = arith.constant 0 : i32
    %dma_wait3A_967 = arith.constant 0 : i32
    %dma_wait3A_968 = tpu.memref_slice %arg4[%dma_wait3A_962, %dma_wait3A_966, %dma_wait3A_967] : memref<16384x50x128xf32, #tpu.memory_space<hbm>> -> memref<1x50x128xf32, #tpu.memory_space<hbm>>
    %dma_wait3A_969 = tpu.memref_squeeze %dma_wait3A_968 : memref<1x50x128xf32, #tpu.memory_space<hbm>> -> memref<50x128xf32, #tpu.memory_space<hbm>>
    %dma_wait3A_970 = arith.constant 0 : i32
    %dma_wait3A_971 = arith.constant 0 : i32
    %dma_wait3A_972 = tpu.memref_slice %arg4[%dma_wait3A_962, %dma_wait3A_970, %dma_wait3A_971] : memref<16384x50x128xf32, #tpu.memory_space<hbm>> -> memref<1x50x128xf32, #tpu.memory_space<hbm>>
    %dma_wait3A_973 = tpu.memref_squeeze %dma_wait3A_972 : memref<1x50x128xf32, #tpu.memory_space<hbm>> -> memref<50x128xf32, #tpu.memory_space<hbm>>
    %dma_wait3A_974 = arith.constant 50 : i32
    %dma_wait3A_975 = arith.constant 0 : i32
    %dma_wait3A_976 = tpu.memref_slice %arg6[%dma_wait3A_974, %dma_wait3A_975] : memref<200x128xf32, #tpu.memory_space<vmem>> -> memref<50x128xf32, #tpu.memory_space<vmem>>
    tpu.wait_dma2 semaphore(%arg14 : memref<!tpu.dma_semaphore, #tpu.memory_space<semaphore_mem>>) src(%dma_wait3A_976 : memref<50x128xf32, #tpu.memory_space<vmem>>) dst(%dma_wait3A_973 : memref<50x128xf32, #tpu.memory_space<hbm>>)
    %dma_wait3A_977 = arith.constant 0 : i32
    %dma_wait3A_978 = arith.constant 100 : i32
    %dma_wait3A_979 = arith.constant 0 : i32
    %dma_wait3A_980 = tpu.memref_slice %arg6[%dma_wait3A_978, %dma_wait3A_979] : memref<200x128xf32, #tpu.memory_space<vmem>> -> memref<50x128xf32, #tpu.memory_space<vmem>>
    %dma_wait3A_981 = arith.constant 0 : i32
    %dma_wait3A_982 = arith.constant 0 : i32
    %dma_wait3A_983 = tpu.memref_slice %arg4[%dma_wait3A_977, %dma_wait3A_981, %dma_wait3A_982] : memref<16384x50x128xf32, #tpu.memory_space<hbm>> -> memref<1x50x128xf32, #tpu.memory_space<hbm>>
    %dma_wait3A_984 = tpu.memref_squeeze %dma_wait3A_983 : memref<1x50x128xf32, #tpu.memory_space<hbm>> -> memref<50x128xf32, #tpu.memory_space<hbm>>
    %dma_wait3A_985 = arith.constant 0 : i32
    %dma_wait3A_986 = arith.constant 0 : i32
    %dma_wait3A_987 = tpu.memref_slice %arg4[%dma_wait3A_977, %dma_wait3A_985, %dma_wait3A_986] : memref<16384x50x128xf32, #tpu.memory_space<hbm>> -> memref<1x50x128xf32, #tpu.memory_space<hbm>>
    %dma_wait3A_988 = tpu.memref_squeeze %dma_wait3A_987 : memref<1x50x128xf32, #tpu.memory_space<hbm>> -> memref<50x128xf32, #tpu.memory_space<hbm>>
    %dma_wait3A_989 = arith.constant 100 : i32
    %dma_wait3A_990 = arith.constant 0 : i32
    %dma_wait3A_991 = tpu.memref_slice %arg6[%dma_wait3A_989, %dma_wait3A_990] : memref<200x128xf32, #tpu.memory_space<vmem>> -> memref<50x128xf32, #tpu.memory_space<vmem>>
    tpu.wait_dma2 semaphore(%arg14 : memref<!tpu.dma_semaphore, #tpu.memory_space<semaphore_mem>>) src(%dma_wait3A_991 : memref<50x128xf32, #tpu.memory_space<vmem>>) dst(%dma_wait3A_988 : memref<50x128xf32, #tpu.memory_space<hbm>>)
    %dma_wait3A_992 = arith.constant 0 : i32
    %dma_wait3A_993 = arith.constant 150 : i32
    %dma_wait3A_994 = arith.constant 0 : i32
    %dma_wait3A_995 = tpu.memref_slice %arg6[%dma_wait3A_993, %dma_wait3A_994] : memref<200x128xf32, #tpu.memory_space<vmem>> -> memref<50x128xf32, #tpu.memory_space<vmem>>
    %dma_wait3A_996 = arith.constant 0 : i32
    %dma_wait3A_997 = arith.constant 0 : i32
    %dma_wait3A_998 = tpu.memref_slice %arg4[%dma_wait3A_992, %dma_wait3A_996, %dma_wait3A_997] : memref<16384x50x128xf32, #tpu.memory_space<hbm>> -> memref<1x50x128xf32, #tpu.memory_space<hbm>>
    %dma_wait3A_999 = tpu.memref_squeeze %dma_wait3A_998 : memref<1x50x128xf32, #tpu.memory_space<hbm>> -> memref<50x128xf32, #tpu.memory_space<hbm>>
    %dma_wait3A_1000 = arith.constant 0 : i32
    %dma_wait3A_1001 = arith.constant 0 : i32
    %dma_wait3A_1002 = tpu.memref_slice %arg4[%dma_wait3A_992, %dma_wait3A_1000, %dma_wait3A_1001] : memref<16384x50x128xf32, #tpu.memory_space<hbm>> -> memref<1x50x128xf32, #tpu.memory_space<hbm>>
    %dma_wait3A_1003 = tpu.memref_squeeze %dma_wait3A_1002 : memref<1x50x128xf32, #tpu.memory_space<hbm>> -> memref<50x128xf32, #tpu.memory_space<hbm>>
    %dma_wait3A_1004 = arith.constant 150 : i32
    %dma_wait3A_1005 = arith.constant 0 : i32
    %dma_wait3A_1006 = tpu.memref_slice %arg6[%dma_wait3A_1004, %dma_wait3A_1005] : memref<200x128xf32, #tpu.memory_space<vmem>> -> memref<50x128xf32, #tpu.memory_space<vmem>>
    tpu.wait_dma2 semaphore(%arg14 : memref<!tpu.dma_semaphore, #tpu.memory_space<semaphore_mem>>) src(%dma_wait3A_1006 : memref<50x128xf32, #tpu.memory_space<vmem>>) dst(%dma_wait3A_1003 : memref<50x128xf32, #tpu.memory_space<hbm>>)
    %dma_wait3A_1007 = arith.constant 0 : i32
    %dma_wait3A_1008 = arith.constant 0 : i32
    %dma_wait3A_1009 = tpu.memref_slice %arg9[%dma_wait3A_1007, %dma_wait3A_1008] : memref<200x128xf32, #tpu.memory_space<vmem>> -> memref<104x128xf32, #tpu.memory_space<vmem>>
    %dma_wait3A_1010 = arith.constant 0 : i32
    %dma_wait3A_1011 = tpu.memref_slice %arg5[%dma_wait3A_1010] : memref<25600xi32, #tpu.memory_space<vmem>> -> memref<104xi32, #tpu.memory_space<vmem>>
    %dma_wait3A_1012 = arith.constant 0 : i32
    %dma_wait3A_1013 = arith.constant 0 : i32
    %dma_wait3A_1014 = tpu.memref_slice %arg3[%dma_wait3A_1012, %dma_wait3A_1013] : memref<100000x128xf32, #tpu.memory_space<hbm>> -> memref<100000x128xf32, #tpu.memory_space<hbm>>
    tpu.wait_indirect_dma semaphore(%arg13 : memref<!tpu.dma_semaphore, #tpu.memory_space<semaphore_mem>>) src(%dma_wait3A_1014 : memref<100000x128xf32, #tpu.memory_space<hbm>>) dst(%dma_wait3A_1009 : memref<104x128xf32, #tpu.memory_space<vmem>>)
    %dma_wait3A_1015 = arith.constant 104 : i32
    %dma_wait3A_1016 = arith.constant 0 : i32
    %dma_wait3A_1017 = tpu.memref_slice %arg9[%dma_wait3A_1015, %dma_wait3A_1016] : memref<200x128xf32, #tpu.memory_space<vmem>> -> memref<96x128xf32, #tpu.memory_space<vmem>>
    %dma_wait3A_1018 = arith.constant 0 : i32
    %dma_wait3A_1019 = tpu.memref_slice %arg5[%dma_wait3A_1018] : memref<25600xi32, #tpu.memory_space<vmem>> -> memref<96xi32, #tpu.memory_space<vmem>>
    %dma_wait3A_1020 = arith.constant 0 : i32
    %dma_wait3A_1021 = arith.constant 0 : i32
    %dma_wait3A_1022 = tpu.memref_slice %arg3[%dma_wait3A_1020, %dma_wait3A_1021] : memref<100000x128xf32, #tpu.memory_space<hbm>> -> memref<100000x128xf32, #tpu.memory_space<hbm>>
    tpu.wait_indirect_dma semaphore(%arg13 : memref<!tpu.dma_semaphore, #tpu.memory_space<semaphore_mem>>) src(%dma_wait3A_1022 : memref<100000x128xf32, #tpu.memory_space<hbm>>) dst(%dma_wait3A_1017 : memref<96x128xf32, #tpu.memory_space<vmem>>)
    %add3A_1023 = arith.constant 508 : i32
    %add3A_1024 = arith.addi %mul3A_2, %add3A_1023 : i32
    %add3A_1025 = arith.constant 0 : i32
    %add3A_1026 = arith.addi %add3A_1024, %add3A_1025 : i32
    %dma_start3A_1027 = arith.constant 0 : i32
    %dma_start3A_1028 = arith.constant 0 : i32
    %dma_start3A_1029 = tpu.memref_slice %arg9[%dma_start3A_1027, %dma_start3A_1028] : memref<200x128xf32, #tpu.memory_space<vmem>> -> memref<50x128xf32, #tpu.memory_space<vmem>>
    %dma_start3A_1030 = arith.constant 0 : i32
    %dma_start3A_1031 = arith.constant 0 : i32
    %dma_start3A_1032 = tpu.memref_slice %arg4[%add3A_1026, %dma_start3A_1030, %dma_start3A_1031] : memref<16384x50x128xf32, #tpu.memory_space<hbm>> -> memref<1x50x128xf32, #tpu.memory_space<hbm>>
    %dma_start3A_1033 = tpu.memref_squeeze %dma_start3A_1032 : memref<1x50x128xf32, #tpu.memory_space<hbm>> -> memref<50x128xf32, #tpu.memory_space<hbm>>
    %dma_start3A_1034 = arith.constant 0 : i32
    %dma_start3A_1035 = arith.constant 0 : i32
    %dma_start3A_1036 = tpu.memref_slice %arg4[%add3A_1026, %dma_start3A_1034, %dma_start3A_1035] : memref<16384x50x128xf32, #tpu.memory_space<hbm>> -> memref<1x50x128xf32, #tpu.memory_space<hbm>>
    %dma_start3A_1037 = tpu.memref_squeeze %dma_start3A_1036 : memref<1x50x128xf32, #tpu.memory_space<hbm>> -> memref<50x128xf32, #tpu.memory_space<hbm>>
    %dma_start3A_1038 = arith.constant 0 : i32
    %dma_start3A_1039 = arith.constant 0 : i32
    %dma_start3A_1040 = tpu.memref_slice %arg9[%dma_start3A_1038, %dma_start3A_1039] : memref<200x128xf32, #tpu.memory_space<vmem>> -> memref<50x128xf32, #tpu.memory_space<vmem>>
    tpu.enqueue_dma source(%dma_start3A_1040 : memref<50x128xf32, #tpu.memory_space<vmem>>) target(%dma_start3A_1037 : memref<50x128xf32, #tpu.memory_space<hbm>>) target_semaphore(%arg17 : memref<!tpu.dma_semaphore, #tpu.memory_space<semaphore_mem>>)
    %add3A_1041 = arith.constant 1 : i32
    %add3A_1042 = arith.addi %add3A_1024, %add3A_1041 : i32
    %dma_start3A_1043 = arith.constant 50 : i32
    %dma_start3A_1044 = arith.constant 0 : i32
    %dma_start3A_1045 = tpu.memref_slice %arg9[%dma_start3A_1043, %dma_start3A_1044] : memref<200x128xf32, #tpu.memory_space<vmem>> -> memref<50x128xf32, #tpu.memory_space<vmem>>
    %dma_start3A_1046 = arith.constant 0 : i32
    %dma_start3A_1047 = arith.constant 0 : i32
    %dma_start3A_1048 = tpu.memref_slice %arg4[%add3A_1042, %dma_start3A_1046, %dma_start3A_1047] : memref<16384x50x128xf32, #tpu.memory_space<hbm>> -> memref<1x50x128xf32, #tpu.memory_space<hbm>>
    %dma_start3A_1049 = tpu.memref_squeeze %dma_start3A_1048 : memref<1x50x128xf32, #tpu.memory_space<hbm>> -> memref<50x128xf32, #tpu.memory_space<hbm>>
    %dma_start3A_1050 = arith.constant 0 : i32
    %dma_start3A_1051 = arith.constant 0 : i32
    %dma_start3A_1052 = tpu.memref_slice %arg4[%add3A_1042, %dma_start3A_1050, %dma_start3A_1051] : memref<16384x50x128xf32, #tpu.memory_space<hbm>> -> memref<1x50x128xf32, #tpu.memory_space<hbm>>
    %dma_start3A_1053 = tpu.memref_squeeze %dma_start3A_1052 : memref<1x50x128xf32, #tpu.memory_space<hbm>> -> memref<50x128xf32, #tpu.memory_space<hbm>>
    %dma_start3A_1054 = arith.constant 50 : i32
    %dma_start3A_1055 = arith.constant 0 : i32
    %dma_start3A_1056 = tpu.memref_slice %arg9[%dma_start3A_1054, %dma_start3A_1055] : memref<200x128xf32, #tpu.memory_space<vmem>> -> memref<50x128xf32, #tpu.memory_space<vmem>>
    tpu.enqueue_dma source(%dma_start3A_1056 : memref<50x128xf32, #tpu.memory_space<vmem>>) target(%dma_start3A_1053 : memref<50x128xf32, #tpu.memory_space<hbm>>) target_semaphore(%arg17 : memref<!tpu.dma_semaphore, #tpu.memory_space<semaphore_mem>>)
    %add3A_1057 = arith.constant 2 : i32
    %add3A_1058 = arith.addi %add3A_1024, %add3A_1057 : i32
    %dma_start3A_1059 = arith.constant 100 : i32
    %dma_start3A_1060 = arith.constant 0 : i32
    %dma_start3A_1061 = tpu.memref_slice %arg9[%dma_start3A_1059, %dma_start3A_1060] : memref<200x128xf32, #tpu.memory_space<vmem>> -> memref<50x128xf32, #tpu.memory_space<vmem>>
    %dma_start3A_1062 = arith.constant 0 : i32
    %dma_start3A_1063 = arith.constant 0 : i32
    %dma_start3A_1064 = tpu.memref_slice %arg4[%add3A_1058, %dma_start3A_1062, %dma_start3A_1063] : memref<16384x50x128xf32, #tpu.memory_space<hbm>> -> memref<1x50x128xf32, #tpu.memory_space<hbm>>
    %dma_start3A_1065 = tpu.memref_squeeze %dma_start3A_1064 : memref<1x50x128xf32, #tpu.memory_space<hbm>> -> memref<50x128xf32, #tpu.memory_space<hbm>>
    %dma_start3A_1066 = arith.constant 0 : i32
    %dma_start3A_1067 = arith.constant 0 : i32
    %dma_start3A_1068 = tpu.memref_slice %arg4[%add3A_1058, %dma_start3A_1066, %dma_start3A_1067] : memref<16384x50x128xf32, #tpu.memory_space<hbm>> -> memref<1x50x128xf32, #tpu.memory_space<hbm>>
    %dma_start3A_1069 = tpu.memref_squeeze %dma_start3A_1068 : memref<1x50x128xf32, #tpu.memory_space<hbm>> -> memref<50x128xf32, #tpu.memory_space<hbm>>
    %dma_start3A_1070 = arith.constant 100 : i32
    %dma_start3A_1071 = arith.constant 0 : i32
    %dma_start3A_1072 = tpu.memref_slice %arg9[%dma_start3A_1070, %dma_start3A_1071] : memref<200x128xf32, #tpu.memory_space<vmem>> -> memref<50x128xf32, #tpu.memory_space<vmem>>
    tpu.enqueue_dma source(%dma_start3A_1072 : memref<50x128xf32, #tpu.memory_space<vmem>>) target(%dma_start3A_1069 : memref<50x128xf32, #tpu.memory_space<hbm>>) target_semaphore(%arg17 : memref<!tpu.dma_semaphore, #tpu.memory_space<semaphore_mem>>)
    %add3A_1073 = arith.constant 3 : i32
    %add3A_1074 = arith.addi %add3A_1024, %add3A_1073 : i32
    %dma_start3A_1075 = arith.constant 150 : i32
    %dma_start3A_1076 = arith.constant 0 : i32
    %dma_start3A_1077 = tpu.memref_slice %arg9[%dma_start3A_1075, %dma_start3A_1076] : memref<200x128xf32, #tpu.memory_space<vmem>> -> memref<50x128xf32, #tpu.memory_space<vmem>>
    %dma_start3A_1078 = arith.constant 0 : i32
    %dma_start3A_1079 = arith.constant 0 : i32
    %dma_start3A_1080 = tpu.memref_slice %arg4[%add3A_1074, %dma_start3A_1078, %dma_start3A_1079] : memref<16384x50x128xf32, #tpu.memory_space<hbm>> -> memref<1x50x128xf32, #tpu.memory_space<hbm>>
    %dma_start3A_1081 = tpu.memref_squeeze %dma_start3A_1080 : memref<1x50x128xf32, #tpu.memory_space<hbm>> -> memref<50x128xf32, #tpu.memory_space<hbm>>
    %dma_start3A_1082 = arith.constant 0 : i32
    %dma_start3A_1083 = arith.constant 0 : i32
    %dma_start3A_1084 = tpu.memref_slice %arg4[%add3A_1074, %dma_start3A_1082, %dma_start3A_1083] : memref<16384x50x128xf32, #tpu.memory_space<hbm>> -> memref<1x50x128xf32, #tpu.memory_space<hbm>>
    %dma_start3A_1085 = tpu.memref_squeeze %dma_start3A_1084 : memref<1x50x128xf32, #tpu.memory_space<hbm>> -> memref<50x128xf32, #tpu.memory_space<hbm>>
    %dma_start3A_1086 = arith.constant 150 : i32
    %dma_start3A_1087 = arith.constant 0 : i32
    %dma_start3A_1088 = tpu.memref_slice %arg9[%dma_start3A_1086, %dma_start3A_1087] : memref<200x128xf32, #tpu.memory_space<vmem>> -> memref<50x128xf32, #tpu.memory_space<vmem>>
    tpu.enqueue_dma source(%dma_start3A_1088 : memref<50x128xf32, #tpu.memory_space<vmem>>) target(%dma_start3A_1085 : memref<50x128xf32, #tpu.memory_space<hbm>>) target_semaphore(%arg17 : memref<!tpu.dma_semaphore, #tpu.memory_space<semaphore_mem>>)
    %dma_wait3A_1089 = arith.constant 0 : i32
    %dma_wait3A_1090 = arith.constant 0 : i32
    %dma_wait3A_1091 = arith.constant 0 : i32
    %dma_wait3A_1092 = tpu.memref_slice %arg7[%dma_wait3A_1090, %dma_wait3A_1091] : memref<200x128xf32, #tpu.memory_space<vmem>> -> memref<50x128xf32, #tpu.memory_space<vmem>>
    %dma_wait3A_1093 = arith.constant 0 : i32
    %dma_wait3A_1094 = arith.constant 0 : i32
    %dma_wait3A_1095 = tpu.memref_slice %arg4[%dma_wait3A_1089, %dma_wait3A_1093, %dma_wait3A_1094] : memref<16384x50x128xf32, #tpu.memory_space<hbm>> -> memref<1x50x128xf32, #tpu.memory_space<hbm>>
    %dma_wait3A_1096 = tpu.memref_squeeze %dma_wait3A_1095 : memref<1x50x128xf32, #tpu.memory_space<hbm>> -> memref<50x128xf32, #tpu.memory_space<hbm>>
    %dma_wait3A_1097 = arith.constant 0 : i32
    %dma_wait3A_1098 = arith.constant 0 : i32
    %dma_wait3A_1099 = tpu.memref_slice %arg4[%dma_wait3A_1089, %dma_wait3A_1097, %dma_wait3A_1098] : memref<16384x50x128xf32, #tpu.memory_space<hbm>> -> memref<1x50x128xf32, #tpu.memory_space<hbm>>
    %dma_wait3A_1100 = tpu.memref_squeeze %dma_wait3A_1099 : memref<1x50x128xf32, #tpu.memory_space<hbm>> -> memref<50x128xf32, #tpu.memory_space<hbm>>
    %dma_wait3A_1101 = arith.constant 0 : i32
    %dma_wait3A_1102 = arith.constant 0 : i32
    %dma_wait3A_1103 = tpu.memref_slice %arg7[%dma_wait3A_1101, %dma_wait3A_1102] : memref<200x128xf32, #tpu.memory_space<vmem>> -> memref<50x128xf32, #tpu.memory_space<vmem>>
    tpu.wait_dma2 semaphore(%arg15 : memref<!tpu.dma_semaphore, #tpu.memory_space<semaphore_mem>>) src(%dma_wait3A_1103 : memref<50x128xf32, #tpu.memory_space<vmem>>) dst(%dma_wait3A_1100 : memref<50x128xf32, #tpu.memory_space<hbm>>)
    %dma_wait3A_1104 = arith.constant 0 : i32
    %dma_wait3A_1105 = arith.constant 50 : i32
    %dma_wait3A_1106 = arith.constant 0 : i32
    %dma_wait3A_1107 = tpu.memref_slice %arg7[%dma_wait3A_1105, %dma_wait3A_1106] : memref<200x128xf32, #tpu.memory_space<vmem>> -> memref<50x128xf32, #tpu.memory_space<vmem>>
    %dma_wait3A_1108 = arith.constant 0 : i32
    %dma_wait3A_1109 = arith.constant 0 : i32
    %dma_wait3A_1110 = tpu.memref_slice %arg4[%dma_wait3A_1104, %dma_wait3A_1108, %dma_wait3A_1109] : memref<16384x50x128xf32, #tpu.memory_space<hbm>> -> memref<1x50x128xf32, #tpu.memory_space<hbm>>
    %dma_wait3A_1111 = tpu.memref_squeeze %dma_wait3A_1110 : memref<1x50x128xf32, #tpu.memory_space<hbm>> -> memref<50x128xf32, #tpu.memory_space<hbm>>
    %dma_wait3A_1112 = arith.constant 0 : i32
    %dma_wait3A_1113 = arith.constant 0 : i32
    %dma_wait3A_1114 = tpu.memref_slice %arg4[%dma_wait3A_1104, %dma_wait3A_1112, %dma_wait3A_1113] : memref<16384x50x128xf32, #tpu.memory_space<hbm>> -> memref<1x50x128xf32, #tpu.memory_space<hbm>>
    %dma_wait3A_1115 = tpu.memref_squeeze %dma_wait3A_1114 : memref<1x50x128xf32, #tpu.memory_space<hbm>> -> memref<50x128xf32, #tpu.memory_space<hbm>>
    %dma_wait3A_1116 = arith.constant 50 : i32
    %dma_wait3A_1117 = arith.constant 0 : i32
    %dma_wait3A_1118 = tpu.memref_slice %arg7[%dma_wait3A_1116, %dma_wait3A_1117] : memref<200x128xf32, #tpu.memory_space<vmem>> -> memref<50x128xf32, #tpu.memory_space<vmem>>
    tpu.wait_dma2 semaphore(%arg15 : memref<!tpu.dma_semaphore, #tpu.memory_space<semaphore_mem>>) src(%dma_wait3A_1118 : memref<50x128xf32, #tpu.memory_space<vmem>>) dst(%dma_wait3A_1115 : memref<50x128xf32, #tpu.memory_space<hbm>>)
    %dma_wait3A_1119 = arith.constant 0 : i32
    %dma_wait3A_1120 = arith.constant 100 : i32
    %dma_wait3A_1121 = arith.constant 0 : i32
    %dma_wait3A_1122 = tpu.memref_slice %arg7[%dma_wait3A_1120, %dma_wait3A_1121] : memref<200x128xf32, #tpu.memory_space<vmem>> -> memref<50x128xf32, #tpu.memory_space<vmem>>
    %dma_wait3A_1123 = arith.constant 0 : i32
    %dma_wait3A_1124 = arith.constant 0 : i32
    %dma_wait3A_1125 = tpu.memref_slice %arg4[%dma_wait3A_1119, %dma_wait3A_1123, %dma_wait3A_1124] : memref<16384x50x128xf32, #tpu.memory_space<hbm>> -> memref<1x50x128xf32, #tpu.memory_space<hbm>>
    %dma_wait3A_1126 = tpu.memref_squeeze %dma_wait3A_1125 : memref<1x50x128xf32, #tpu.memory_space<hbm>> -> memref<50x128xf32, #tpu.memory_space<hbm>>
    %dma_wait3A_1127 = arith.constant 0 : i32
    %dma_wait3A_1128 = arith.constant 0 : i32
    %dma_wait3A_1129 = tpu.memref_slice %arg4[%dma_wait3A_1119, %dma_wait3A_1127, %dma_wait3A_1128] : memref<16384x50x128xf32, #tpu.memory_space<hbm>> -> memref<1x50x128xf32, #tpu.memory_space<hbm>>
    %dma_wait3A_1130 = tpu.memref_squeeze %dma_wait3A_1129 : memref<1x50x128xf32, #tpu.memory_space<hbm>> -> memref<50x128xf32, #tpu.memory_space<hbm>>
    %dma_wait3A_1131 = arith.constant 100 : i32
    %dma_wait3A_1132 = arith.constant 0 : i32
    %dma_wait3A_1133 = tpu.memref_slice %arg7[%dma_wait3A_1131, %dma_wait3A_1132] : memref<200x128xf32, #tpu.memory_space<vmem>> -> memref<50x128xf32, #tpu.memory_space<vmem>>
    tpu.wait_dma2 semaphore(%arg15 : memref<!tpu.dma_semaphore, #tpu.memory_space<semaphore_mem>>) src(%dma_wait3A_1133 : memref<50x128xf32, #tpu.memory_space<vmem>>) dst(%dma_wait3A_1130 : memref<50x128xf32, #tpu.memory_space<hbm>>)
    %dma_wait3A_1134 = arith.constant 0 : i32
    %dma_wait3A_1135 = arith.constant 150 : i32
    %dma_wait3A_1136 = arith.constant 0 : i32
    %dma_wait3A_1137 = tpu.memref_slice %arg7[%dma_wait3A_1135, %dma_wait3A_1136] : memref<200x128xf32, #tpu.memory_space<vmem>> -> memref<50x128xf32, #tpu.memory_space<vmem>>
    %dma_wait3A_1138 = arith.constant 0 : i32
    %dma_wait3A_1139 = arith.constant 0 : i32
    %dma_wait3A_1140 = tpu.memref_slice %arg4[%dma_wait3A_1134, %dma_wait3A_1138, %dma_wait3A_1139] : memref<16384x50x128xf32, #tpu.memory_space<hbm>> -> memref<1x50x128xf32, #tpu.memory_space<hbm>>
    %dma_wait3A_1141 = tpu.memref_squeeze %dma_wait3A_1140 : memref<1x50x128xf32, #tpu.memory_space<hbm>> -> memref<50x128xf32, #tpu.memory_space<hbm>>
    %dma_wait3A_1142 = arith.constant 0 : i32
    %dma_wait3A_1143 = arith.constant 0 : i32
    %dma_wait3A_1144 = tpu.memref_slice %arg4[%dma_wait3A_1134, %dma_wait3A_1142, %dma_wait3A_1143] : memref<16384x50x128xf32, #tpu.memory_space<hbm>> -> memref<1x50x128xf32, #tpu.memory_space<hbm>>
    %dma_wait3A_1145 = tpu.memref_squeeze %dma_wait3A_1144 : memref<1x50x128xf32, #tpu.memory_space<hbm>> -> memref<50x128xf32, #tpu.memory_space<hbm>>
    %dma_wait3A_1146 = arith.constant 150 : i32
    %dma_wait3A_1147 = arith.constant 0 : i32
    %dma_wait3A_1148 = tpu.memref_slice %arg7[%dma_wait3A_1146, %dma_wait3A_1147] : memref<200x128xf32, #tpu.memory_space<vmem>> -> memref<50x128xf32, #tpu.memory_space<vmem>>
    tpu.wait_dma2 semaphore(%arg15 : memref<!tpu.dma_semaphore, #tpu.memory_space<semaphore_mem>>) src(%dma_wait3A_1148 : memref<50x128xf32, #tpu.memory_space<vmem>>) dst(%dma_wait3A_1145 : memref<50x128xf32, #tpu.memory_space<hbm>>)
    %dma_wait3A_1149 = arith.constant 0 : i32
    %dma_wait3A_1150 = arith.constant 0 : i32
    %dma_wait3A_1151 = arith.constant 0 : i32
    %dma_wait3A_1152 = tpu.memref_slice %arg8[%dma_wait3A_1150, %dma_wait3A_1151] : memref<200x128xf32, #tpu.memory_space<vmem>> -> memref<50x128xf32, #tpu.memory_space<vmem>>
    %dma_wait3A_1153 = arith.constant 0 : i32
    %dma_wait3A_1154 = arith.constant 0 : i32
    %dma_wait3A_1155 = tpu.memref_slice %arg4[%dma_wait3A_1149, %dma_wait3A_1153, %dma_wait3A_1154] : memref<16384x50x128xf32, #tpu.memory_space<hbm>> -> memref<1x50x128xf32, #tpu.memory_space<hbm>>
    %dma_wait3A_1156 = tpu.memref_squeeze %dma_wait3A_1155 : memref<1x50x128xf32, #tpu.memory_space<hbm>> -> memref<50x128xf32, #tpu.memory_space<hbm>>
    %dma_wait3A_1157 = arith.constant 0 : i32
    %dma_wait3A_1158 = arith.constant 0 : i32
    %dma_wait3A_1159 = tpu.memref_slice %arg4[%dma_wait3A_1149, %dma_wait3A_1157, %dma_wait3A_1158] : memref<16384x50x128xf32, #tpu.memory_space<hbm>> -> memref<1x50x128xf32, #tpu.memory_space<hbm>>
    %dma_wait3A_1160 = tpu.memref_squeeze %dma_wait3A_1159 : memref<1x50x128xf32, #tpu.memory_space<hbm>> -> memref<50x128xf32, #tpu.memory_space<hbm>>
    %dma_wait3A_1161 = arith.constant 0 : i32
    %dma_wait3A_1162 = arith.constant 0 : i32
    %dma_wait3A_1163 = tpu.memref_slice %arg8[%dma_wait3A_1161, %dma_wait3A_1162] : memref<200x128xf32, #tpu.memory_space<vmem>> -> memref<50x128xf32, #tpu.memory_space<vmem>>
    tpu.wait_dma2 semaphore(%arg16 : memref<!tpu.dma_semaphore, #tpu.memory_space<semaphore_mem>>) src(%dma_wait3A_1163 : memref<50x128xf32, #tpu.memory_space<vmem>>) dst(%dma_wait3A_1160 : memref<50x128xf32, #tpu.memory_space<hbm>>)
    %dma_wait3A_1164 = arith.constant 0 : i32
    %dma_wait3A_1165 = arith.constant 50 : i32
    %dma_wait3A_1166 = arith.constant 0 : i32
    %dma_wait3A_1167 = tpu.memref_slice %arg8[%dma_wait3A_1165, %dma_wait3A_1166] : memref<200x128xf32, #tpu.memory_space<vmem>> -> memref<50x128xf32, #tpu.memory_space<vmem>>
    %dma_wait3A_1168 = arith.constant 0 : i32
    %dma_wait3A_1169 = arith.constant 0 : i32
    %dma_wait3A_1170 = tpu.memref_slice %arg4[%dma_wait3A_1164, %dma_wait3A_1168, %dma_wait3A_1169] : memref<16384x50x128xf32, #tpu.memory_space<hbm>> -> memref<1x50x128xf32, #tpu.memory_space<hbm>>
    %dma_wait3A_1171 = tpu.memref_squeeze %dma_wait3A_1170 : memref<1x50x128xf32, #tpu.memory_space<hbm>> -> memref<50x128xf32, #tpu.memory_space<hbm>>
    %dma_wait3A_1172 = arith.constant 0 : i32
    %dma_wait3A_1173 = arith.constant 0 : i32
    %dma_wait3A_1174 = tpu.memref_slice %arg4[%dma_wait3A_1164, %dma_wait3A_1172, %dma_wait3A_1173] : memref<16384x50x128xf32, #tpu.memory_space<hbm>> -> memref<1x50x128xf32, #tpu.memory_space<hbm>>
    %dma_wait3A_1175 = tpu.memref_squeeze %dma_wait3A_1174 : memref<1x50x128xf32, #tpu.memory_space<hbm>> -> memref<50x128xf32, #tpu.memory_space<hbm>>
    %dma_wait3A_1176 = arith.constant 50 : i32
    %dma_wait3A_1177 = arith.constant 0 : i32
    %dma_wait3A_1178 = tpu.memref_slice %arg8[%dma_wait3A_1176, %dma_wait3A_1177] : memref<200x128xf32, #tpu.memory_space<vmem>> -> memref<50x128xf32, #tpu.memory_space<vmem>>
    tpu.wait_dma2 semaphore(%arg16 : memref<!tpu.dma_semaphore, #tpu.memory_space<semaphore_mem>>) src(%dma_wait3A_1178 : memref<50x128xf32, #tpu.memory_space<vmem>>) dst(%dma_wait3A_1175 : memref<50x128xf32, #tpu.memory_space<hbm>>)
    %dma_wait3A_1179 = arith.constant 0 : i32
    %dma_wait3A_1180 = arith.constant 100 : i32
    %dma_wait3A_1181 = arith.constant 0 : i32
    %dma_wait3A_1182 = tpu.memref_slice %arg8[%dma_wait3A_1180, %dma_wait3A_1181] : memref<200x128xf32, #tpu.memory_space<vmem>> -> memref<50x128xf32, #tpu.memory_space<vmem>>
    %dma_wait3A_1183 = arith.constant 0 : i32
    %dma_wait3A_1184 = arith.constant 0 : i32
    %dma_wait3A_1185 = tpu.memref_slice %arg4[%dma_wait3A_1179, %dma_wait3A_1183, %dma_wait3A_1184] : memref<16384x50x128xf32, #tpu.memory_space<hbm>> -> memref<1x50x128xf32, #tpu.memory_space<hbm>>
    %dma_wait3A_1186 = tpu.memref_squeeze %dma_wait3A_1185 : memref<1x50x128xf32, #tpu.memory_space<hbm>> -> memref<50x128xf32, #tpu.memory_space<hbm>>
    %dma_wait3A_1187 = arith.constant 0 : i32
    %dma_wait3A_1188 = arith.constant 0 : i32
    %dma_wait3A_1189 = tpu.memref_slice %arg4[%dma_wait3A_1179, %dma_wait3A_1187, %dma_wait3A_1188] : memref<16384x50x128xf32, #tpu.memory_space<hbm>> -> memref<1x50x128xf32, #tpu.memory_space<hbm>>
    %dma_wait3A_1190 = tpu.memref_squeeze %dma_wait3A_1189 : memref<1x50x128xf32, #tpu.memory_space<hbm>> -> memref<50x128xf32, #tpu.memory_space<hbm>>
    %dma_wait3A_1191 = arith.constant 100 : i32
    %dma_wait3A_1192 = arith.constant 0 : i32
    %dma_wait3A_1193 = tpu.memref_slice %arg8[%dma_wait3A_1191, %dma_wait3A_1192] : memref<200x128xf32, #tpu.memory_space<vmem>> -> memref<50x128xf32, #tpu.memory_space<vmem>>
    tpu.wait_dma2 semaphore(%arg16 : memref<!tpu.dma_semaphore, #tpu.memory_space<semaphore_mem>>) src(%dma_wait3A_1193 : memref<50x128xf32, #tpu.memory_space<vmem>>) dst(%dma_wait3A_1190 : memref<50x128xf32, #tpu.memory_space<hbm>>)
    %dma_wait3A_1194 = arith.constant 0 : i32
    %dma_wait3A_1195 = arith.constant 150 : i32
    %dma_wait3A_1196 = arith.constant 0 : i32
    %dma_wait3A_1197 = tpu.memref_slice %arg8[%dma_wait3A_1195, %dma_wait3A_1196] : memref<200x128xf32, #tpu.memory_space<vmem>> -> memref<50x128xf32, #tpu.memory_space<vmem>>
    %dma_wait3A_1198 = arith.constant 0 : i32
    %dma_wait3A_1199 = arith.constant 0 : i32
    %dma_wait3A_1200 = tpu.memref_slice %arg4[%dma_wait3A_1194, %dma_wait3A_1198, %dma_wait3A_1199] : memref<16384x50x128xf32, #tpu.memory_space<hbm>> -> memref<1x50x128xf32, #tpu.memory_space<hbm>>
    %dma_wait3A_1201 = tpu.memref_squeeze %dma_wait3A_1200 : memref<1x50x128xf32, #tpu.memory_space<hbm>> -> memref<50x128xf32, #tpu.memory_space<hbm>>
    %dma_wait3A_1202 = arith.constant 0 : i32
    %dma_wait3A_1203 = arith.constant 0 : i32
    %dma_wait3A_1204 = tpu.memref_slice %arg4[%dma_wait3A_1194, %dma_wait3A_1202, %dma_wait3A_1203] : memref<16384x50x128xf32, #tpu.memory_space<hbm>> -> memref<1x50x128xf32, #tpu.memory_space<hbm>>
    %dma_wait3A_1205 = tpu.memref_squeeze %dma_wait3A_1204 : memref<1x50x128xf32, #tpu.memory_space<hbm>> -> memref<50x128xf32, #tpu.memory_space<hbm>>
    %dma_wait3A_1206 = arith.constant 150 : i32
    %dma_wait3A_1207 = arith.constant 0 : i32
    %dma_wait3A_1208 = tpu.memref_slice %arg8[%dma_wait3A_1206, %dma_wait3A_1207] : memref<200x128xf32, #tpu.memory_space<vmem>> -> memref<50x128xf32, #tpu.memory_space<vmem>>
    tpu.wait_dma2 semaphore(%arg16 : memref<!tpu.dma_semaphore, #tpu.memory_space<semaphore_mem>>) src(%dma_wait3A_1208 : memref<50x128xf32, #tpu.memory_space<vmem>>) dst(%dma_wait3A_1205 : memref<50x128xf32, #tpu.memory_space<hbm>>)
    %dma_wait3A_1209 = arith.constant 0 : i32
    %dma_wait3A_1210 = arith.constant 0 : i32
    %dma_wait3A_1211 = arith.constant 0 : i32
    %dma_wait3A_1212 = tpu.memref_slice %arg9[%dma_wait3A_1210, %dma_wait3A_1211] : memref<200x128xf32, #tpu.memory_space<vmem>> -> memref<50x128xf32, #tpu.memory_space<vmem>>
    %dma_wait3A_1213 = arith.constant 0 : i32
    %dma_wait3A_1214 = arith.constant 0 : i32
    %dma_wait3A_1215 = tpu.memref_slice %arg4[%dma_wait3A_1209, %dma_wait3A_1213, %dma_wait3A_1214] : memref<16384x50x128xf32, #tpu.memory_space<hbm>> -> memref<1x50x128xf32, #tpu.memory_space<hbm>>
    %dma_wait3A_1216 = tpu.memref_squeeze %dma_wait3A_1215 : memref<1x50x128xf32, #tpu.memory_space<hbm>> -> memref<50x128xf32, #tpu.memory_space<hbm>>
    %dma_wait3A_1217 = arith.constant 0 : i32
    %dma_wait3A_1218 = arith.constant 0 : i32
    %dma_wait3A_1219 = tpu.memref_slice %arg4[%dma_wait3A_1209, %dma_wait3A_1217, %dma_wait3A_1218] : memref<16384x50x128xf32, #tpu.memory_space<hbm>> -> memref<1x50x128xf32, #tpu.memory_space<hbm>>
    %dma_wait3A_1220 = tpu.memref_squeeze %dma_wait3A_1219 : memref<1x50x128xf32, #tpu.memory_space<hbm>> -> memref<50x128xf32, #tpu.memory_space<hbm>>
    %dma_wait3A_1221 = arith.constant 0 : i32
    %dma_wait3A_1222 = arith.constant 0 : i32
    %dma_wait3A_1223 = tpu.memref_slice %arg9[%dma_wait3A_1221, %dma_wait3A_1222] : memref<200x128xf32, #tpu.memory_space<vmem>> -> memref<50x128xf32, #tpu.memory_space<vmem>>
    tpu.wait_dma2 semaphore(%arg17 : memref<!tpu.dma_semaphore, #tpu.memory_space<semaphore_mem>>) src(%dma_wait3A_1223 : memref<50x128xf32, #tpu.memory_space<vmem>>) dst(%dma_wait3A_1220 : memref<50x128xf32, #tpu.memory_space<hbm>>)
    %dma_wait3A_1224 = arith.constant 0 : i32
    %dma_wait3A_1225 = arith.constant 50 : i32
    %dma_wait3A_1226 = arith.constant 0 : i32
    %dma_wait3A_1227 = tpu.memref_slice %arg9[%dma_wait3A_1225, %dma_wait3A_1226] : memref<200x128xf32, #tpu.memory_space<vmem>> -> memref<50x128xf32, #tpu.memory_space<vmem>>
    %dma_wait3A_1228 = arith.constant 0 : i32
    %dma_wait3A_1229 = arith.constant 0 : i32
    %dma_wait3A_1230 = tpu.memref_slice %arg4[%dma_wait3A_1224, %dma_wait3A_1228, %dma_wait3A_1229] : memref<16384x50x128xf32, #tpu.memory_space<hbm>> -> memref<1x50x128xf32, #tpu.memory_space<hbm>>
    %dma_wait3A_1231 = tpu.memref_squeeze %dma_wait3A_1230 : memref<1x50x128xf32, #tpu.memory_space<hbm>> -> memref<50x128xf32, #tpu.memory_space<hbm>>
    %dma_wait3A_1232 = arith.constant 0 : i32
    %dma_wait3A_1233 = arith.constant 0 : i32
    %dma_wait3A_1234 = tpu.memref_slice %arg4[%dma_wait3A_1224, %dma_wait3A_1232, %dma_wait3A_1233] : memref<16384x50x128xf32, #tpu.memory_space<hbm>> -> memref<1x50x128xf32, #tpu.memory_space<hbm>>
    %dma_wait3A_1235 = tpu.memref_squeeze %dma_wait3A_1234 : memref<1x50x128xf32, #tpu.memory_space<hbm>> -> memref<50x128xf32, #tpu.memory_space<hbm>>
    %dma_wait3A_1236 = arith.constant 50 : i32
    %dma_wait3A_1237 = arith.constant 0 : i32
    %dma_wait3A_1238 = tpu.memref_slice %arg9[%dma_wait3A_1236, %dma_wait3A_1237] : memref<200x128xf32, #tpu.memory_space<vmem>> -> memref<50x128xf32, #tpu.memory_space<vmem>>
    tpu.wait_dma2 semaphore(%arg17 : memref<!tpu.dma_semaphore, #tpu.memory_space<semaphore_mem>>) src(%dma_wait3A_1238 : memref<50x128xf32, #tpu.memory_space<vmem>>) dst(%dma_wait3A_1235 : memref<50x128xf32, #tpu.memory_space<hbm>>)
    %dma_wait3A_1239 = arith.constant 0 : i32
    %dma_wait3A_1240 = arith.constant 100 : i32
    %dma_wait3A_1241 = arith.constant 0 : i32
    %dma_wait3A_1242 = tpu.memref_slice %arg9[%dma_wait3A_1240, %dma_wait3A_1241] : memref<200x128xf32, #tpu.memory_space<vmem>> -> memref<50x128xf32, #tpu.memory_space<vmem>>
    %dma_wait3A_1243 = arith.constant 0 : i32
    %dma_wait3A_1244 = arith.constant 0 : i32
    %dma_wait3A_1245 = tpu.memref_slice %arg4[%dma_wait3A_1239, %dma_wait3A_1243, %dma_wait3A_1244] : memref<16384x50x128xf32, #tpu.memory_space<hbm>> -> memref<1x50x128xf32, #tpu.memory_space<hbm>>
    %dma_wait3A_1246 = tpu.memref_squeeze %dma_wait3A_1245 : memref<1x50x128xf32, #tpu.memory_space<hbm>> -> memref<50x128xf32, #tpu.memory_space<hbm>>
    %dma_wait3A_1247 = arith.constant 0 : i32
    %dma_wait3A_1248 = arith.constant 0 : i32
    %dma_wait3A_1249 = tpu.memref_slice %arg4[%dma_wait3A_1239, %dma_wait3A_1247, %dma_wait3A_1248] : memref<16384x50x128xf32, #tpu.memory_space<hbm>> -> memref<1x50x128xf32, #tpu.memory_space<hbm>>
    %dma_wait3A_1250 = tpu.memref_squeeze %dma_wait3A_1249 : memref<1x50x128xf32, #tpu.memory_space<hbm>> -> memref<50x128xf32, #tpu.memory_space<hbm>>
    %dma_wait3A_1251 = arith.constant 100 : i32
    %dma_wait3A_1252 = arith.constant 0 : i32
    %dma_wait3A_1253 = tpu.memref_slice %arg9[%dma_wait3A_1251, %dma_wait3A_1252] : memref<200x128xf32, #tpu.memory_space<vmem>> -> memref<50x128xf32, #tpu.memory_space<vmem>>
    tpu.wait_dma2 semaphore(%arg17 : memref<!tpu.dma_semaphore, #tpu.memory_space<semaphore_mem>>) src(%dma_wait3A_1253 : memref<50x128xf32, #tpu.memory_space<vmem>>) dst(%dma_wait3A_1250 : memref<50x128xf32, #tpu.memory_space<hbm>>)
    %dma_wait3A_1254 = arith.constant 0 : i32
    %dma_wait3A_1255 = arith.constant 150 : i32
    %dma_wait3A_1256 = arith.constant 0 : i32
    %dma_wait3A_1257 = tpu.memref_slice %arg9[%dma_wait3A_1255, %dma_wait3A_1256] : memref<200x128xf32, #tpu.memory_space<vmem>> -> memref<50x128xf32, #tpu.memory_space<vmem>>
    %dma_wait3A_1258 = arith.constant 0 : i32
    %dma_wait3A_1259 = arith.constant 0 : i32
    %dma_wait3A_1260 = tpu.memref_slice %arg4[%dma_wait3A_1254, %dma_wait3A_1258, %dma_wait3A_1259] : memref<16384x50x128xf32, #tpu.memory_space<hbm>> -> memref<1x50x128xf32, #tpu.memory_space<hbm>>
    %dma_wait3A_1261 = tpu.memref_squeeze %dma_wait3A_1260 : memref<1x50x128xf32, #tpu.memory_space<hbm>> -> memref<50x128xf32, #tpu.memory_space<hbm>>
    %dma_wait3A_1262 = arith.constant 0 : i32
    %dma_wait3A_1263 = arith.constant 0 : i32
    %dma_wait3A_1264 = tpu.memref_slice %arg4[%dma_wait3A_1254, %dma_wait3A_1262, %dma_wait3A_1263] : memref<16384x50x128xf32, #tpu.memory_space<hbm>> -> memref<1x50x128xf32, #tpu.memory_space<hbm>>
    %dma_wait3A_1265 = tpu.memref_squeeze %dma_wait3A_1264 : memref<1x50x128xf32, #tpu.memory_space<hbm>> -> memref<50x128xf32, #tpu.memory_space<hbm>>
    %dma_wait3A_1266 = arith.constant 150 : i32
    %dma_wait3A_1267 = arith.constant 0 : i32
    %dma_wait3A_1268 = tpu.memref_slice %arg9[%dma_wait3A_1266, %dma_wait3A_1267] : memref<200x128xf32, #tpu.memory_space<vmem>> -> memref<50x128xf32, #tpu.memory_space<vmem>>
    tpu.wait_dma2 semaphore(%arg17 : memref<!tpu.dma_semaphore, #tpu.memory_space<semaphore_mem>>) src(%dma_wait3A_1268 : memref<50x128xf32, #tpu.memory_space<vmem>>) dst(%dma_wait3A_1265 : memref<50x128xf32, #tpu.memory_space<hbm>>)
    return
  }
}

</mosaic_0001>

<sc_bundles>
// kernel: kernel.3.cloned.1.call-start
scs
__scs_entry_jumppad:
0x0: {  	(pc) =	sbr.rel $0x88, $3  }
0x1: {  	(tag) =	ssettag $0x0;
	lr =	simm.s32 $0x1  }
0x2: {  	[smem:$0x3F9F] =	sst lr;
	_ =	strace $0xD0000000  }
0x3: {  	_ = 	snop  }
0x4: {  	_ = 	snop  }
0x5: {  	_ = 	snop  }
0x6: {  	_ = 	snop  }
0x7: {  	_ = 	snop  }
__scs_overlays_trampoline_lowered:
0x8: {  	[smem:$0x3FAE] =	sst s0  }
0x9: {  	[smem:$0x3FAF] =	sst s1  }
0xa: {  	[smem:$0x3FB0] =	sst s2  }
0xb: {  	[smem:$0x3FB1] =	sst s3  }
0xc: {  	[smem:$0x3FB2] =	sst s4  }
0xd: {  	[smem:$0x3FB3] =	sst s5  }
0xe: {  	[smem:$0x3FB4] =	sst s6  }
0xf: {  	[smem:$0x3FB5] =	sst s7  }
0x10: {  	[smem:$0x3FB6] =	sst s8  }
0x11: {  	[smem:$0x3FB7] =	sst s9;
	s0 =	simm.s32 @!p0 $0x0  }
0x12: {  	s1 =	sld [smem:$0x3F9D];
	s0 =	simm.s32 @p0 $0x1  }
0x13: {  	[smem:$0x3FB8] =	sst s0;
	s0 =	simm.s32 @!p1 $0x0  }
0x14: {  	s2 =	sld [smem:$0x3F9C];
	s0 =	simm.s32 @p1 $0x1  }
0x15: {  	[smem:$0x3FB9] =	sst s0;
	s0 =	simm.s32 @!p2 $0x0  }
0x16: {  	s3 =	sld [smem:$0x3FDB];
	s0 =	simm.s32 @p2 $0x1  }
0x17: {  	s4 =	simm.s32 $0x1BF5;
	[smem:$0x3FBB] =	sst s0  }
0x18: {  	s0 =	sld [smem:$0x3F9E];
	_ =	swait.ge [sflag:s4], $0x0  }
0x19: {  	s7 =	sld [smem:$0x3F9F]  }
0x1a: {  	s8 =	sadd.s32 $0xFFFFE003, lr  }
0x1b: {  	s9 =	sadd.s32 $0xFFFFFEF7, lr;
	s5 =	simm.s32 $0xFFFFFFFF;
	p2 =	slt.u32 s8, $0xFFFFF086  }
0x1c: {  	p1 =	slt.u32 s9, $0xF7A;
	s5 =	simm.s32 @!p2 $0x0  }
0x1d: {  	s5 =	simm.s32 @p1 $0x1;
	p0 =	seq.s32 s7, s2  }
0x1e: {  	s7 =	smul.u32 @!p0 $0xF7A, s2;
	p2 =	seq.s32 @!p0 s5, $0x0  }
0x1f: {  	s9 =	smul.u32 $0xF7A, s1;
	s8 =	simm.s32 @!p0 $0x1BF5;
	p2 =	por !p2, p0  }
0x20: {  	[sflag:s8] =	ssyncset.s32 @!p0 $0xFFFFF086;
	s6 =	sadd.s32 @!p0 s3, s7;
	s7 =	simm.s32 @!p0 $0x108  }
0x21: {  	s3 =	sadd.s32 s3, s9;
	s6 =	sadd.s32 @!p0 $0x88, s6;
	s7 =	simm.s32 @p2 $0x1082  }
0x22: {  	[simem:s7], [sflag:s8] =	dma.local @!p0 [hbm:s6], $0xF7A  }
0x23: {  	s9 =	sor.u32 $0xD0000000, s2;
	s6 =	simm.s32 $0x108;
	_ =	swait.ge @!p0 [sflag:s8], $0x0  }
0x24: {  	s3 =	sadd.s32 $0x88, s3;
	s6 =	simm.s32 @!p1 $0x1082;
	[sflag:s4] =	ssyncset.s32 $0xFFFFF086  }
0x25: {  	[simem:s6], [sflag:s4] =	dma.local [hbm:s3], $0xF7A  }
0x26: {  	[smem:$0x3F9F] =	sst s1;
	(tag) =	ssettag s2;
	_ =	strace s9  }
0x27: {  	s1 =	sld [smem:$0x3FAF]  }
0x28: {  	s2 =	sld [smem:$0x3FB0]  }
0x29: {  	s4 =	sld [smem:$0x3FB2]  }
0x2a: {  	p0 =	seq.s32 s5, $0x0;
	s5 =	sld [smem:$0x3FB3]  }
0x2b: {  	s6 =	sld [smem:$0x3FB4]  }
0x2c: {  	s7 =	sld [smem:$0x3FB5]  }
0x2d: {  	s3 =	simm.s32 $0x108;
	s8 =	sld [smem:$0x3FB6]  }
0x2e: {  	s3 =	simm.s32 @!p0 $0x1082;
	s9 =	sld [smem:$0x3FB7]  }
0x2f: {  	lr =	sadd.s32 s0, s3;
	s0 =	sld [smem:$0x3FAE]  }
0x30: {  	s3 =	sld [smem:$0x3FB1]  }
0x31: {  	[smem:$0x3FBA] =	sst s10  }
0x32: {  	s10 =	sld [smem:$0x3FB8];
	_ =	sdelay $0x3  }
0x33: {  	p0 =	seq.s32 s10, $0x1;
	s10 =	sld [smem:$0x3FBA];
	_ =	sdelay $0x3  }
0x34: {  	[smem:$0x3FBA] =	sst s10  }
0x35: {  	s10 =	sld [smem:$0x3FB9];
	_ =	sdelay $0x3  }
0x36: {  	p1 =	seq.s32 s10, $0x1;
	s10 =	sld [smem:$0x3FBA];
	_ =	sdelay $0x3  }
0x37: {  	[smem:$0x3FBA] =	sst s10  }
0x38: {  	s10 =	sld [smem:$0x3FBB]  }
0x39: {  	_ = 	snop;
	(pc) =	sbr.ind lr, $3  }
0x3a: {  	_ = 	snop  }
0x3b: {  	_ = 	snop  }
0x3c: {  	p2 =	seq.s32 s10, $0x1;
	s10 =	sld [smem:$0x3FBA]  }
0x3d: {  	_ =	shalt  }
0x3e: {  	_ =	shalt  }
0x3f: {  	_ =	shalt  }
0x40: {  	_ =	shalt  }
0x41: {  	_ =	shalt  }
0x42: {  	_ =	shalt  }
0x43: {  	_ =	shalt  }
0x44: {  	_ =	shalt  }
0x45: {  	_ =	shalt  }
0x46: {  	_ =	shalt  }
0x47: {  	_ =	shalt  }
0x48: {  	_ =	shalt  }
0x49: {  	_ =	shalt  }
0x4a: {  	_ =	shalt  }
0x4b: {  	_ =	shalt  }
0x4c: {  	_ =	shalt  }
0x4d: {  	_ =	shalt  }
0x4e: {  	_ =	shalt  }
0x4f: {  	_ =	shalt  }
0x50: {  	_ =	shalt  }
0x51: {  	_ =	shalt  }
0x52: {  	_ =	shalt  }
0x53: {  	_ =	shalt  }
0x54: {  	_ =	shalt  }
0x55: {  	_ =	shalt  }
0x56: {  	_ =	shalt  }
0x57: {  	_ =	shalt  }
0x58: {  	_ =	shalt  }
0x59: {  	_ =	shalt  }
0x5a: {  	_ =	shalt  }
0x5b: {  	_ =	shalt  }
0x5c: {  	_ =	shalt  }
0x5d: {  	_ =	shalt  }
0x5e: {  	_ =	shalt  }
0x5f: {  	_ =	shalt  }
0x60: {  	_ =	shalt  }
0x61: {  	_ =	shalt  }
0x62: {  	_ =	shalt  }
0x63: {  	_ =	shalt  }
0x64: {  	_ =	shalt  }
0x65: {  	_ =	shalt  }
0x66: {  	_ =	shalt  }
0x67: {  	_ =	shalt  }
0x68: {  	_ =	shalt  }
0x69: {  	_ =	shalt  }
0x6a: {  	_ =	shalt  }
0x6b: {  	_ =	shalt  }
0x6c: {  	_ =	shalt  }
0x6d: {  	_ =	shalt  }
0x6e: {  	_ =	shalt  }
0x6f: {  	_ =	shalt  }
0x70: {  	_ =	shalt  }
0x71: {  	_ =	shalt  }
0x72: {  	_ =	shalt  }
0x73: {  	_ =	shalt  }
0x74: {  	_ =	shalt  }
0x75: {  	_ =	shalt  }
0x76: {  	_ =	shalt  }
0x77: {  	_ =	shalt  }
0x78: {  	_ =	shalt  }
0x79: {  	_ =	shalt  }
0x7a: {  	_ =	shalt  }
0x7b: {  	_ =	shalt  }
0x7c: {  	_ =	shalt  }
0x7d: {  	_ =	shalt  }
0x7e: {  	_ =	shalt  }
0x7f: {  	_ =	shalt  }
0x80: {  	_ =	shalt  }
0x81: {  	_ =	shalt  }
0x82: {  	_ =	shalt  }
0x83: {  	_ =	shalt  }
0x84: {  	_ =	shalt  }
0x85: {  	_ =	shalt  }
0x86: {  	_ =	shalt  }
0x87: {  	_ =	shalt  }
.Lfunc_end0:
.L_simem_size_0:
called_computation_lowered:
.L_overlay_start_0:
0x88: {  	s2 =	sld [smem:$0x3FD9]  }
0x89: {  	s3 =	sld [smem:$0x3FFE];
	_ =	sdelay $0x1  }
0x8a: {  	s1 =	srdreg.scid  }
0x8b: {  	s0 =	sand.u32 $0x1, s1  }
0x8c: {  	s17 =	sshll.u32 s0, $0xA;
	s2 =	sadd.s32 s3, s2  }
0x8d: {  	s2 =	sadd.s32 s2, s17  }
0x8e: {  	[smem:$0x3FC6] =	sst s2  }
0x8f: {  	_ = 	snop  }
0x90: {  	s2 =	sld [smem:$0x3FC8]  }
0x91: {  	s18 =	sld [smem:$0x3FD0];
	(tm) =	ssettm $0x1  }
0x92: {  	s4 =	sld [smem:$0x3FFB];
	_ =	sdelay $0x3  }
0x93: {  	_ =	strace s4  }
0x94: {  	s4 =	sld [smem:$0x3FFC];
	_ =	sdelay $0x3  }
0x95: {  	_ =	strace s4  }
0x96: {  	s4 =	sld [smem:$0x3FFD];
	_ =	sdelay $0x3  }
0x97: {  	_ =	strace s4  }
0x98: {  	_ =	strace $0x8FFFFFFF  }
0x99: {  	s19 =	sld [smem:$0x3FDB];
	_ =	sdelay $0x1  }
0x9a: {  	s5 =	simm.s32 $_scs_section_size  }
0x9b: {  	s6 =	simm.s32 $_size__tile_overlayer_lowered;
	s7 =	simm.s32 $_tile_overlayer_lowered  }
0x9c: {  	s22 =	simm.s32 $0x1BFF;
	s21 =	sshll.u32 s7, $0x1;
	s4 =	sadd.s32 s5, s19  }
0x9d: {  	s8 =	simm.s32 $0x0;
	s20 =	sshll.u32 s6, $0x1;
	s6 =	sadd.s32 s21, s4  }
0x9e: {  	[timem:s8], [sflag:s22] =	dma.local [hbm:s6], s20  }
0x9f: {  	_ =	swait.ge [sflag:s22], s20  }
0xa0: {  	s5 =	ssub.s32 $0x0, s20;
	[sflag:s22] =	ssyncset.done $0x0  }
0xa1: {  	[sflag:s22] =	ssyncadd.s32 s5;
	_ =	sdelay $0x1  }
0xa2: {  	s23 =	simm.s32 $0x1B8B  }
0xa3: {  	_ =	swait.ge [sflag:s23], $0x1  }
0xa4: {  	[sflag:s23] =	ssyncset.done $0x0  }
0xa5: {  	s25 =	simm.s32 $0x1B8E;
	s24 =	sld [smem:$0x3FFE];
	[sflag:s23] =	ssyncadd.s32 $0xFFFFFFFF  }
0xa6: {  	s26 =	simm.s32 $execute0_lowered;
	[smem:$0x3FD2] =	sst s25  }
0xa7: {  	s6 =	sshll.u32 s26, $0x1;
	_ =	strace $0x80000046;
	[dreg:$0x1] =	wrdreg $0xFFFFFFFF  }
0xa8: {  	s28 =	simm.s32 $_size_execute0_lowered;
	s4 =	sadd.s32 s4, s6;
	[dreg:$0x0] =	wrdreg $0x0  }
0xa9: {  	s6 =	sshll.u32 s28, $0x1;
	[dreg:$0x2] =	wrdreg s4  }
0xaa: {  	[dreg:$0x3] =	wrdreg s6  }
0xab: {  	[dreg:$0x4] =	wrdreg $0xC0  }
0xac: {  	_ =	task [dreg:s8], $0x5FFFF  }
0xad: {  	[dreg:$0x1] =	wrdreg $0xFFFFFFFF  }
0xae: {  	[dreg:$0x0] =	wrdreg $0x60  }
0xaf: {  	[dreg:$0x2] =	wrdreg s18  }
0xb0: {  	[dreg:$0x3] =	wrdreg s2  }
0xb1: {  	[dreg:$0x4] =	wrdreg s24  }
0xb2: {  	[dreg:$0x5] =	wrdreg $0x9  }
0xb3: {  	_ =	task.clear_ibuf [dreg:s8], $0x6FFFF;
	_ =	strace $0x90000046  }
0xb4: {  	s29 =	simm.s32 $0x9;
	_ =	strace $0x80000048  }
0xb5: {  	_ =	swait.ge [sflag:s29], $0x1  }
0xb6: {  	[sflag:s29] =	ssyncadd.s32 $0xFFFFFFFF  }
0xb7: {  	_ =	strace $0x90000048  }
0xb8: {  	_ =	sfence  }
0xb9: {  	s30 =	sld [smem:$0x0];
	_ =	sdelay $0x2  }
0xba: {  	s31 =	sshll.u32 s1, $0xD;
	s1 =	sshrl.u32 s1, $0x2  }
0xbb: {  	s3 =	sand.u32 $0x4000, s31;
	s1 =	sadd.s32 s1, s30  }
0xbc: {  	s0 =	sor.u32 s3, s0;
	s1 =	sshll.u32 s1, $0x11  }
0xbd: {  	s0 =	sor.u32 s1, s0  }
0xbe: {  	s0 =	sadd.s32 $0x8F2B, s0  }
0xbf: {  	[sflag:s0] =	ssyncadd.remote.s32 $0x1  }
0xc0: {  	_ =	sfence.sel $0xFFFF  }
0xc1: {  	[dreg:$0x0] =	wrdreg $0xFFFFFFFF;
	(pc) =	sbr.abs _section_cstart, $3  }
0xc2: {  	[dreg:$0x1] =	wrdreg $0xFFFFFFFF  }
0xc3: {  	_ =	task.clear_ibuf [dreg:s8], $0x2FFFF;
	_ =	strace $0x9FFFFFFF  }
0xc4: {  	(tm) =	ssettm $0x7FFFFFFF  }
0xc5: {  	_ =	shalt  }
tec
execute0_lowered:
.L_overlay_start_1:
0x0: {  	(tag) =	ssettag $0x1  }
0x1: {  	s4 =	rddreg [dreg:$0x0]  }
0x2: {  	s1 =	rddreg [dreg:$0x1]  }
0x3: {  	s0 =	rddreg [dreg:$0x2]  }
0x4: {  	s3 =	simm.s32 $0x0;
	s2 =	srdreg.scid;
	s12 =	stileid.u32  }
0x5: {  	[smem:$0x7FF] =	sst s3;
	s6 =	sshrl.u32 s12, $0x2;
	s29 =	smul.u32 $0xE0000, s12  }
0x6: {  	s5 =	sand.u32 $0x1, s2;
	s14 =	sshll.u32 s12, $0x1;
	s6 =	smul.u32 $0x32000, s6  }
0x7: {  	s2 =	sor.u32 s5, s14;
	s7 =	ssub.s32 $0x2, s5;
	s24 =	smul.u32 $0x380000, s5  }
0x8: {  	s8 =	sshll.u32 s2, $0x7;
	s9 =	smul.u32 $0x70000, s2;
	s10 =	sshrl.u32 s7, $0x1  }
0x9: {  	s11 =	smul.u32 $0x380000, s2;
	s2 =	sadd.s32 $0x400, s0;
	s0 =	ssub.s32 s7, s10  }
0xa: {  	_ =	strace $0x80000047;
	s5 =	smul.u32 $0x70000, s5;
	s0 =	smax.u32 s0, $0x1  }
0xb: {  	s8 =	sand.u32 $0x380, s8;
	s9 =	sadd.s32 s2, s9;
	[smem:$0x7F1] =	sst s0  }
0xc: {  	s6 =	sor.u32 s6, s8;
	s16 =	sadd.s32 $0x380, s9;
	[dreg:$0xe] =	wrdreg s9  }
0xd: {  	s15 =	sshrl.u32 s11, $0x3;
	s17 =	sadd.s32 $0x700, s9;
	[dreg:$0x10] =	wrdreg s16  }
0xe: {  	s6 =	sshrl.u32 s6, $0x3;
	s18 =	sadd.s32 $0xA80, s9;
	[dreg:$0x11] =	wrdreg s17  }
0xf: {  	s11 =	sadd.s32 s29, s2;
	s4 =	sadd.s32 s4, s6;
	[dreg:$0x12] =	wrdreg s18  }
0x10: {  	s5 =	sadd.s32 s5, s11;
	[dreg:$0xf] =	wrdreg s4;
	s4 =	sadd.s32 s2, s15  }
0x11: {  	[dreg:$0x4] =	wrdreg s5;
	s19 =	sadd.s32 $0x6C800, s4  }
0x12: {  	s20 =	sadd.s32 $0x6CB80, s4;
	[dreg:$0x13] =	wrdreg s19  }
0x13: {  	s21 =	sadd.s32 $0x6CF00, s4;
	[dreg:$0x14] =	wrdreg s20  }
0x14: {  	s28 =	simm.s32 $0x19000;
	s7 =	sadd.s32 $0x6D280, s4;
	[dreg:$0x15] =	wrdreg s21  }
0x15: {  	s30 =	simm.s32 $0x3;
	s23 =	sadd.s32 $0x6D600, s4;
	[dreg:$0x16] =	wrdreg s7  }
0x16: {  	s22 =	smul.u32 $0x700000, s12;
	s25 =	sadd.s32 $0x6D980, s4;
	[dreg:$0x17] =	wrdreg s23  }
0x17: {  	s0 =	simm.s32 $0x0;
	s26 =	sadd.s32 $0x6DD00, s4;
	[dreg:$0x18] =	wrdreg s25  }
0x18: {  	s6 =	sadd.s32 s24, s22;
	s31 =	sadd.s32 $0x6E080, s4;
	[dreg:$0x19] =	wrdreg s26  }
0x19: {  	s12 =	sor.u32 $0x28400, s6;
	s10 =	sadd.s32 $0x6E400, s4;
	[dreg:$0x1a] =	wrdreg s31  }
0x1a: {  	s16 =	sor.u32 $0x26800, s6;
	s13 =	sadd.s32 $0x6E780, s4;
	[dreg:$0x1b] =	wrdreg s10  }
0x1b: {  	s14 =	sshrl.u32 s12, $0x3;
	s12 =	sadd.s32 $0x6EE80, s4;
	[dreg:$0x1c] =	wrdreg s13  }
0x1c: {  	s17 =	sshrl.u32 s16, $0x3;
	s16 =	sadd.s32 $0x6FC80, s4;
	[dreg:$0x1e] =	wrdreg s12  }
0x1d: {  	s18 =	sor.u32 $0x24C00, s6;
	s15 =	sadd.s32 s14, s2;
	[smem:$0x7F0] =	sst s16  }
0x1e: {  	s5 =	sadd.s32 s17, s2;
	s7 =	sshrl.u32 s18, $0x3;
	[dreg:$0x5] =	wrdreg s15  }
0x1f: {  	s19 =	sor.u32 $0x21400, s6;
	s26 =	sadd.s32 $0x6EB00, s4;
	[dreg:$0x6] =	wrdreg s5  }
0x20: {  	s23 =	sor.u32 $0x2F400, s6;
	s13 =	sadd.s32 $0x6F200, s4;
	[dreg:$0x1d] =	wrdreg s26  }
0x21: {  	s25 =	sor.u32 $0x2D800, s6;
	s14 =	sadd.s32 $0x6F580, s4;
	[dreg:$0x1f] =	wrdreg s13  }
0x22: {  	s31 =	sor.u32 $0x36400, s6;
	s17 =	sadd.s32 $0xE00, s9;
	[smem:$0x7EE] =	sst s14  }
0x23: {  	s10 =	sor.u32 $0x34800, s6;
	s18 =	sadd.s32 $0x1180, s9;
	[smem:$0x7F2] =	sst s17  }
0x24: {  	s6 =	sor.u32 $0x32C00, s6;
	s20 =	sadd.s32 s7, s2;
	[smem:$0x7F3] =	sst s18  }
0x25: {  	s12 =	simm.s32 $0x6400;
	s15 =	sadd.s32 $0x6F900, s4;
	[dreg:$0x7] =	wrdreg s20  }
0x26: {  	s21 =	sshrl.u32 s19, $0x3;
	s19 =	sadd.s32 $0x1500, s9;
	[smem:$0x7EF] =	sst s15  }
0x27: {  	s24 =	sshrl.u32 s23, $0x3;
	s23 =	sadd.s32 $0x2300, s9;
	[smem:$0x7F4] =	sst s19  }
0x28: {  	s7 =	sshrl.u32 s25, $0x3;
	s25 =	sadd.s32 $0x2A00, s9;
	[smem:$0x7F8] =	sst s23  }
0x29: {  	s8 =	sshrl.u32 s31, $0x3;
	s26 =	sadd.s32 $0x2D80, s9;
	[smem:$0x7FA] =	sst s25  }
0x2a: {  	s6 =	sshrl.u32 s6, $0x3;
	s31 =	sadd.s32 $0x3480, s9;
	[smem:$0x7FB] =	sst s26  }
0x2b: {  	s13 =	simm.s32 $0x60;
	s22 =	sadd.s32 s21, s2;
	[smem:$0x7FD] =	sst s31  }
0x2c: {  	s17 =	simm.s32 $0x1;
	s5 =	sadd.s32 s24, s2;
	[dreg:$0x8] =	wrdreg s22  }
0x2d: {  	s4 =	simm.s32 $0x6;
	s29 =	sadd.s32 s7, s2;
	[dreg:$0x9] =	wrdreg s5  }
0x2e: {  	s14 =	simm.s32 $0x8;
	s20 =	sadd.s32 $0x1880, s9;
	[dreg:$0xa] =	wrdreg s29  }
0x2f: {  	s7 =	sshrl.u32 s10, $0x3;
	s21 =	sadd.s32 $0x1C00, s9;
	[smem:$0x7F5] =	sst s20  }
0x30: {  	s24 =	sadd.s32 $0x2680, s9;
	s25 =	simm.s32 $0x9800;
	[smem:$0x7F6] =	sst s21  }
0x31: {  	s15 =	simm.s32 $0xC800;
	s5 =	sadd.s32 s8, s2;
	[smem:$0x7F9] =	sst s24  }
0x32: {  	s23 =	simm.s32 $0x2;
	s11 =	sadd.s32 s7, s2;
	[dreg:$0xb] =	wrdreg s5  }
0x33: {  	s10 =	simm.s32 $0x7;
	s2 =	sadd.s32 s6, s2;
	[dreg:$0xc] =	wrdreg s11  }
0x34: {  	s22 =	sadd.s32 $0x1F80, s9;
	s29 =	sadd.s32 $0x3100, s9;
	[dreg:$0xd] =	wrdreg s2  }
0x35: {  	s21 =	simm.s32 $0x12C00;
	s6 =	simm.s32 $0x4;
	[smem:$0x7F7] =	sst s22  }
0x36: {  	[smem:$0x7FC] =	sst s29;
	s11 =	simm.s32 $0x68;
	s5 =	simm.s32 $0x5  }
.LBB2_1:
0x37: {  	[smem:$0x7ED] =	sst s0  }
0x38: {  	s16 =	rddreg [dreg:$0xf]  }
0x39: {  	s18 =	simm.s32 $0x80;
	s19 =	simm.s32 $0x400;
	s24 =	simm.s32 $0x9  }
0x3a: {  	[tilespmem:s3], [sflag:$0x9] =	stream.strided.gather [hbm4b:s16+s18], $0x6400, s19, s18, $0x38;
	[tilespmem:$0x1F400] =	vst v63  }
0x3b: {  	_ =	swait.ge [sflag:s24], $0x6400  }
0x3c: {  	[sflag:s24] =	ssyncset.done $0x0  }
0x3d: {  	[sflag:s24] =	ssyncadd.s32 $0xFFFF9C00  }
0x3e: {  	[tilespmem:s12], [sflag:$0x1] =	stream.indirect.gather [hbm4b:s1+s11], $0x80, s3, s11, $0xb8;
	[tilespmem:$0x1F400] =	vst v63  }
0x3f: {  	_ = 	snop  }
0x40: {  	[tilespmem:s25], [sflag:$0x1] =	stream.indirect.gather [hbm4b:s1+s13], $0x80, s11, s13, $0xb8;
	[tilespmem:$0x1F400] =	vst v63  }
0x41: {  	s26 =	simm.s32 $0xC8  }
0x42: {  	[tilespmem:s15], [sflag:$0x2] =	stream.indirect.gather [hbm4b:s1+s11], $0x80, s26, s11, $0xb8;
	[tilespmem:$0x1F400] =	vst v63  }
0x43: {  	s0 =	simm.s32 $0x130;
	s18 =	simm.s32 $0xFC00  }
0x44: {  	[tilespmem:s18], [sflag:$0x2] =	stream.indirect.gather [hbm4b:s1+s13], $0x80, s0, s13, $0xb8;
	[tilespmem:$0x1F400] =	vst v63  }
0x45: {  	_ =	swait.ge [sflag:s17], $0x3400  }
0x46: {  	[sflag:s17] =	ssyncset.done $0x0  }
0x47: {  	[sflag:s17] =	ssyncadd.s32 $0xFFFFCC00  }
0x48: {  	_ =	swait.ge [sflag:s17], $0x3000  }
0x49: {  	[sflag:s17] =	ssyncset.done $0x0  }
0x4a: {  	s2 =	rddreg [dreg:$0xe];
	[sflag:s17] =	ssyncadd.s32 $0xFFFFD000  }
0x4b: {  	[hbm4b:s2+s3] =	stream.linear.scatter [tilespmem:s12], [sflag:$0x5], $0x1900, $0x38;
	[tilespmem:$0x1F400] =	vst v63  }
0x4c: {  	s20 =	simm.s32 $0x7D00;
	s7 =	rddreg [dreg:$0x10]  }
0x4d: {  	[hbm4b:s7+s3] =	stream.linear.scatter [tilespmem:s20], [sflag:$0x5], $0x1900, $0x38;
	[tilespmem:$0x1F400] =	vst v63  }
0x4e: {  	s22 =	simm.s32 $0x9600;
	s8 =	rddreg [dreg:$0x11]  }
0x4f: {  	[hbm4b:s8+s3] =	stream.linear.scatter [tilespmem:s22], [sflag:$0x5], $0x1900, $0x38;
	[tilespmem:$0x1F400] =	vst v63  }
0x50: {  	s24 =	simm.s32 $0xAF00;
	s9 =	rddreg [dreg:$0x12]  }
0x51: {  	[hbm4b:s9+s3] =	stream.linear.scatter [tilespmem:s24], [sflag:$0x5], $0x1900, $0x38;
	[tilespmem:$0x1F400] =	vst v63  }
0x52: {  	s16 =	simm.s32 $0x190  }
0x53: {  	[tilespmem:s21], [sflag:$0x3] =	stream.indirect.gather [hbm4b:s1+s11], $0x80, s16, s11, $0xb8;
	[tilespmem:$0x1F400] =	vst v63  }
0x54: {  	s19 =	simm.s32 $0x1F8;
	s2 =	simm.s32 $0x16000  }
0x55: {  	[tilespmem:s2], [sflag:$0x3] =	stream.indirect.gather [hbm4b:s1+s13], $0x80, s19, s13, $0xb8;
	[tilespmem:$0x1F400] =	vst v63  }
0x56: {  	_ =	swait.ge [sflag:s23], $0x3400  }
0x57: {  	[sflag:s23] =	ssyncset.done $0x0  }
0x58: {  	[sflag:s23] =	ssyncadd.s32 $0xFFFFCC00  }
0x59: {  	_ =	swait.ge [sflag:s23], $0x3000  }
0x5a: {  	s26 =	sld [smem:$0x7F2]  }
0x5b: {  	[sflag:s23] =	ssyncset.done $0x0  }
0x5c: {  	s0 =	sld [smem:$0x7F3];
	[sflag:s23] =	ssyncadd.s32 $0xFFFFD000  }
0x5d: {  	[hbm4b:s26+s3] =	stream.linear.scatter [tilespmem:s15], [sflag:$0x6], $0x1900, $0x38;
	[tilespmem:$0x1F400] =	vst v63  }
0x5e: {  	s2 =	simm.s32 $0xE100;
	s7 =	sld [smem:$0x7F4]  }
0x5f: {  	[hbm4b:s0+s3] =	stream.linear.scatter [tilespmem:s2], [sflag:$0x6], $0x1900, $0x38;
	[tilespmem:$0x1F400] =	vst v63  }
0x60: {  	s8 =	simm.s32 $0xFA00;
	s9 =	sld [smem:$0x7F5]  }
0x61: {  	[hbm4b:s7+s3] =	stream.linear.scatter [tilespmem:s8], [sflag:$0x6], $0x1900, $0x38;
	[tilespmem:$0x1F400] =	vst v63  }
0x62: {  	s26 =	simm.s32 $0x11300  }
0x63: {  	[hbm4b:s9+s3] =	stream.linear.scatter [tilespmem:s26], [sflag:$0x6], $0x1900, $0x38;
	[tilespmem:$0x1F400] =	vst v63  }
0x64: {  	s16 =	simm.s32 $0x258  }
0x65: {  	[tilespmem:s28], [sflag:$0x4] =	stream.indirect.gather [hbm4b:s1+s11], $0x80, s16, s11, $0xb8;
	[tilespmem:$0x1F400] =	vst v63  }
0x66: {  	s29 =	simm.s32 $0x1C400;
	s19 =	simm.s32 $0x2C0  }
0x67: {  	[tilespmem:s29], [sflag:$0x4] =	stream.indirect.gather [hbm4b:s1+s13], $0x80, s19, s13, $0xb8;
	[tilespmem:$0x1F400] =	vst v63  }
0x68: {  	_ =	swait.ge [sflag:s30], $0x3400  }
0x69: {  	[sflag:s30] =	ssyncset.done $0x0  }
0x6a: {  	[sflag:s30] =	ssyncadd.s32 $0xFFFFCC00  }
0x6b: {  	_ =	swait.ge [sflag:s30], $0x3000  }
0x6c: {  	s0 =	sld [smem:$0x7F6]  }
0x6d: {  	[sflag:s30] =	ssyncset.done $0x0  }
0x6e: {  	s2 =	sld [smem:$0x7F7];
	[sflag:s30] =	ssyncadd.s32 $0xFFFFD000  }
0x6f: {  	[hbm4b:s0+s3] =	stream.linear.scatter [tilespmem:s21], [sflag:$0x7], $0x1900, $0x38;
	[tilespmem:$0x1F400] =	vst v63  }
0x70: {  	s31 =	simm.s32 $0x14500;
	s7 =	sld [smem:$0x7F8]  }
0x71: {  	[hbm4b:s2+s3] =	stream.linear.scatter [tilespmem:s31], [sflag:$0x7], $0x1900, $0x38;
	[tilespmem:$0x1F400] =	vst v63  }
0x72: {  	s8 =	simm.s32 $0x15E00;
	s9 =	sld [smem:$0x7F9]  }
0x73: {  	[hbm4b:s7+s3] =	stream.linear.scatter [tilespmem:s8], [sflag:$0x7], $0x1900, $0x38;
	[tilespmem:$0x1F400] =	vst v63  }
0x74: {  	s2 =	simm.s32 $0x17700  }
0x75: {  	[hbm4b:s9+s3] =	stream.linear.scatter [tilespmem:s2], [sflag:$0x7], $0x1900, $0x38;
	[tilespmem:$0x1F400] =	vst v63  }
0x76: {  	_ =	swait.ge [sflag:s5], $0x1900  }
0x77: {  	[sflag:s5] =	ssyncset.done $0x0  }
0x78: {  	[sflag:s5] =	ssyncadd.s32 $0xFFFFE700  }
0x79: {  	_ =	swait.ge [sflag:s5], $0x1900  }
0x7a: {  	[sflag:s5] =	ssyncset.done $0x0  }
0x7b: {  	[sflag:s5] =	ssyncadd.s32 $0xFFFFE700  }
0x7c: {  	_ =	swait.ge [sflag:s5], $0x1900  }
0x7d: {  	[sflag:s5] =	ssyncset.done $0x0  }
0x7e: {  	[sflag:s5] =	ssyncadd.s32 $0xFFFFE700  }
0x7f: {  	_ =	swait.ge [sflag:s5], $0x1900  }
0x80: {  	[sflag:s5] =	ssyncset.done $0x0  }
0x81: {  	s19 =	simm.s32 $0x320;
	[sflag:s5] =	ssyncadd.s32 $0xFFFFE700  }
0x82: {  	[tilespmem:s12], [sflag:$0x1] =	stream.indirect.gather [hbm4b:s1+s11], $0x80, s19, s11, $0xb8;
	[tilespmem:$0x1F400] =	vst v63  }
0x83: {  	s7 =	simm.s32 $0x388  }
0x84: {  	[tilespmem:s25], [sflag:$0x1] =	stream.indirect.gather [hbm4b:s1+s13], $0x80, s7, s13, $0xb8;
	[tilespmem:$0x1F400] =	vst v63  }
0x85: {  	_ =	swait.ge [sflag:s6], $0x3400  }
0x86: {  	[sflag:s6] =	ssyncset.done $0x0  }
0x87: {  	[sflag:s6] =	ssyncadd.s32 $0xFFFFCC00  }
0x88: {  	_ =	swait.ge [sflag:s6], $0x3000  }
0x89: {  	s8 =	sld [smem:$0x7FA]  }
0x8a: {  	[sflag:s6] =	ssyncset.done $0x0  }
0x8b: {  	s9 =	sld [smem:$0x7FB];
	[sflag:s6] =	ssyncadd.s32 $0xFFFFD000  }
0x8c: {  	[hbm4b:s8+s3] =	stream.linear.scatter [tilespmem:s28], [sflag:$0x8], $0x1900, $0x38;
	[tilespmem:$0x1F400] =	vst v63  }
0x8d: {  	s7 =	simm.s32 $0x1A900;
	s19 =	sld [smem:$0x7FC]  }
0x8e: {  	[hbm4b:s9+s3] =	stream.linear.scatter [tilespmem:s7], [sflag:$0x8], $0x1900, $0x38;
	[tilespmem:$0x1F400] =	vst v63  }
0x8f: {  	s0 =	sld [smem:$0x7FD];
	s9 =	simm.s32 $0x1C200  }
0x90: {  	[hbm4b:s19+s3] =	stream.linear.scatter [tilespmem:s9], [sflag:$0x8], $0x1900, $0x38;
	[tilespmem:$0x1F400] =	vst v63  }
0x91: {  	s8 =	simm.s32 $0x1DB00  }
0x92: {  	[hbm4b:s0+s3] =	stream.linear.scatter [tilespmem:s8], [sflag:$0x8], $0x1900, $0x38;
	[tilespmem:$0x1F400] =	vst v63  }
0x93: {  	_ =	swait.ge [sflag:s4], $0x1900  }
0x94: {  	[sflag:s4] =	ssyncset.done $0x0  }
0x95: {  	[sflag:s4] =	ssyncadd.s32 $0xFFFFE700  }
0x96: {  	_ =	swait.ge [sflag:s4], $0x1900  }
0x97: {  	[sflag:s4] =	ssyncset.done $0x0  }
0x98: {  	[sflag:s4] =	ssyncadd.s32 $0xFFFFE700  }
0x99: {  	_ =	swait.ge [sflag:s4], $0x1900  }
0x9a: {  	[sflag:s4] =	ssyncset.done $0x0  }
0x9b: {  	[sflag:s4] =	ssyncadd.s32 $0xFFFFE700  }
0x9c: {  	_ =	swait.ge [sflag:s4], $0x1900  }
0x9d: {  	[sflag:s4] =	ssyncset.done $0x0  }
0x9e: {  	s19 =	simm.s32 $0x3E8;
	[sflag:s4] =	ssyncadd.s32 $0xFFFFE700  }
0x9f: {  	[tilespmem:s15], [sflag:$0x2] =	stream.indirect.gather [hbm4b:s1+s11], $0x80, s19, s11, $0xb8;
	[tilespmem:$0x1F400] =	vst v63  }
0xa0: {  	s16 =	simm.s32 $0x450  }
0xa1: {  	[tilespmem:s18], [sflag:$0x2] =	stream.indirect.gather [hbm4b:s1+s13], $0x80, s16, s13, $0xb8;
	[tilespmem:$0x1F400] =	vst v63  }
0xa2: {  	_ =	swait.ge [sflag:s17], $0x3400  }
0xa3: {  	[sflag:s17] =	ssyncset.done $0x0  }
0xa4: {  	[sflag:s17] =	ssyncadd.s32 $0xFFFFCC00  }
0xa5: {  	_ =	swait.ge [sflag:s17], $0x3000  }
0xa6: {  	s19 =	rddreg [dreg:$0x4]  }
0xa7: {  	[sflag:s17] =	ssyncset.done $0x0;
	s16 =	sadd.s32 $0x0, s19  }
0xa8: {  	[sflag:s17] =	ssyncadd.s32 $0xFFFFD000;
	s0 =	sadd.s32 $0x3800, s16  }
0xa9: {  	[hbm4b:s0+s3] =	stream.linear.scatter [tilespmem:s12], [sflag:$0x5], $0x1900, $0x38;
	[tilespmem:$0x1F400] =	vst v63  }
0xaa: {  	s19 =	sadd.s32 $0x3B80, s16  }
0xab: {  	[hbm4b:s19+s3] =	stream.linear.scatter [tilespmem:s20], [sflag:$0x5], $0x1900, $0x38;
	[tilespmem:$0x1F400] =	vst v63  }
0xac: {  	s0 =	rddreg [dreg:$0x8];
	s20 =	sadd.s32 $0x3F00, s16  }
0xad: {  	[hbm4b:s20+s3] =	stream.linear.scatter [tilespmem:s22], [sflag:$0x5], $0x1900, $0x38;
	[tilespmem:$0x1F400] =	vst v63  }
0xae: {  	s22 =	sadd.s32 $0x0, s0  }
0xaf: {  	[hbm4b:s22+s3] =	stream.linear.scatter [tilespmem:s24], [sflag:$0x5], $0x1900, $0x38;
	[tilespmem:$0x1F400] =	vst v63  }
0xb0: {  	_ =	swait.ge [sflag:s10], $0x1900  }
0xb1: {  	[sflag:s10] =	ssyncset.done $0x0  }
0xb2: {  	[sflag:s10] =	ssyncadd.s32 $0xFFFFE700  }
0xb3: {  	_ =	swait.ge [sflag:s10], $0x1900  }
0xb4: {  	[sflag:s10] =	ssyncset.done $0x0  }
0xb5: {  	[sflag:s10] =	ssyncadd.s32 $0xFFFFE700  }
0xb6: {  	_ =	swait.ge [sflag:s10], $0x1900  }
0xb7: {  	[sflag:s10] =	ssyncset.done $0x0  }
0xb8: {  	[sflag:s10] =	ssyncadd.s32 $0xFFFFE700  }
0xb9: {  	_ =	swait.ge [sflag:s10], $0x1900  }
0xba: {  	[sflag:s10] =	ssyncset.done $0x0  }
0xbb: {  	s24 =	simm.s32 $0x4B0;
	[sflag:s10] =	ssyncadd.s32 $0xFFFFE700  }
0xbc: {  	[tilespmem:s21], [sflag:$0x3] =	stream.indirect.gather [hbm4b:s1+s11], $0x80, s24, s11, $0xb8;
	[tilespmem:$0x1F400] =	vst v63  }
0xbd: {  	s19 =	simm.s32 $0x16000;
	s0 =	simm.s32 $0x518  }
0xbe: {  	[tilespmem:s19], [sflag:$0x3] =	stream.indirect.gather [hbm4b:s1+s13], $0x80, s0, s13, $0xb8;
	[tilespmem:$0x1F400] =	vst v63  }
0xbf: {  	_ =	swait.ge [sflag:s23], $0x3400  }
0xc0: {  	[sflag:s23] =	ssyncset.done $0x0  }
0xc1: {  	[sflag:s23] =	ssyncadd.s32 $0xFFFFCC00  }
0xc2: {  	_ =	swait.ge [sflag:s23], $0x3000  }
0xc3: {  	[sflag:s23] =	ssyncset.done $0x0  }
0xc4: {  	s22 =	sadd.s32 $0x4600, s16;
	s20 =	rddreg [dreg:$0x7];
	[sflag:s23] =	ssyncadd.s32 $0xFFFFD000  }
0xc5: {  	[hbm4b:s22+s3] =	stream.linear.scatter [tilespmem:s15], [sflag:$0x6], $0x1900, $0x38;
	[tilespmem:$0x1F400] =	vst v63  }
0xc6: {  	s24 =	rddreg [dreg:$0x6];
	s18 =	sadd.s32 $0x0, s20;
	s20 =	simm.s32 $0xE100  }
0xc7: {  	[hbm4b:s18+s3] =	stream.linear.scatter [tilespmem:s20], [sflag:$0x6], $0x1900, $0x38;
	[tilespmem:$0x1F400] =	vst v63  }
0xc8: {  	s19 =	sadd.s32 $0x0, s24;
	s24 =	simm.s32 $0xFA00;
	s22 =	rddreg [dreg:$0x5]  }
0xc9: {  	[hbm4b:s19+s3] =	stream.linear.scatter [tilespmem:s24], [sflag:$0x6], $0x1900, $0x38;
	[tilespmem:$0x1F400] =	vst v63  }
0xca: {  	s18 =	sadd.s32 $0x0, s22  }
0xcb: {  	[hbm4b:s18+s3] =	stream.linear.scatter [tilespmem:s26], [sflag:$0x6], $0x1900, $0x38;
	[tilespmem:$0x1F400] =	vst v63  }
0xcc: {  	_ =	swait.ge [sflag:s14], $0x1900  }
0xcd: {  	[sflag:s14] =	ssyncset.done $0x0  }
0xce: {  	[sflag:s14] =	ssyncadd.s32 $0xFFFFE700  }
0xcf: {  	_ =	swait.ge [sflag:s14], $0x1900  }
0xd0: {  	[sflag:s14] =	ssyncset.done $0x0  }
0xd1: {  	[sflag:s14] =	ssyncadd.s32 $0xFFFFE700  }
0xd2: {  	_ =	swait.ge [sflag:s14], $0x1900  }
0xd3: {  	[sflag:s14] =	ssyncset.done $0x0  }
0xd4: {  	[sflag:s14] =	ssyncadd.s32 $0xFFFFE700  }
0xd5: {  	_ =	swait.ge [sflag:s14], $0x1900  }
0xd6: {  	[sflag:s14] =	ssyncset.done $0x0  }
0xd7: {  	s20 =	simm.s32 $0x578;
	[sflag:s14] =	ssyncadd.s32 $0xFFFFE700  }
0xd8: {  	[tilespmem:s28], [sflag:$0x4] =	stream.indirect.gather [hbm4b:s1+s11], $0x80, s20, s11, $0xb8;
	[tilespmem:$0x1F400] =	vst v63  }
0xd9: {  	s22 =	simm.s32 $0x5E0  }
0xda: {  	[tilespmem:s29], [sflag:$0x4] =	stream.indirect.gather [hbm4b:s1+s13], $0x80, s22, s13, $0xb8;
	[tilespmem:$0x1F400] =	vst v63  }
0xdb: {  	_ =	swait.ge [sflag:s30], $0x3400  }
0xdc: {  	[sflag:s30] =	ssyncset.done $0x0  }
0xdd: {  	[sflag:s30] =	ssyncadd.s32 $0xFFFFCC00  }
0xde: {  	_ =	swait.ge [sflag:s30], $0x3000  }
0xdf: {  	[sflag:s30] =	ssyncset.done $0x0  }
0xe0: {  	s24 =	sadd.s32 $0x5400, s16;
	[sflag:s30] =	ssyncadd.s32 $0xFFFFD000  }
0xe1: {  	[hbm4b:s24+s3] =	stream.linear.scatter [tilespmem:s21], [sflag:$0x7], $0x1900, $0x38;
	[tilespmem:$0x1F400] =	vst v63  }
0xe2: {  	s20 =	sadd.s32 $0x5780, s16;
	s0 =	rddreg [dreg:$0xa]  }
0xe3: {  	[hbm4b:s20+s3] =	stream.linear.scatter [tilespmem:s31], [sflag:$0x7], $0x1900, $0x38;
	[tilespmem:$0x1F400] =	vst v63  }
0xe4: {  	s22 =	rddreg [dreg:$0x9];
	s18 =	sadd.s32 $0x0, s0;
	s24 =	simm.s32 $0x15E00  }
0xe5: {  	[hbm4b:s18+s3] =	stream.linear.scatter [tilespmem:s24], [sflag:$0x7], $0x1900, $0x38;
	[tilespmem:$0x1F400] =	vst v63  }
0xe6: {  	s19 =	sadd.s32 $0x0, s22  }
0xe7: {  	[hbm4b:s19+s3] =	stream.linear.scatter [tilespmem:s2], [sflag:$0x7], $0x1900, $0x38;
	[tilespmem:$0x1F400] =	vst v63  }
0xe8: {  	_ =	swait.ge [sflag:s5], $0x1900  }
0xe9: {  	[sflag:s5] =	ssyncset.done $0x0  }
0xea: {  	[sflag:s5] =	ssyncadd.s32 $0xFFFFE700  }
0xeb: {  	_ =	swait.ge [sflag:s5], $0x1900  }
0xec: {  	[sflag:s5] =	ssyncset.done $0x0  }
0xed: {  	[sflag:s5] =	ssyncadd.s32 $0xFFFFE700  }
0xee: {  	_ =	swait.ge [sflag:s5], $0x1900  }
0xef: {  	[sflag:s5] =	ssyncset.done $0x0  }
0xf0: {  	[sflag:s5] =	ssyncadd.s32 $0xFFFFE700  }
0xf1: {  	_ =	swait.ge [sflag:s5], $0x1900  }
0xf2: {  	[sflag:s5] =	ssyncset.done $0x0  }
0xf3: {  	s20 =	simm.s32 $0x640;
	[sflag:s5] =	ssyncadd.s32 $0xFFFFE700  }
0xf4: {  	[tilespmem:s12], [sflag:$0x1] =	stream.indirect.gather [hbm4b:s1+s11], $0x80, s20, s11, $0xb8;
	[tilespmem:$0x1F400] =	vst v63  }
0xf5: {  	s22 =	simm.s32 $0x6A8  }
0xf6: {  	[tilespmem:s25], [sflag:$0x1] =	stream.indirect.gather [hbm4b:s1+s13], $0x80, s22, s13, $0xb8;
	[tilespmem:$0x1F400] =	vst v63  }
0xf7: {  	_ =	swait.ge [sflag:s6], $0x3400  }
0xf8: {  	[sflag:s6] =	ssyncset.done $0x0  }
0xf9: {  	[sflag:s6] =	ssyncadd.s32 $0xFFFFCC00  }
0xfa: {  	_ =	swait.ge [sflag:s6], $0x3000  }
0xfb: {  	[sflag:s6] =	ssyncset.done $0x0  }
0xfc: {  	s16 =	sadd.s32 $0x6200, s16;
	s24 =	rddreg [dreg:$0xd];
	[sflag:s6] =	ssyncadd.s32 $0xFFFFD000  }
0xfd: {  	[hbm4b:s16+s3] =	stream.linear.scatter [tilespmem:s28], [sflag:$0x8], $0x1900, $0x38;
	[tilespmem:$0x1F400] =	vst v63  }
0xfe: {  	s25 =	rddreg [dreg:$0xc];
	s18 =	sadd.s32 $0x0, s24  }
0xff: {  	[hbm4b:s18+s3] =	stream.linear.scatter [tilespmem:s7], [sflag:$0x8], $0x1900, $0x38;
	[tilespmem:$0x1F400] =	vst v63  }
0x100: {  	s20 =	rddreg [dreg:$0xb];
	s22 =	sadd.s32 $0x0, s25  }
0x101: {  	[hbm4b:s22+s3] =	stream.linear.scatter [tilespmem:s9], [sflag:$0x8], $0x1900, $0x38;
	[tilespmem:$0x1F400] =	vst v63  }
0x102: {  	s24 =	sadd.s32 $0x0, s20  }
0x103: {  	[hbm4b:s24+s3] =	stream.linear.scatter [tilespmem:s8], [sflag:$0x8], $0x1900, $0x38;
	[tilespmem:$0x1F400] =	vst v63  }
0x104: {  	_ =	swait.ge [sflag:s4], $0x1900  }
0x105: {  	[sflag:s4] =	ssyncset.done $0x0  }
0x106: {  	[sflag:s4] =	ssyncadd.s32 $0xFFFFE700  }
0x107: {  	_ =	swait.ge [sflag:s4], $0x1900  }
0x108: {  	[sflag:s4] =	ssyncset.done $0x0  }
0x109: {  	[sflag:s4] =	ssyncadd.s32 $0xFFFFE700  }
0x10a: {  	s26 =	simm.s32 $0x1C400;
	_ =	swait.ge [sflag:s4], $0x1900  }
0x10b: {  	s29 =	simm.s32 $0x14500;
	s0 =	simm.s32 $0x17700;
	[sflag:s4] =	ssyncset.done $0x0  }
0x10c: {  	s31 =	simm.s32 $0x15E00;
	s2 =	simm.s32 $0x1A900;
	[sflag:s4] =	ssyncadd.s32 $0xFFFFE700  }
0x10d: {  	s19 =	simm.s32 $0x770;
	s25 =	simm.s32 $0x708;
	_ =	swait.ge [sflag:s4], $0x1900  }
0x10e: {  	s16 =	simm.s32 $0x3800;
	s7 =	simm.s32 $0x1C200;
	[sflag:s4] =	ssyncset.done $0x0  }
0x10f: {  	s18 =	simm.s32 $0x7D0;
	s9 =	simm.s32 $0x1DB00;
	[sflag:s4] =	ssyncadd.s32 $0xFFFFE700  }
0x110: {  	[tilespmem:s15], [sflag:$0x2] =	stream.indirect.gather [hbm4b:s1+s11], $0x80, s25, s11, $0xb8;
	[tilespmem:$0x1F400] =	vst v63  }
.LBB2_2:
0x111: {  	s20 =	simm.s32 $0xFC00  }
0x112: {  	[tilespmem:s20], [sflag:$0x2] =	stream.indirect.gather [hbm4b:s1+s13], $0x80, s19, s13, $0xb8;
	[tilespmem:$0x1F400] =	vst v63  }
0x113: {  	_ =	swait.ge [sflag:s17], $0x3400  }
0x114: {  	[sflag:s17] =	ssyncset.done $0x0  }
0x115: {  	[sflag:s17] =	ssyncadd.s32 $0xFFFFCC00  }
0x116: {  	_ =	swait.ge [sflag:s17], $0x3000  }
0x117: {  	s19 =	smov.u32 s16;
	s25 =	rddreg [dreg:$0x4]  }
0x118: {  	[sflag:s17] =	ssyncset.done $0x0;
	s20 =	sadd.s32 s19, s25  }
0x119: {  	[sflag:s17] =	ssyncadd.s32 $0xFFFFD000;
	s22 =	sadd.s32 $0x3800, s20  }
0x11a: {  	[hbm4b:s22+s3] =	stream.linear.scatter [tilespmem:s12], [sflag:$0x5], $0x1900, $0x38;
	[tilespmem:$0x1F400] =	vst v63  }
0x11b: {  	s25 =	simm.s32 $0x7D00;
	s8 =	sadd.s32 $0x3B80, s20  }
0x11c: {  	[hbm4b:s8+s3] =	stream.linear.scatter [tilespmem:s25], [sflag:$0x5], $0x1900, $0x38;
	[tilespmem:$0x1F400] =	vst v63  }
0x11d: {  	s24 =	rddreg [dreg:$0x8];
	s25 =	sadd.s32 $0x3F00, s20;
	s8 =	simm.s32 $0x9600  }
0x11e: {  	[hbm4b:s25+s3] =	stream.linear.scatter [tilespmem:s8], [sflag:$0x5], $0x1900, $0x38;
	[tilespmem:$0x1F400] =	vst v63  }
0x11f: {  	s25 =	sadd.s32 s19, s24;
	s8 =	simm.s32 $0xAF00  }
0x120: {  	[hbm4b:s25+s3] =	stream.linear.scatter [tilespmem:s8], [sflag:$0x5], $0x1900, $0x38;
	[tilespmem:$0x1F400] =	vst v63  }
0x121: {  	_ =	swait.ge [sflag:s10], $0x1900  }
0x122: {  	[sflag:s10] =	ssyncset.done $0x0  }
0x123: {  	[sflag:s10] =	ssyncadd.s32 $0xFFFFE700  }
0x124: {  	_ =	swait.ge [sflag:s10], $0x1900  }
0x125: {  	[sflag:s10] =	ssyncset.done $0x0  }
0x126: {  	[sflag:s10] =	ssyncadd.s32 $0xFFFFE700  }
0x127: {  	_ =	swait.ge [sflag:s10], $0x1900  }
0x128: {  	[sflag:s10] =	ssyncset.done $0x0  }
0x129: {  	[sflag:s10] =	ssyncadd.s32 $0xFFFFE700  }
0x12a: {  	_ =	swait.ge [sflag:s10], $0x1900  }
0x12b: {  	[sflag:s10] =	ssyncset.done $0x0  }
0x12c: {  	[sflag:s10] =	ssyncadd.s32 $0xFFFFE700  }
0x12d: {  	[tilespmem:s21], [sflag:$0x3] =	stream.indirect.gather [hbm4b:s1+s11], $0x80, s18, s11, $0xb8;
	[tilespmem:$0x1F400] =	vst v63  }
0x12e: {  	s24 =	sadd.s32 $0x68, s18;
	s25 =	simm.s32 $0x16000  }
0x12f: {  	[tilespmem:s25], [sflag:$0x3] =	stream.indirect.gather [hbm4b:s1+s13], $0x80, s24, s13, $0xb8;
	[tilespmem:$0x1F400] =	vst v63  }
0x130: {  	_ =	swait.ge [sflag:s23], $0x3400  }
0x131: {  	[sflag:s23] =	ssyncset.done $0x0  }
0x132: {  	[sflag:s23] =	ssyncadd.s32 $0xFFFFCC00  }
0x133: {  	_ =	swait.ge [sflag:s23], $0x3000  }
0x134: {  	[sflag:s23] =	ssyncset.done $0x0  }
0x135: {  	s8 =	sadd.s32 $0x4600, s20;
	s22 =	rddreg [dreg:$0x7];
	[sflag:s23] =	ssyncadd.s32 $0xFFFFD000  }
0x136: {  	[hbm4b:s8+s3] =	stream.linear.scatter [tilespmem:s15], [sflag:$0x6], $0x1900, $0x38;
	[tilespmem:$0x1F400] =	vst v63  }
0x137: {  	s25 =	rddreg [dreg:$0x6];
	s22 =	sadd.s32 s19, s22;
	s8 =	simm.s32 $0xE100  }
0x138: {  	[hbm4b:s22+s3] =	stream.linear.scatter [tilespmem:s8], [sflag:$0x6], $0x1900, $0x38;
	[tilespmem:$0x1F400] =	vst v63  }
0x139: {  	s24 =	rddreg [dreg:$0x5];
	s8 =	sadd.s32 s19, s25;
	s25 =	simm.s32 $0xFA00  }
0x13a: {  	[hbm4b:s8+s3] =	stream.linear.scatter [tilespmem:s25], [sflag:$0x6], $0x1900, $0x38;
	[tilespmem:$0x1F400] =	vst v63  }
0x13b: {  	s24 =	sadd.s32 s19, s24;
	s25 =	simm.s32 $0x11300  }
0x13c: {  	[hbm4b:s24+s3] =	stream.linear.scatter [tilespmem:s25], [sflag:$0x6], $0x1900, $0x38;
	[tilespmem:$0x1F400] =	vst v63  }
0x13d: {  	_ =	swait.ge [sflag:s14], $0x1900  }
0x13e: {  	[sflag:s14] =	ssyncset.done $0x0  }
0x13f: {  	[sflag:s14] =	ssyncadd.s32 $0xFFFFE700  }
0x140: {  	_ =	swait.ge [sflag:s14], $0x1900  }
0x141: {  	[sflag:s14] =	ssyncset.done $0x0  }
0x142: {  	[sflag:s14] =	ssyncadd.s32 $0xFFFFE700  }
0x143: {  	_ =	swait.ge [sflag:s14], $0x1900  }
0x144: {  	[sflag:s14] =	ssyncset.done $0x0  }
0x145: {  	[sflag:s14] =	ssyncadd.s32 $0xFFFFE700  }
0x146: {  	_ =	swait.ge [sflag:s14], $0x1900  }
0x147: {  	[sflag:s14] =	ssyncset.done $0x0  }
0x148: {  	s8 =	sadd.s32 $0xC8, s18;
	[sflag:s14] =	ssyncadd.s32 $0xFFFFE700  }
0x149: {  	[tilespmem:s28], [sflag:$0x4] =	stream.indirect.gather [hbm4b:s1+s11], $0x80, s8, s11, $0xb8;
	[tilespmem:$0x1F400] =	vst v63  }
0x14a: {  	s24 =	sadd.s32 $0x130, s18  }
0x14b: {  	[tilespmem:s26], [sflag:$0x4] =	stream.indirect.gather [hbm4b:s1+s13], $0x80, s24, s13, $0xb8;
	[tilespmem:$0x1F400] =	vst v63  }
0x14c: {  	_ =	swait.ge [sflag:s30], $0x3400  }
0x14d: {  	[sflag:s30] =	ssyncset.done $0x0  }
0x14e: {  	[sflag:s30] =	ssyncadd.s32 $0xFFFFCC00  }
0x14f: {  	_ =	swait.ge [sflag:s30], $0x3000  }
0x150: {  	[sflag:s30] =	ssyncset.done $0x0  }
0x151: {  	s25 =	sadd.s32 $0x5400, s20;
	[sflag:s30] =	ssyncadd.s32 $0xFFFFD000  }
0x152: {  	[hbm4b:s25+s3] =	stream.linear.scatter [tilespmem:s21], [sflag:$0x7], $0x1900, $0x38;
	[tilespmem:$0x1F400] =	vst v63  }
0x153: {  	s8 =	sadd.s32 $0x5780, s20;
	s24 =	rddreg [dreg:$0xa]  }
0x154: {  	[hbm4b:s8+s3] =	stream.linear.scatter [tilespmem:s29], [sflag:$0x7], $0x1900, $0x38;
	[tilespmem:$0x1F400] =	vst v63  }
0x155: {  	s25 =	rddreg [dreg:$0x9];
	s8 =	sadd.s32 s19, s24  }
0x156: {  	[hbm4b:s8+s3] =	stream.linear.scatter [tilespmem:s31], [sflag:$0x7], $0x1900, $0x38;
	[tilespmem:$0x1F400] =	vst v63  }
0x157: {  	s24 =	sadd.s32 s19, s25  }
0x158: {  	[hbm4b:s24+s3] =	stream.linear.scatter [tilespmem:s0], [sflag:$0x7], $0x1900, $0x38;
	[tilespmem:$0x1F400] =	vst v63  }
0x159: {  	_ =	swait.ge [sflag:s5], $0x1900  }
0x15a: {  	[sflag:s5] =	ssyncset.done $0x0  }
0x15b: {  	[sflag:s5] =	ssyncadd.s32 $0xFFFFE700  }
0x15c: {  	_ =	swait.ge [sflag:s5], $0x1900  }
0x15d: {  	[sflag:s5] =	ssyncset.done $0x0  }
0x15e: {  	[sflag:s5] =	ssyncadd.s32 $0xFFFFE700  }
0x15f: {  	_ =	swait.ge [sflag:s5], $0x1900  }
0x160: {  	[sflag:s5] =	ssyncset.done $0x0  }
0x161: {  	[sflag:s5] =	ssyncadd.s32 $0xFFFFE700  }
0x162: {  	_ =	swait.ge [sflag:s5], $0x1900  }
0x163: {  	[sflag:s5] =	ssyncset.done $0x0  }
0x164: {  	s8 =	sadd.s32 $0x190, s18;
	[sflag:s5] =	ssyncadd.s32 $0xFFFFE700  }
0x165: {  	[tilespmem:s12], [sflag:$0x1] =	stream.indirect.gather [hbm4b:s1+s11], $0x80, s8, s11, $0xb8;
	[tilespmem:$0x1F400] =	vst v63  }
0x166: {  	s25 =	simm.s32 $0x9800;
	s24 =	sadd.s32 $0x1F8, s18  }
0x167: {  	[tilespmem:s25], [sflag:$0x1] =	stream.indirect.gather [hbm4b:s1+s13], $0x80, s24, s13, $0xb8;
	[tilespmem:$0x1F400] =	vst v63  }
0x168: {  	_ =	swait.ge [sflag:s6], $0x3400  }
0x169: {  	[sflag:s6] =	ssyncset.done $0x0  }
0x16a: {  	[sflag:s6] =	ssyncadd.s32 $0xFFFFCC00  }
0x16b: {  	_ =	swait.ge [sflag:s6], $0x3000  }
0x16c: {  	[sflag:s6] =	ssyncset.done $0x0  }
0x16d: {  	s20 =	sadd.s32 $0x6200, s20;
	s8 =	rddreg [dreg:$0xd];
	[sflag:s6] =	ssyncadd.s32 $0xFFFFD000  }
0x16e: {  	[hbm4b:s20+s3] =	stream.linear.scatter [tilespmem:s28], [sflag:$0x8], $0x1900, $0x38;
	[tilespmem:$0x1F400] =	vst v63  }
0x16f: {  	s24 =	rddreg [dreg:$0xc];
	s8 =	sadd.s32 s19, s8  }
0x170: {  	[hbm4b:s8+s3] =	stream.linear.scatter [tilespmem:s2], [sflag:$0x8], $0x1900, $0x38;
	[tilespmem:$0x1F400] =	vst v63  }
0x171: {  	s22 =	rddreg [dreg:$0xb];
	s8 =	sadd.s32 s19, s24  }
0x172: {  	[hbm4b:s8+s3] =	stream.linear.scatter [tilespmem:s7], [sflag:$0x8], $0x1900, $0x38;
	[tilespmem:$0x1F400] =	vst v63  }
0x173: {  	s19 =	sadd.s32 s19, s22  }
0x174: {  	[hbm4b:s19+s3] =	stream.linear.scatter [tilespmem:s9], [sflag:$0x8], $0x1900, $0x38;
	[tilespmem:$0x1F400] =	vst v63  }
0x175: {  	_ =	swait.ge [sflag:s4], $0x1900  }
0x176: {  	[sflag:s4] =	ssyncset.done $0x0  }
0x177: {  	[sflag:s4] =	ssyncadd.s32 $0xFFFFE700  }
0x178: {  	_ =	swait.ge [sflag:s4], $0x1900  }
0x179: {  	[sflag:s4] =	ssyncset.done $0x0  }
0x17a: {  	[sflag:s4] =	ssyncadd.s32 $0xFFFFE700  }
0x17b: {  	_ =	swait.ge [sflag:s4], $0x1900  }
0x17c: {  	p0 =	sne.s32 s16, $0x65800;
	[sflag:s4] =	ssyncset.done $0x0  }
.Ltmp0:
0x17d: {  	[sflag:s4] =	ssyncadd.s32 $0xFFFFE700;
	(pc) =	sbr.rel @p0 .LBB2_2-.Ltmp0, $4  }
0x17e: {  	_ =	swait.ge [sflag:s4], $0x1900  }
0x17f: {  	s16 =	sadd.s32 $0x3800, s16;
	s24 =	sadd.s32 $0x258, s18;
	[sflag:s4] =	ssyncset.done $0x0  }
0x180: {  	s19 =	sadd.s32 $0x2C0, s18;
	s18 =	sadd.s32 $0x320, s18;
	[sflag:s4] =	ssyncadd.s32 $0xFFFFE700  }
0x181: {  	[tilespmem:s15], [sflag:$0x2] =	stream.indirect.gather [hbm4b:s1+s11], $0x80, s24, s11, $0xb8;
	[tilespmem:$0x1F400] =	vst v63  }
0x182: {  	s16 =	simm.s32 $0xFC00  }
0x183: {  	[tilespmem:s16], [sflag:$0x2] =	stream.indirect.gather [hbm4b:s1+s13], $0x80, s19, s13, $0xb8;
	[tilespmem:$0x1F400] =	vst v63  }
0x184: {  	_ =	swait.ge [sflag:s17], $0x3400  }
0x185: {  	[sflag:s17] =	ssyncset.done $0x0  }
0x186: {  	[sflag:s17] =	ssyncadd.s32 $0xFFFFCC00  }
0x187: {  	_ =	swait.ge [sflag:s17], $0x3000  }
0x188: {  	[sflag:s17] =	ssyncset.done $0x0  }
0x189: {  	s18 =	rddreg [dreg:$0x13];
	[sflag:s17] =	ssyncadd.s32 $0xFFFFD000  }
0x18a: {  	[hbm4b:s18+s3] =	stream.linear.scatter [tilespmem:s12], [sflag:$0x5], $0x1900, $0x38;
	[tilespmem:$0x1F400] =	vst v63  }
0x18b: {  	s19 =	rddreg [dreg:$0x14];
	s18 =	simm.s32 $0x7D00  }
0x18c: {  	[hbm4b:s19+s3] =	stream.linear.scatter [tilespmem:s18], [sflag:$0x5], $0x1900, $0x38;
	[tilespmem:$0x1F400] =	vst v63  }
0x18d: {  	s22 =	simm.s32 $0x9600;
	s20 =	rddreg [dreg:$0x15]  }
0x18e: {  	[hbm4b:s20+s3] =	stream.linear.scatter [tilespmem:s22], [sflag:$0x5], $0x1900, $0x38;
	[tilespmem:$0x1F400] =	vst v63  }
0x18f: {  	s8 =	simm.s32 $0xAF00;
	s24 =	rddreg [dreg:$0x16]  }
0x190: {  	[hbm4b:s24+s3] =	stream.linear.scatter [tilespmem:s8], [sflag:$0x5], $0x1900, $0x38;
	[tilespmem:$0x1F400] =	vst v63  }
0x191: {  	_ =	swait.ge [sflag:s10], $0x1900  }
0x192: {  	[sflag:s10] =	ssyncset.done $0x0  }
0x193: {  	[sflag:s10] =	ssyncadd.s32 $0xFFFFE700  }
0x194: {  	_ =	swait.ge [sflag:s10], $0x1900  }
0x195: {  	[sflag:s10] =	ssyncset.done $0x0  }
0x196: {  	[sflag:s10] =	ssyncadd.s32 $0xFFFFE700  }
0x197: {  	_ =	swait.ge [sflag:s10], $0x1900  }
0x198: {  	[sflag:s10] =	ssyncset.done $0x0  }
0x199: {  	[sflag:s10] =	ssyncadd.s32 $0xFFFFE700  }
0x19a: {  	_ =	swait.ge [sflag:s10], $0x1900  }
0x19b: {  	[sflag:s10] =	ssyncset.done $0x0  }
0x19c: {  	s8 =	simm.s32 $0x6270;
	[sflag:s10] =	ssyncadd.s32 $0xFFFFE700  }
0x19d: {  	[tilespmem:s21], [sflag:$0x3] =	stream.indirect.gather [hbm4b:s1+s11], $0x80, s8, s11, $0xb8;
	[tilespmem:$0x1F400] =	vst v63  }
0x19e: {  	s18 =	simm.s32 $0x16000;
	s19 =	simm.s32 $0x62D8  }
0x19f: {  	[tilespmem:s18], [sflag:$0x3] =	stream.indirect.gather [hbm4b:s1+s13], $0x80, s19, s13, $0xb8;
	[tilespmem:$0x1F400] =	vst v63  }
0x1a0: {  	_ =	swait.ge [sflag:s23], $0x3400  }
0x1a1: {  	[sflag:s23] =	ssyncset.done $0x0  }
0x1a2: {  	[sflag:s23] =	ssyncadd.s32 $0xFFFFCC00  }
0x1a3: {  	_ =	swait.ge [sflag:s23], $0x3000  }
0x1a4: {  	[sflag:s23] =	ssyncset.done $0x0  }
0x1a5: {  	s20 =	rddreg [dreg:$0x17];
	[sflag:s23] =	ssyncadd.s32 $0xFFFFD000  }
0x1a6: {  	[hbm4b:s20+s3] =	stream.linear.scatter [tilespmem:s15], [sflag:$0x6], $0x1900, $0x38;
	[tilespmem:$0x1F400] =	vst v63  }
0x1a7: {  	s24 =	simm.s32 $0xE100;
	s22 =	rddreg [dreg:$0x18]  }
0x1a8: {  	[hbm4b:s22+s3] =	stream.linear.scatter [tilespmem:s24], [sflag:$0x6], $0x1900, $0x38;
	[tilespmem:$0x1F400] =	vst v63  }
0x1a9: {  	s18 =	simm.s32 $0xFA00;
	s8 =	rddreg [dreg:$0x19]  }
0x1aa: {  	[hbm4b:s8+s3] =	stream.linear.scatter [tilespmem:s18], [sflag:$0x6], $0x1900, $0x38;
	[tilespmem:$0x1F400] =	vst v63  }
0x1ab: {  	s19 =	rddreg [dreg:$0x1a];
	s20 =	simm.s32 $0x11300  }
0x1ac: {  	[hbm4b:s19+s3] =	stream.linear.scatter [tilespmem:s20], [sflag:$0x6], $0x1900, $0x38;
	[tilespmem:$0x1F400] =	vst v63  }
0x1ad: {  	_ =	swait.ge [sflag:s14], $0x1900  }
0x1ae: {  	[sflag:s14] =	ssyncset.done $0x0  }
0x1af: {  	[sflag:s14] =	ssyncadd.s32 $0xFFFFE700  }
0x1b0: {  	_ =	swait.ge [sflag:s14], $0x1900  }
0x1b1: {  	[sflag:s14] =	ssyncset.done $0x0  }
0x1b2: {  	[sflag:s14] =	ssyncadd.s32 $0xFFFFE700  }
0x1b3: {  	_ =	swait.ge [sflag:s14], $0x1900  }
0x1b4: {  	[sflag:s14] =	ssyncset.done $0x0  }
0x1b5: {  	[sflag:s14] =	ssyncadd.s32 $0xFFFFE700  }
0x1b6: {  	_ =	swait.ge [sflag:s14], $0x1900  }
0x1b7: {  	[sflag:s14] =	ssyncset.done $0x0  }
0x1b8: {  	s22 =	simm.s32 $0x6338;
	[sflag:s14] =	ssyncadd.s32 $0xFFFFE700  }
0x1b9: {  	[tilespmem:s28], [sflag:$0x4] =	stream.indirect.gather [hbm4b:s1+s11], $0x80, s22, s11, $0xb8;
	[tilespmem:$0x1F400] =	vst v63  }
0x1ba: {  	s24 =	simm.s32 $0x63A0  }
0x1bb: {  	[tilespmem:s26], [sflag:$0x4] =	stream.indirect.gather [hbm4b:s1+s13], $0x80, s24, s13, $0xb8;
	[tilespmem:$0x1F400] =	vst v63  }
0x1bc: {  	_ =	swait.ge [sflag:s30], $0x3400  }
0x1bd: {  	[sflag:s30] =	ssyncset.done $0x0  }
0x1be: {  	[sflag:s30] =	ssyncadd.s32 $0xFFFFCC00  }
0x1bf: {  	_ =	swait.ge [sflag:s30], $0x3000  }
0x1c0: {  	[sflag:s30] =	ssyncset.done $0x0  }
0x1c1: {  	s26 =	rddreg [dreg:$0x1b];
	[sflag:s30] =	ssyncadd.s32 $0xFFFFD000  }
0x1c2: {  	[hbm4b:s26+s3] =	stream.linear.scatter [tilespmem:s21], [sflag:$0x7], $0x1900, $0x38;
	[tilespmem:$0x1F400] =	vst v63  }
0x1c3: {  	s8 =	rddreg [dreg:$0x1c]  }
0x1c4: {  	[hbm4b:s8+s3] =	stream.linear.scatter [tilespmem:s29], [sflag:$0x7], $0x1900, $0x38;
	[tilespmem:$0x1F400] =	vst v63  }
0x1c5: {  	s18 =	rddreg [dreg:$0x1d]  }
0x1c6: {  	[hbm4b:s18+s3] =	stream.linear.scatter [tilespmem:s31], [sflag:$0x7], $0x1900, $0x38;
	[tilespmem:$0x1F400] =	vst v63  }
0x1c7: {  	s19 =	rddreg [dreg:$0x1e]  }
0x1c8: {  	[hbm4b:s19+s3] =	stream.linear.scatter [tilespmem:s0], [sflag:$0x7], $0x1900, $0x38;
	[tilespmem:$0x1F400] =	vst v63  }
0x1c9: {  	_ =	swait.ge [sflag:s5], $0x1900  }
0x1ca: {  	[sflag:s5] =	ssyncset.done $0x0  }
0x1cb: {  	[sflag:s5] =	ssyncadd.s32 $0xFFFFE700  }
0x1cc: {  	_ =	swait.ge [sflag:s5], $0x1900  }
0x1cd: {  	[sflag:s5] =	ssyncset.done $0x0  }
0x1ce: {  	[sflag:s5] =	ssyncadd.s32 $0xFFFFE700  }
0x1cf: {  	_ =	swait.ge [sflag:s5], $0x1900  }
0x1d0: {  	[sflag:s5] =	ssyncset.done $0x0  }
0x1d1: {  	[sflag:s5] =	ssyncadd.s32 $0xFFFFE700  }
0x1d2: {  	_ =	swait.ge [sflag:s5], $0x1900  }
0x1d3: {  	[sflag:s5] =	ssyncset.done $0x0  }
0x1d4: {  	[sflag:s5] =	ssyncadd.s32 $0xFFFFE700  }
0x1d5: {  	_ =	swait.ge [sflag:s6], $0x3400  }
0x1d6: {  	[sflag:s6] =	ssyncset.done $0x0  }
0x1d7: {  	[sflag:s6] =	ssyncadd.s32 $0xFFFFCC00  }
0x1d8: {  	_ =	swait.ge [sflag:s6], $0x3000  }
0x1d9: {  	[sflag:s6] =	ssyncset.done $0x0;
	s20 =	rddreg [dreg:$0x1f]  }
0x1da: {  	s22 =	sld [smem:$0x7EE];
	[sflag:s6] =	ssyncadd.s32 $0xFFFFD000  }
0x1db: {  	[hbm4b:s20+s3] =	stream.linear.scatter [tilespmem:s28], [sflag:$0x8], $0x1900, $0x38;
	[tilespmem:$0x1F400] =	vst v63  }
0x1dc: {  	s24 =	sld [smem:$0x7EF]  }
0x1dd: {  	[hbm4b:s22+s3] =	stream.linear.scatter [tilespmem:s2], [sflag:$0x8], $0x1900, $0x38;
	[tilespmem:$0x1F400] =	vst v63  }
0x1de: {  	s26 =	sld [smem:$0x7F0]  }
0x1df: {  	[hbm4b:s24+s3] =	stream.linear.scatter [tilespmem:s7], [sflag:$0x8], $0x1900, $0x38;
	[tilespmem:$0x1F400] =	vst v63  }
0x1e0: {  	_ = 	snop  }
0x1e1: {  	[hbm4b:s26+s3] =	stream.linear.scatter [tilespmem:s9], [sflag:$0x8], $0x1900, $0x38;
	[tilespmem:$0x1F400] =	vst v63  }
0x1e2: {  	_ =	swait.ge [sflag:s4], $0x1900  }
0x1e3: {  	[sflag:s4] =	ssyncset.done $0x0  }
0x1e4: {  	[sflag:s4] =	ssyncadd.s32 $0xFFFFE700  }
0x1e5: {  	_ =	swait.ge [sflag:s4], $0x1900  }
0x1e6: {  	[sflag:s4] =	ssyncset.done $0x0  }
0x1e7: {  	[sflag:s4] =	ssyncadd.s32 $0xFFFFE700  }
0x1e8: {  	_ =	swait.ge [sflag:s4], $0x1900  }
0x1e9: {  	[sflag:s4] =	ssyncset.done $0x0  }
0x1ea: {  	[sflag:s4] =	ssyncadd.s32 $0xFFFFE700  }
0x1eb: {  	_ =	swait.ge [sflag:s4], $0x1900  }
0x1ec: {  	[sflag:s4] =	ssyncset.done $0x0  }
0x1ed: {  	[sflag:s4] =	ssyncadd.s32 $0xFFFFE700  }
0x1ee: {  	_ =	swait.ge [sflag:s10], $0x1900  }
0x1ef: {  	[sflag:s10] =	ssyncset.done $0x0  }
0x1f0: {  	[sflag:s10] =	ssyncadd.s32 $0xFFFFE700  }
0x1f1: {  	_ =	swait.ge [sflag:s10], $0x1900  }
0x1f2: {  	[sflag:s10] =	ssyncset.done $0x0  }
0x1f3: {  	[sflag:s10] =	ssyncadd.s32 $0xFFFFE700  }
0x1f4: {  	_ =	swait.ge [sflag:s10], $0x1900  }
0x1f5: {  	[sflag:s10] =	ssyncset.done $0x0  }
0x1f6: {  	[sflag:s10] =	ssyncadd.s32 $0xFFFFE700  }
0x1f7: {  	_ =	swait.ge [sflag:s10], $0x1900  }
0x1f8: {  	[sflag:s10] =	ssyncset.done $0x0  }
0x1f9: {  	[sflag:s10] =	ssyncadd.s32 $0xFFFFE700  }
0x1fa: {  	_ =	swait.ge [sflag:s14], $0x1900  }
0x1fb: {  	[sflag:s14] =	ssyncset.done $0x0  }
0x1fc: {  	[sflag:s14] =	ssyncadd.s32 $0xFFFFE700  }
0x1fd: {  	_ =	swait.ge [sflag:s14], $0x1900  }
0x1fe: {  	[sflag:s14] =	ssyncset.done $0x0  }
0x1ff: {  	[sflag:s14] =	ssyncadd.s32 $0xFFFFE700  }
0x200: {  	_ =	swait.ge [sflag:s14], $0x1900  }
0x201: {  	[sflag:s14] =	ssyncset.done $0x0  }
0x202: {  	[sflag:s14] =	ssyncadd.s32 $0xFFFFE700  }
0x203: {  	_ =	swait.ge [sflag:s14], $0x1900  }
0x204: {  	s29 =	sld [smem:$0x7ED]  }
0x205: {  	s31 =	sld [smem:$0x7F1];
	_ =	sdelay $0x1  }
0x206: {  	s0 =	sadd.s32 $0x1, s29  }
0x207: {  	p0 =	sne.s32 s0, s31  }
.Ltmp1:
0x208: {  	_ = 	snop;
	(pc) =	sbr.rel @p0 .LBB2_1-.Ltmp1, $3  }
0x209: {  	_ =	sdelay $0x1  }
0x20a: {  	[sflag:s14] =	ssyncset.done $0x0  }
0x20b: {  	[sflag:s14] =	ssyncadd.s32 $0xFFFFE700  }
0x20c: {  	_ =	sfence.sel $0x180000  }
0x20d: {  	[bflag:$0x0] =	sbarrier.arrive $0xFFFF  }
0x20e: {  	_ =	strace $0x90000047  }
0x20f: {  	s0 =	stileid.u32;
	[bflag:$0x2] =	sbarrier.arrive $0xFFFF  }
0x210: {  	p0 =	sne.s32 s0, $0x0;
	s0 =	rddreg [dreg:$0x3]  }
0x211: {  	s0 =	sadd.s32 @!p0 $0x100000, s0  }
0x212: {  	[sflag:s0] =	ssyncadd.tile.s32 @!p0 $0x1;
	_ =	shalt  }
.Lfunc_end2:
_tile_overlayer_lowered:
.L_overlay_start_2:
0x213: {  	(tag) =	ssettag $0x2  }
0x214: {  	s0 =	rddreg [dreg:$0x0];
	s2 =	stileid.u32  }
0x215: {  	s1 =	rddreg [dreg:$0x1];
	p0 =	sne.s32 s2, $0x0  }
0x216: {  	s3 =	rddreg [dreg:$0x2];
	[bflag:$0x3] =	sbarrier.arrive $0xFFFF;
	s2 =	simm.s32 @!p0 $0x1C09  }
0x217: {  	[timem:s3], [sflag:s2] =	dma.local @!p0 [hbm:s0], s1  }
0x218: {  	s0 =	simm.s32 @!p0 $0x9  }
0x219: {  	_ =	swait.ge @!p0 [sflag:s0], s1  }
0x21a: {  	s1 =	ssub.s32 @!p0 $0x0, s1;
	[sflag:s0] =	ssyncset.done @!p0 $0x0  }
0x21b: {  	[sflag:s0] =	ssyncadd.s32 @!p0 s1  }
0x21c: {  	[bflag:$0x3] =	sbarrier.arrive $0xFFFF  }
0x21d: {  	_ =	shalt  }

</sc_bundles>
